<compile_context>
chip_gen: v7x
topology: tpu7x:2x2x1
jax: 0.10.2.dev20260603
libtpu: 0.0.44.dev20260713+nightly
codegen_flags: <defaults>
</compile_context>

<pallas_src>
import functools

import jax
import jax.numpy as jnp
from jax import lax
from jax.experimental import pallas as pl
from jax.experimental.pallas import tpu as pltpu
from jax.experimental.pallas import tpu_sc as plsc

_N = 15_000_000
_B = 4096
_M = 4096

_GAMMA = 0.8
_TAU_MIN = 0.05
_TAU_MAX = 1.0
_RHO = 6.0
_ETA = 0.03
_BETA_U = 0.9
_GRAD_CLIP = 3.0

_NC = 2
_NS = 16
_NW = _NC * _NS
_BPW = _B // _NW

_CPW = 468_992
_PIECE = 57_344
_CP_FULL = 8
_CP_TAIL = _CPW - _CP_FULL * _PIECE
_CPLAST_TAIL = (_N - (_NW - 1) * _CPW) - _CP_FULL * _PIECE

_SC_SCRATCH = lambda: [
    pltpu.VMEM((_BPW,), jnp.int32),
    pltpu.VMEM((_BPW,), jnp.float32),
    pltpu.VMEM((_BPW,), jnp.float32),
    pltpu.VMEM((_BPW,), jnp.float32),
    pltpu.SemaphoreType.DMA,
    pltpu.SemaphoreType.DMA,
    pltpu.SemaphoreType.DMA,
]


@functools.cache
def _sc_kernels():
    mesh = plsc.VectorSubcoreMesh(core_axis_name="c", subcore_axis_name="s")

    @functools.partial(
        pl.kernel,
        out_type=[jax.ShapeDtypeStruct((_B,), jnp.float32)] * 3,
        mesh=mesh,
        scratch_types=_SC_SCRATCH(),
    )
    def _sc_gather(idx_hbm, s_hbm, t_hbm, u_hbm, so_hbm, to_hbm, uo_hbm,
                   idx_v, sv, tv, uv, sem0, sem1, sem2):
        wid = lax.axis_index("s") * _NC + lax.axis_index("c")
        base = wid * _BPW
        pltpu.sync_copy(idx_hbm.at[pl.ds(base, _BPW)], idx_v)
        c0 = pltpu.async_copy(s_hbm.at[idx_v], sv, sem0)
        c1 = pltpu.async_copy(t_hbm.at[idx_v], tv, sem1)
        c2 = pltpu.async_copy(u_hbm.at[idx_v], uv, sem2)
        c0.wait()
        c1.wait()
        c2.wait()
        pltpu.sync_copy(sv, so_hbm.at[pl.ds(base, _BPW)])
        pltpu.sync_copy(tv, to_hbm.at[pl.ds(base, _BPW)])
        pltpu.sync_copy(uv, uo_hbm.at[pl.ds(base, _BPW)])

    @functools.partial(
        pl.kernel,
        out_type=(),
        mesh=mesh,
        scratch_types=_SC_SCRATCH() + [pltpu.SemaphoreType.DMA],
    )
    def _sc_scatter(idx_hbm, sval_hbm, tval_hbm, uval_hbm, s_hbm, t_hbm, u_hbm,
                    idx_v, sv, tv, uv, sem0, sem1, sem2, sem3):
        wid = lax.axis_index("s") * _NC + lax.axis_index("c")
        base = wid * _BPW
        l0 = pltpu.async_copy(idx_hbm.at[pl.ds(base, _BPW)], idx_v, sem0)
        l1 = pltpu.async_copy(sval_hbm.at[pl.ds(base, _BPW)], sv, sem1)
        l2 = pltpu.async_copy(tval_hbm.at[pl.ds(base, _BPW)], tv, sem2)
        l3 = pltpu.async_copy(uval_hbm.at[pl.ds(base, _BPW)], uv, sem3)
        l0.wait()
        l1.wait()
        l2.wait()
        l3.wait()
        c0 = pltpu.async_copy(sv, s_hbm.at[idx_v], sem0)
        c1 = pltpu.async_copy(tv, t_hbm.at[idx_v], sem1)
        c2 = pltpu.async_copy(uv, u_hbm.at[idx_v], sem2)
        c0.wait()
        c1.wait()
        c2.wait()

    @functools.partial(
        pl.kernel,
        out_type=[jax.ShapeDtypeStruct((_N,), jnp.float32)] * 2,
        mesh=mesh,
        scratch_types=[
            pltpu.VMEM((_PIECE,), jnp.float32),
            pltpu.VMEM((_PIECE,), jnp.float32),
            pltpu.SemaphoreType.DMA,
            pltpu.SemaphoreType.DMA,
            pltpu.SemaphoreType.DMA,
            pltpu.SemaphoreType.DMA,
        ],
    )
    def _sc_copy(t_hbm, u_hbm, to_hbm, uo_hbm,
                 buf0, buf1, sem_in0, sem_in1, sem_out0, sem_out1):
        wid = lax.axis_index("s") * _NC + lax.axis_index("c")
        base = wid * _CPW
        bufs = (buf0, buf1)
        sems_in = (sem_in0, sem_in1)
        sems_out = (sem_out0, sem_out1)

        def _copy_range(src, dst, tail):
            def dma_in(p, size):
                return pltpu.make_async_copy(
                    src.at[pl.ds(base + p * _PIECE, size)],
                    bufs[p % 2].at[pl.ds(0, size)], sems_in[p % 2])

            def dma_out(p, size):
                return pltpu.make_async_copy(
                    bufs[p % 2].at[pl.ds(0, size)],
                    dst.at[pl.ds(base + p * _PIECE, size)], sems_out[p % 2])

            sizes = [_PIECE] * _CP_FULL + [tail]
            last = len(sizes) - 1
            dma_in(0, sizes[0]).start()
            for p, sz in enumerate(sizes):
                dma_in(p, sz).wait()
                dma_out(p, sz).start()
                if p >= 1:
                    dma_out(p - 1, sizes[p - 1]).wait()
                if p + 1 <= last:
                    dma_in(p + 1, sizes[p + 1]).start()
            dma_out(last, sizes[last]).wait()

        for src, dst in ((t_hbm, to_hbm), (u_hbm, uo_hbm)):
            @pl.when(wid < _NW - 1)
            def _main(src=src, dst=dst):
                _copy_range(src, dst, _CP_TAIL)

            @pl.when(wid == _NW - 1)
            def _last(src=src, dst=dst):
                _copy_range(src, dst, _CPLAST_TAIL)

    return _sc_gather, _sc_scatter, _sc_copy


_GRID = 8
_RB = _B // _GRID


def _tc_compute_body(lg_ref, sg_ref, tg_ref, ug_ref,
                     sv_ref, uv_ref, tv_ref, loss_ref, gt_ref, ta_ref):
    i = pl.program_id(0)
    lg = lg_ref[...]
    pos = lg[:, 0:1]
    diff = lg - pos
    tau_b = tg_ref[...]
    inv_tau = 1.0 / tau_b
    dt = diff * inv_tau
    e = jnp.exp(dt)
    ones = jnp.ones((_M, 1), dtype=jnp.float32)
    s0 = jnp.dot(e, ones, preferred_element_type=jnp.float32)
    s1 = jnp.dot(e * diff, ones, preferred_element_type=jnp.float32)
    g = s0 * (1.0 / _M)
    s_new = (1.0 - _GAMMA) * sg_ref[...] + _GAMMA * g
    denom = _M * s_new
    loss_row = s1 / denom
    gt_row = jnp.log(s_new) + _RHO - loss_row * inv_tau
    gt_row = jnp.clip(gt_row, -_GRAD_CLIP, _GRAD_CLIP)
    u_new = (1.0 - _BETA_U) * ug_ref[...] + _BETA_U * gt_row
    t_new = jnp.clip(tau_b - _ETA * u_new, _TAU_MIN, _TAU_MAX)
    sv_ref[...] = s_new
    uv_ref[...] = u_new
    tv_ref[...] = t_new
    lp = jnp.sum(loss_row).reshape(1, 1)
    gp = jnp.sum(gt_row).reshape(1, 1)
    tp = jnp.sum(tau_b).reshape(1, 1)

    @pl.when(i == 0)
    def _init():
        loss_ref[...] = lp
        gt_ref[...] = gp
        ta_ref[...] = tp

    @pl.when(i > 0)
    def _acc():
        loss_ref[...] += lp
        gt_ref[...] += gp
        ta_ref[...] += tp


def _tc_compute(logits, s_g, tau_g, u_g):
    grid = _B // _RB
    col = pl.BlockSpec((_RB, 1), lambda i: (i, 0))
    scalar = pl.BlockSpec((1, 1), lambda i: (0, 0))
    return pl.pallas_call(
        _tc_compute_body,
        grid=(grid,),
        in_specs=[
            pl.BlockSpec((_RB, _M), lambda i: (i, 0)),
            col, col, col,
        ],
        out_specs=[col, col, col, scalar, scalar, scalar],
        out_shape=[jax.ShapeDtypeStruct((_B, 1), jnp.float32)] * 3
        + [jax.ShapeDtypeStruct((1, 1), jnp.float32)] * 3,
    )(logits, s_g.reshape(_B, 1), tau_g.reshape(_B, 1), u_g.reshape(_B, 1))


_CHUNK = 524_288

def _tc_copy_body(s_ref, so_ref):
    so_ref[...] = s_ref[...]


def _tc_copy(x):
    grid = pl.cdiv(_N, _CHUNK)
    spec = pl.BlockSpec((_CHUNK,), lambda i: (i,))
    return pl.pallas_call(
        _tc_copy_body,
        grid=(grid,),
        in_specs=[spec],
        out_specs=spec,
        out_shape=jax.ShapeDtypeStruct((_N,), jnp.float32),
    )(x)


def kernel(index, logits, s, tau, u):
    _sc_gather, _sc_scatter, _sc_copy = _sc_kernels()
    s_g, tau_g, u_g = _sc_gather(index, s, tau, u)
    tau_c, u_c = _sc_copy(tau, u)
    sv, uv, tv, loss_acc, gt_acc, ta_acc = _tc_compute(logits, s_g, tau_g, u_g)
    s_c = _tc_copy(s)

    s_ref = jax.new_ref(s_c)
    tau_ref = jax.new_ref(tau_c)
    u_ref = jax.new_ref(u_c)
    _sc_scatter(index, sv.reshape(_B), tv.reshape(_B), uv.reshape(_B),
                s_ref, tau_ref, u_ref)
    s_new = s_ref[...]
    tau_new = tau_ref[...]
    u_new = u_ref[...]

    inv_b = jnp.float32(1.0 / _B)
    mean_loss = loss_acc[0, 0] * inv_b
    avg_tau = ta_acc[0, 0] * inv_b
    mean_gt = gt_acc[0, 0] * inv_b
    eta = jnp.float32(_ETA)
    return (mean_loss, avg_tau, eta, mean_gt, s_new, u_new, tau_new)

# --- scband reference (transcript-rebuilt; emitter-appended) ---
"""Pipeline reference for scband-sog-clr-dro-m-loss-69020124447273 (READ-ONLY COPY).

The authoritative reference and input builder live on the scoring server;
editing this copy changes nothing except your own understanding.
"""

import jax, jax.numpy as jnp
import numpy as np

N = 15000000
B = 4096
M = 4096

GAMMA = 0.8
TAU_INIT = 0.07
TAU_MIN = 0.05
TAU_MAX = 1.0
RHO = 6.0
ETA_INIT = 0.03
BETA_U = 0.9
GRAD_CLIP = 3.0


def setup_inputs(seed: int = 0) -> dict:
    key = jax.random.key(seed)
    k1, k2 = jax.random.split(key)
    index = jax.random.randint(k1, (B,), 0, N)
    logits = jax.random.normal(k2, (B, M), dtype=jnp.float32)
    s = jnp.zeros((N,), dtype=jnp.float32)
    tau = jnp.ones((N,), dtype=jnp.float32) * TAU_INIT
    u = jnp.zeros((N,), dtype=jnp.float32)
    return {"index": index, "logits": logits, "s": s, "tau": tau, "u": u}


def reference(index, logits, s, tau, u):
    pos_logits = logits[:, 0][:, None]
    tau_b = tau[index][:, None]
    logits_diff = logits - pos_logits
    # .detach() in torch -> stop_gradient in jax
    logits_diff_temp = jax.lax.stop_gradient(logits_diff / tau_b)
    exp_logits_diff_temp = jnp.exp(logits_diff_temp)
    g = jnp.mean(exp_logits_diff_temp, axis=1, keepdims=True)
    # s[index] = (1-gamma)*s[index] + gamma*g  (gather + scatter-overwrite)
    s_new_vals = (1.0 - GAMMA) * s[index] + GAMMA * jnp.squeeze(g, axis=1)
    s_new = s.at[index].set(s_new_vals)
    weights = exp_logits_diff_temp / s_new_vals[:, None]
    loss = jnp.mean(weights * logits_diff, axis=1, keepdims=True)
    grad_tau = jnp.log(s_new_vals) + RHO - jnp.mean(weights * logits_diff_temp, axis=1)
    grad_tau = jnp.clip(grad_tau, -GRAD_CLIP, GRAD_CLIP)
    # u[index] = (1-beta_u)*u[index] + beta_u*grad_tau
    u_new_vals = (1.0 - BETA_U) * u[index] + BETA_U * grad_tau
    u_new = u.at[index].set(u_new_vals)
    eta_cur = ETA_INIT  # eta_sched == 'const'
    tau_new_vals = jnp.clip(tau[index] - eta_cur * u_new_vals, TAU_MIN, TAU_MAX)
    tau_new = tau.at[index].set(tau_new_vals)
    avg_tau = jnp.mean(tau_b)
    return (jnp.mean(loss), avg_tau, jnp.float32(eta_cur), jnp.mean(grad_tau), s_new, u_new, tau_new)

if __name__ == "__main__":
    import jax
    _d = setup_inputs()
    print(jax.jit(kernel)(*tuple(_d.values())))

</pallas_src>

<mosaic_0001>
#map = affine_map<(d0, d1) -> (0)>
module attributes {stable_mosaic.version = 14 : i64} {
  func.func @_sc_gather(%arg0: i32, %arg1: i32, %arg2: memref<4096xi32, #tpu.memory_space<hbm>>, %arg3: memref<15000000xf32, #tpu.memory_space<hbm>>, %arg4: memref<15000000xf32, #tpu.memory_space<hbm>>, %arg5: memref<15000000xf32, #tpu.memory_space<hbm>>, %arg6: memref<4096xf32, #tpu.memory_space<hbm>>, %arg7: memref<4096xf32, #tpu.memory_space<hbm>>, %arg8: memref<4096xf32, #tpu.memory_space<hbm>>, %arg9: memref<128xi32, #tpu.memory_space<vmem>>, %arg10: memref<128xf32, #tpu.memory_space<vmem>>, %arg11: memref<128xf32, #tpu.memory_space<vmem>>, %arg12: memref<128xf32, #tpu.memory_space<vmem>>, %arg13: memref<!tpu.dma_semaphore, #tpu.memory_space<semaphore_mem>>, %arg14: memref<!tpu.dma_semaphore, #tpu.memory_space<semaphore_mem>>, %arg15: memref<!tpu.dma_semaphore, #tpu.memory_space<semaphore_mem>>) attributes {dimension_semantics = [#tpu.dimension_semantics<core_parallel>, #tpu.dimension_semantics<subcore_parallel>], iteration_bounds = array<i64: 2, 16>, scalar_prefetch = 0 : i64, scratch_operands = 7 : i64, tpu.core_type = #tpu.core_type<sc_vector_subcore>, window_params = [{transform_indices = #map}, {transform_indices = #map}, {transform_indices = #map}, {transform_indices = #map}, {transform_indices = #map}, {transform_indices = #map}, {transform_indices = #map}]} {
    %mul3A = arith.constant 2 : i32
    %mul3A_0 = arith.muli %arg1, %mul3A : i32
    %add3A = arith.addi %mul3A_0, %arg0 : i32
    %mul3A_1 = arith.constant 128 : i32
    %mul3A_2 = arith.muli %add3A, %mul3A_1 : i32
    "tpu.region"() ({
      %run_scoped3A = tpu.sem_alloc : memref<!tpu.dma_semaphore, #tpu.memory_space<semaphore_mem>>
      %dma_start3A_13 = tpu.memref_slice %arg2[%mul3A_2] : memref<4096xi32, #tpu.memory_space<hbm>> -> memref<128xi32, #tpu.memory_space<hbm>>
      %dma_start3A_14 = tpu.memref_slice %arg2[%mul3A_2] : memref<4096xi32, #tpu.memory_space<hbm>> -> memref<128xi32, #tpu.memory_space<hbm>>
      tpu.enqueue_dma source(%dma_start3A_14 : memref<128xi32, #tpu.memory_space<hbm>>) target(%arg9 : memref<128xi32, #tpu.memory_space<vmem>>) target_semaphore(%run_scoped3A : memref<!tpu.dma_semaphore, #tpu.memory_space<semaphore_mem>>)
      %dma_wait3A_15 = tpu.memref_slice %arg2[%mul3A_2] : memref<4096xi32, #tpu.memory_space<hbm>> -> memref<128xi32, #tpu.memory_space<hbm>>
      %dma_wait3A_16 = tpu.memref_slice %arg2[%mul3A_2] : memref<4096xi32, #tpu.memory_space<hbm>> -> memref<128xi32, #tpu.memory_space<hbm>>
      tpu.wait_dma2 semaphore(%run_scoped3A : memref<!tpu.dma_semaphore, #tpu.memory_space<semaphore_mem>>) src(%dma_wait3A_16 : memref<128xi32, #tpu.memory_space<hbm>>) dst(%arg9 : memref<128xi32, #tpu.memory_space<vmem>>)
      tpu.yield
    }) : () -> ()
    %dma_start3A = arith.constant 0 : i32
    %dma_start3A_3 = tpu.memref_slice %arg3[%dma_start3A] : memref<15000000xf32, #tpu.memory_space<hbm>> -> memref<15000000xf32, #tpu.memory_space<hbm>>
    tpu.enqueue_indirect_dma source(%dma_start3A_3 : memref<15000000xf32, #tpu.memory_space<hbm>>) target(%arg10 : memref<128xf32, #tpu.memory_space<vmem>>) offsets(%arg9 : memref<128xi32, #tpu.memory_space<vmem>>) semaphore(%arg13 : memref<!tpu.dma_semaphore, #tpu.memory_space<semaphore_mem>>)
    %dma_start3A_4 = arith.constant 0 : i32
    %dma_start3A_5 = tpu.memref_slice %arg4[%dma_start3A_4] : memref<15000000xf32, #tpu.memory_space<hbm>> -> memref<15000000xf32, #tpu.memory_space<hbm>>
    tpu.enqueue_indirect_dma source(%dma_start3A_5 : memref<15000000xf32, #tpu.memory_space<hbm>>) target(%arg11 : memref<128xf32, #tpu.memory_space<vmem>>) offsets(%arg9 : memref<128xi32, #tpu.memory_space<vmem>>) semaphore(%arg14 : memref<!tpu.dma_semaphore, #tpu.memory_space<semaphore_mem>>)
    %dma_start3A_6 = arith.constant 0 : i32
    %dma_start3A_7 = tpu.memref_slice %arg5[%dma_start3A_6] : memref<15000000xf32, #tpu.memory_space<hbm>> -> memref<15000000xf32, #tpu.memory_space<hbm>>
    tpu.enqueue_indirect_dma source(%dma_start3A_7 : memref<15000000xf32, #tpu.memory_space<hbm>>) target(%arg12 : memref<128xf32, #tpu.memory_space<vmem>>) offsets(%arg9 : memref<128xi32, #tpu.memory_space<vmem>>) semaphore(%arg15 : memref<!tpu.dma_semaphore, #tpu.memory_space<semaphore_mem>>)
    %dma_wait3A = arith.constant 0 : i32
    %dma_wait3A_8 = tpu.memref_slice %arg3[%dma_wait3A] : memref<15000000xf32, #tpu.memory_space<hbm>> -> memref<15000000xf32, #tpu.memory_space<hbm>>
    tpu.wait_indirect_dma semaphore(%arg13 : memref<!tpu.dma_semaphore, #tpu.memory_space<semaphore_mem>>) src(%dma_wait3A_8 : memref<15000000xf32, #tpu.memory_space<hbm>>) dst(%arg10 : memref<128xf32, #tpu.memory_space<vmem>>)
    %dma_wait3A_9 = arith.constant 0 : i32
    %dma_wait3A_10 = tpu.memref_slice %arg4[%dma_wait3A_9] : memref<15000000xf32, #tpu.memory_space<hbm>> -> memref<15000000xf32, #tpu.memory_space<hbm>>
    tpu.wait_indirect_dma semaphore(%arg14 : memref<!tpu.dma_semaphore, #tpu.memory_space<semaphore_mem>>) src(%dma_wait3A_10 : memref<15000000xf32, #tpu.memory_space<hbm>>) dst(%arg11 : memref<128xf32, #tpu.memory_space<vmem>>)
    %dma_wait3A_11 = arith.constant 0 : i32
    %dma_wait3A_12 = tpu.memref_slice %arg5[%dma_wait3A_11] : memref<15000000xf32, #tpu.memory_space<hbm>> -> memref<15000000xf32, #tpu.memory_space<hbm>>
    tpu.wait_indirect_dma semaphore(%arg15 : memref<!tpu.dma_semaphore, #tpu.memory_space<semaphore_mem>>) src(%dma_wait3A_12 : memref<15000000xf32, #tpu.memory_space<hbm>>) dst(%arg12 : memref<128xf32, #tpu.memory_space<vmem>>)
    "tpu.region"() ({
      %run_scoped3A = tpu.sem_alloc : memref<!tpu.dma_semaphore, #tpu.memory_space<semaphore_mem>>
      %dma_start3A_13 = tpu.memref_slice %arg6[%mul3A_2] : memref<4096xf32, #tpu.memory_space<hbm>> -> memref<128xf32, #tpu.memory_space<hbm>>
      %dma_start3A_14 = tpu.memref_slice %arg6[%mul3A_2] : memref<4096xf32, #tpu.memory_space<hbm>> -> memref<128xf32, #tpu.memory_space<hbm>>
      tpu.enqueue_dma source(%arg10 : memref<128xf32, #tpu.memory_space<vmem>>) target(%dma_start3A_14 : memref<128xf32, #tpu.memory_space<hbm>>) target_semaphore(%run_scoped3A : memref<!tpu.dma_semaphore, #tpu.memory_space<semaphore_mem>>)
      %dma_wait3A_15 = tpu.memref_slice %arg6[%mul3A_2] : memref<4096xf32, #tpu.memory_space<hbm>> -> memref<128xf32, #tpu.memory_space<hbm>>
      %dma_wait3A_16 = tpu.memref_slice %arg6[%mul3A_2] : memref<4096xf32, #tpu.memory_space<hbm>> -> memref<128xf32, #tpu.memory_space<hbm>>
      tpu.wait_dma2 semaphore(%run_scoped3A : memref<!tpu.dma_semaphore, #tpu.memory_space<semaphore_mem>>) src(%arg10 : memref<128xf32, #tpu.memory_space<vmem>>) dst(%dma_wait3A_16 : memref<128xf32, #tpu.memory_space<hbm>>)
      tpu.yield
    }) : () -> ()
    "tpu.region"() ({
      %run_scoped3A = tpu.sem_alloc : memref<!tpu.dma_semaphore, #tpu.memory_space<semaphore_mem>>
      %dma_start3A_13 = tpu.memref_slice %arg7[%mul3A_2] : memref<4096xf32, #tpu.memory_space<hbm>> -> memref<128xf32, #tpu.memory_space<hbm>>
      %dma_start3A_14 = tpu.memref_slice %arg7[%mul3A_2] : memref<4096xf32, #tpu.memory_space<hbm>> -> memref<128xf32, #tpu.memory_space<hbm>>
      tpu.enqueue_dma source(%arg11 : memref<128xf32, #tpu.memory_space<vmem>>) target(%dma_start3A_14 : memref<128xf32, #tpu.memory_space<hbm>>) target_semaphore(%run_scoped3A : memref<!tpu.dma_semaphore, #tpu.memory_space<semaphore_mem>>)
      %dma_wait3A_15 = tpu.memref_slice %arg7[%mul3A_2] : memref<4096xf32, #tpu.memory_space<hbm>> -> memref<128xf32, #tpu.memory_space<hbm>>
      %dma_wait3A_16 = tpu.memref_slice %arg7[%mul3A_2] : memref<4096xf32, #tpu.memory_space<hbm>> -> memref<128xf32, #tpu.memory_space<hbm>>
      tpu.wait_dma2 semaphore(%run_scoped3A : memref<!tpu.dma_semaphore, #tpu.memory_space<semaphore_mem>>) src(%arg11 : memref<128xf32, #tpu.memory_space<vmem>>) dst(%dma_wait3A_16 : memref<128xf32, #tpu.memory_space<hbm>>)
      tpu.yield
    }) : () -> ()
    "tpu.region"() ({
      %run_scoped3A = tpu.sem_alloc : memref<!tpu.dma_semaphore, #tpu.memory_space<semaphore_mem>>
      %dma_start3A_13 = tpu.memref_slice %arg8[%mul3A_2] : memref<4096xf32, #tpu.memory_space<hbm>> -> memref<128xf32, #tpu.memory_space<hbm>>
      %dma_start3A_14 = tpu.memref_slice %arg8[%mul3A_2] : memref<4096xf32, #tpu.memory_space<hbm>> -> memref<128xf32, #tpu.memory_space<hbm>>
      tpu.enqueue_dma source(%arg12 : memref<128xf32, #tpu.memory_space<vmem>>) target(%dma_start3A_14 : memref<128xf32, #tpu.memory_space<hbm>>) target_semaphore(%run_scoped3A : memref<!tpu.dma_semaphore, #tpu.memory_space<semaphore_mem>>)
      %dma_wait3A_15 = tpu.memref_slice %arg8[%mul3A_2] : memref<4096xf32, #tpu.memory_space<hbm>> -> memref<128xf32, #tpu.memory_space<hbm>>
      %dma_wait3A_16 = tpu.memref_slice %arg8[%mul3A_2] : memref<4096xf32, #tpu.memory_space<hbm>> -> memref<128xf32, #tpu.memory_space<hbm>>
      tpu.wait_dma2 semaphore(%run_scoped3A : memref<!tpu.dma_semaphore, #tpu.memory_space<semaphore_mem>>) src(%arg12 : memref<128xf32, #tpu.memory_space<vmem>>) dst(%dma_wait3A_16 : memref<128xf32, #tpu.memory_space<hbm>>)
      tpu.yield
    }) : () -> ()
    return
  }
}

#map = affine_map<(d0, d1) -> (0)>
module attributes {stable_mosaic.version = 14 : i64} {
  func.func @_sc_copy(%arg0: i32, %arg1: i32, %arg2: memref<15000000xf32, #tpu.memory_space<hbm>>, %arg3: memref<15000000xf32, #tpu.memory_space<hbm>>, %arg4: memref<15000000xf32, #tpu.memory_space<hbm>>, %arg5: memref<15000000xf32, #tpu.memory_space<hbm>>, %arg6: memref<57344xf32, #tpu.memory_space<vmem>>, %arg7: memref<57344xf32, #tpu.memory_space<vmem>>, %arg8: memref<!tpu.dma_semaphore, #tpu.memory_space<semaphore_mem>>, %arg9: memref<!tpu.dma_semaphore, #tpu.memory_space<semaphore_mem>>, %arg10: memref<!tpu.dma_semaphore, #tpu.memory_space<semaphore_mem>>, %arg11: memref<!tpu.dma_semaphore, #tpu.memory_space<semaphore_mem>>) attributes {dimension_semantics = [#tpu.dimension_semantics<core_parallel>, #tpu.dimension_semantics<subcore_parallel>], iteration_bounds = array<i64: 2, 16>, scalar_prefetch = 0 : i64, scratch_operands = 6 : i64, tpu.core_type = #tpu.core_type<sc_vector_subcore>, window_params = [{transform_indices = #map}, {transform_indices = #map}, {transform_indices = #map}, {transform_indices = #map}]} {
    %mul3A = arith.constant 2 : i32
    %mul3A_0 = arith.muli %arg1, %mul3A : i32
    %add3A = arith.addi %mul3A_0, %arg0 : i32
    %mul3A_1 = arith.constant 468992 : i32
    %mul3A_2 = arith.muli %add3A, %mul3A_1 : i32
    %lt3A = arith.constant 31 : i32
    %lt3A_3 = arith.cmpi slt, %add3A, %lt3A : i32
    %convert_element_type3A = arith.extui %lt3A_3 : i1 to i32
    %cond3A = arith.constant 0 : i32
    %cond3A_4 = arith.cmpi ne, %convert_element_type3A, %cond3A : i32
    scf.if %cond3A_4 {
      %add3A_19 = arith.constant 0 : i32
      %add3A_20 = arith.addi %mul3A_2, %add3A_19 : i32
      %dma_start3A = arith.constant 0 : i32
      %dma_start3A_21 = tpu.memref_slice %arg6[%dma_start3A] : memref<57344xf32, #tpu.memory_space<vmem>> -> memref<57344xf32, #tpu.memory_space<vmem>>
      %dma_start3A_22 = tpu.memref_slice %arg2[%add3A_20] : memref<15000000xf32, #tpu.memory_space<hbm>> -> memref<57344xf32, #tpu.memory_space<hbm>>
      %dma_start3A_23 = arith.constant 0 : i32
      %dma_start3A_24 = tpu.memref_slice %arg6[%dma_start3A_23] : memref<57344xf32, #tpu.memory_space<vmem>> -> memref<57344xf32, #tpu.memory_space<vmem>>
      %dma_start3A_25 = tpu.memref_slice %arg2[%add3A_20] : memref<15000000xf32, #tpu.memory_space<hbm>> -> memref<57344xf32, #tpu.memory_space<hbm>>
      tpu.enqueue_dma source(%dma_start3A_25 : memref<57344xf32, #tpu.memory_space<hbm>>) target(%dma_start3A_24 : memref<57344xf32, #tpu.memory_space<vmem>>) target_semaphore(%arg8 : memref<!tpu.dma_semaphore, #tpu.memory_space<semaphore_mem>>)
      %add3A_26 = arith.constant 0 : i32
      %add3A_27 = arith.addi %mul3A_2, %add3A_26 : i32
      %dma_wait3A = arith.constant 0 : i32
      %dma_wait3A_28 = tpu.memref_slice %arg6[%dma_wait3A] : memref<57344xf32, #tpu.memory_space<vmem>> -> memref<57344xf32, #tpu.memory_space<vmem>>
      %dma_wait3A_29 = tpu.memref_slice %arg2[%add3A_27] : memref<15000000xf32, #tpu.memory_space<hbm>> -> memref<57344xf32, #tpu.memory_space<hbm>>
      %dma_wait3A_30 = arith.constant 0 : i32
      %dma_wait3A_31 = tpu.memref_slice %arg6[%dma_wait3A_30] : memref<57344xf32, #tpu.memory_space<vmem>> -> memref<57344xf32, #tpu.memory_space<vmem>>
      %dma_wait3A_32 = tpu.memref_slice %arg2[%add3A_27] : memref<15000000xf32, #tpu.memory_space<hbm>> -> memref<57344xf32, #tpu.memory_space<hbm>>
      tpu.wait_dma2 semaphore(%arg8 : memref<!tpu.dma_semaphore, #tpu.memory_space<semaphore_mem>>) src(%dma_wait3A_32 : memref<57344xf32, #tpu.memory_space<hbm>>) dst(%dma_wait3A_31 : memref<57344xf32, #tpu.memory_space<vmem>>)
      %add3A_33 = arith.constant 0 : i32
      %add3A_34 = arith.addi %mul3A_2, %add3A_33 : i32
      %dma_start3A_35 = arith.constant 0 : i32
      %dma_start3A_36 = tpu.memref_slice %arg6[%dma_start3A_35] : memref<57344xf32, #tpu.memory_space<vmem>> -> memref<57344xf32, #tpu.memory_space<vmem>>
      %dma_start3A_37 = tpu.memref_slice %arg4[%add3A_34] : memref<15000000xf32, #tpu.memory_space<hbm>> -> memref<57344xf32, #tpu.memory_space<hbm>>
      %dma_start3A_38 = tpu.memref_slice %arg4[%add3A_34] : memref<15000000xf32, #tpu.memory_space<hbm>> -> memref<57344xf32, #tpu.memory_space<hbm>>
      %dma_start3A_39 = arith.constant 0 : i32
      %dma_start3A_40 = tpu.memref_slice %arg6[%dma_start3A_39] : memref<57344xf32, #tpu.memory_space<vmem>> -> memref<57344xf32, #tpu.memory_space<vmem>>
      tpu.enqueue_dma source(%dma_start3A_40 : memref<57344xf32, #tpu.memory_space<vmem>>) target(%dma_start3A_38 : memref<57344xf32, #tpu.memory_space<hbm>>) target_semaphore(%arg10 : memref<!tpu.dma_semaphore, #tpu.memory_space<semaphore_mem>>)
      %add3A_41 = arith.constant 57344 : i32
      %add3A_42 = arith.addi %mul3A_2, %add3A_41 : i32
      %dma_start3A_43 = arith.constant 0 : i32
      %dma_start3A_44 = tpu.memref_slice %arg7[%dma_start3A_43] : memref<57344xf32, #tpu.memory_space<vmem>> -> memref<57344xf32, #tpu.memory_space<vmem>>
      %dma_start3A_45 = tpu.memref_slice %arg2[%add3A_42] : memref<15000000xf32, #tpu.memory_space<hbm>> -> memref<57344xf32, #tpu.memory_space<hbm>>
      %dma_start3A_46 = arith.constant 0 : i32
      %dma_start3A_47 = tpu.memref_slice %arg7[%dma_start3A_46] : memref<57344xf32, #tpu.memory_space<vmem>> -> memref<57344xf32, #tpu.memory_space<vmem>>
      %dma_start3A_48 = tpu.memref_slice %arg2[%add3A_42] : memref<15000000xf32, #tpu.memory_space<hbm>> -> memref<57344xf32, #tpu.memory_space<hbm>>
      tpu.enqueue_dma source(%dma_start3A_48 : memref<57344xf32, #tpu.memory_space<hbm>>) target(%dma_start3A_47 : memref<57344xf32, #tpu.memory_space<vmem>>) target_semaphore(%arg9 : memref<!tpu.dma_semaphore, #tpu.memory_space<semaphore_mem>>)
      %add3A_49 = arith.constant 57344 : i32
      %add3A_50 = arith.addi %mul3A_2, %add3A_49 : i32
      %dma_wait3A_51 = arith.constant 0 : i32
      %dma_wait3A_52 = tpu.memref_slice %arg7[%dma_wait3A_51] : memref<57344xf32, #tpu.memory_space<vmem>> -> memref<57344xf32, #tpu.memory_space<vmem>>
      %dma_wait3A_53 = tpu.memref_slice %arg2[%add3A_50] : memref<15000000xf32, #tpu.memory_space<hbm>> -> memref<57344xf32, #tpu.memory_space<hbm>>
      %dma_wait3A_54 = arith.constant 0 : i32
      %dma_wait3A_55 = tpu.memref_slice %arg7[%dma_wait3A_54] : memref<57344xf32, #tpu.memory_space<vmem>> -> memref<57344xf32, #tpu.memory_space<vmem>>
      %dma_wait3A_56 = tpu.memref_slice %arg2[%add3A_50] : memref<15000000xf32, #tpu.memory_space<hbm>> -> memref<57344xf32, #tpu.memory_space<hbm>>
      tpu.wait_dma2 semaphore(%arg9 : memref<!tpu.dma_semaphore, #tpu.memory_space<semaphore_mem>>) src(%dma_wait3A_56 : memref<57344xf32, #tpu.memory_space<hbm>>) dst(%dma_wait3A_55 : memref<57344xf32, #tpu.memory_space<vmem>>)
      %add3A_57 = arith.constant 57344 : i32
      %add3A_58 = arith.addi %mul3A_2, %add3A_57 : i32
      %dma_start3A_59 = arith.constant 0 : i32
      %dma_start3A_60 = tpu.memref_slice %arg7[%dma_start3A_59] : memref<57344xf32, #tpu.memory_space<vmem>> -> memref<57344xf32, #tpu.memory_space<vmem>>
      %dma_start3A_61 = tpu.memref_slice %arg4[%add3A_58] : memref<15000000xf32, #tpu.memory_space<hbm>> -> memref<57344xf32, #tpu.memory_space<hbm>>
      %dma_start3A_62 = tpu.memref_slice %arg4[%add3A_58] : memref<15000000xf32, #tpu.memory_space<hbm>> -> memref<57344xf32, #tpu.memory_space<hbm>>
      %dma_start3A_63 = arith.constant 0 : i32
      %dma_start3A_64 = tpu.memref_slice %arg7[%dma_start3A_63] : memref<57344xf32, #tpu.memory_space<vmem>> -> memref<57344xf32, #tpu.memory_space<vmem>>
      tpu.enqueue_dma source(%dma_start3A_64 : memref<57344xf32, #tpu.memory_space<vmem>>) target(%dma_start3A_62 : memref<57344xf32, #tpu.memory_space<hbm>>) target_semaphore(%arg11 : memref<!tpu.dma_semaphore, #tpu.memory_space<semaphore_mem>>)
      %add3A_65 = arith.constant 0 : i32
      %add3A_66 = arith.addi %mul3A_2, %add3A_65 : i32
      %dma_wait3A_67 = arith.constant 0 : i32
      %dma_wait3A_68 = tpu.memref_slice %arg6[%dma_wait3A_67] : memref<57344xf32, #tpu.memory_space<vmem>> -> memref<57344xf32, #tpu.memory_space<vmem>>
      %dma_wait3A_69 = tpu.memref_slice %arg4[%add3A_66] : memref<15000000xf32, #tpu.memory_space<hbm>> -> memref<57344xf32, #tpu.memory_space<hbm>>
      %dma_wait3A_70 = tpu.memref_slice %arg4[%add3A_66] : memref<15000000xf32, #tpu.memory_space<hbm>> -> memref<57344xf32, #tpu.memory_space<hbm>>
      %dma_wait3A_71 = arith.constant 0 : i32
      %dma_wait3A_72 = tpu.memref_slice %arg6[%dma_wait3A_71] : memref<57344xf32, #tpu.memory_space<vmem>> -> memref<57344xf32, #tpu.memory_space<vmem>>
      tpu.wait_dma2 semaphore(%arg10 : memref<!tpu.dma_semaphore, #tpu.memory_space<semaphore_mem>>) src(%dma_wait3A_72 : memref<57344xf32, #tpu.memory_space<vmem>>) dst(%dma_wait3A_70 : memref<57344xf32, #tpu.memory_space<hbm>>)
      %add3A_73 = arith.constant 114688 : i32
      %add3A_74 = arith.addi %mul3A_2, %add3A_73 : i32
      %dma_start3A_75 = arith.constant 0 : i32
      %dma_start3A_76 = tpu.memref_slice %arg6[%dma_start3A_75] : memref<57344xf32, #tpu.memory_space<vmem>> -> memref<57344xf32, #tpu.memory_space<vmem>>
      %dma_start3A_77 = tpu.memref_slice %arg2[%add3A_74] : memref<15000000xf32, #tpu.memory_space<hbm>> -> memref<57344xf32, #tpu.memory_space<hbm>>
      %dma_start3A_78 = arith.constant 0 : i32
      %dma_start3A_79 = tpu.memref_slice %arg6[%dma_start3A_78] : memref<57344xf32, #tpu.memory_space<vmem>> -> memref<57344xf32, #tpu.memory_space<vmem>>
      %dma_start3A_80 = tpu.memref_slice %arg2[%add3A_74] : memref<15000000xf32, #tpu.memory_space<hbm>> -> memref<57344xf32, #tpu.memory_space<hbm>>
      tpu.enqueue_dma source(%dma_start3A_80 : memref<57344xf32, #tpu.memory_space<hbm>>) target(%dma_start3A_79 : memref<57344xf32, #tpu.memory_space<vmem>>) target_semaphore(%arg8 : memref<!tpu.dma_semaphore, #tpu.memory_space<semaphore_mem>>)
      %add3A_81 = arith.constant 114688 : i32
      %add3A_82 = arith.addi %mul3A_2, %add3A_81 : i32
      %dma_wait3A_83 = arith.constant 0 : i32
      %dma_wait3A_84 = tpu.memref_slice %arg6[%dma_wait3A_83] : memref<57344xf32, #tpu.memory_space<vmem>> -> memref<57344xf32, #tpu.memory_space<vmem>>
      %dma_wait3A_85 = tpu.memref_slice %arg2[%add3A_82] : memref<15000000xf32, #tpu.memory_space<hbm>> -> memref<57344xf32, #tpu.memory_space<hbm>>
      %dma_wait3A_86 = arith.constant 0 : i32
      %dma_wait3A_87 = tpu.memref_slice %arg6[%dma_wait3A_86] : memref<57344xf32, #tpu.memory_space<vmem>> -> memref<57344xf32, #tpu.memory_space<vmem>>
      %dma_wait3A_88 = tpu.memref_slice %arg2[%add3A_82] : memref<15000000xf32, #tpu.memory_space<hbm>> -> memref<57344xf32, #tpu.memory_space<hbm>>
      tpu.wait_dma2 semaphore(%arg8 : memref<!tpu.dma_semaphore, #tpu.memory_space<semaphore_mem>>) src(%dma_wait3A_88 : memref<57344xf32, #tpu.memory_space<hbm>>) dst(%dma_wait3A_87 : memref<57344xf32, #tpu.memory_space<vmem>>)
      %add3A_89 = arith.constant 114688 : i32
      %add3A_90 = arith.addi %mul3A_2, %add3A_89 : i32
      %dma_start3A_91 = arith.constant 0 : i32
      %dma_start3A_92 = tpu.memref_slice %arg6[%dma_start3A_91] : memref<57344xf32, #tpu.memory_space<vmem>> -> memref<57344xf32, #tpu.memory_space<vmem>>
      %dma_start3A_93 = tpu.memref_slice %arg4[%add3A_90] : memref<15000000xf32, #tpu.memory_space<hbm>> -> memref<57344xf32, #tpu.memory_space<hbm>>
      %dma_start3A_94 = tpu.memref_slice %arg4[%add3A_90] : memref<15000000xf32, #tpu.memory_space<hbm>> -> memref<57344xf32, #tpu.memory_space<hbm>>
      %dma_start3A_95 = arith.constant 0 : i32
      %dma_start3A_96 = tpu.memref_slice %arg6[%dma_start3A_95] : memref<57344xf32, #tpu.memory_space<vmem>> -> memref<57344xf32, #tpu.memory_space<vmem>>
      tpu.enqueue_dma source(%dma_start3A_96 : memref<57344xf32, #tpu.memory_space<vmem>>) target(%dma_start3A_94 : memref<57344xf32, #tpu.memory_space<hbm>>) target_semaphore(%arg10 : memref<!tpu.dma_semaphore, #tpu.memory_space<semaphore_mem>>)
      %add3A_97 = arith.constant 57344 : i32
      %add3A_98 = arith.addi %mul3A_2, %add3A_97 : i32
      %dma_wait3A_99 = arith.constant 0 : i32
      %dma_wait3A_100 = tpu.memref_slice %arg7[%dma_wait3A_99] : memref<57344xf32, #tpu.memory_space<vmem>> -> memref<57344xf32, #tpu.memory_space<vmem>>
      %dma_wait3A_101 = tpu.memref_slice %arg4[%add3A_98] : memref<15000000xf32, #tpu.memory_space<hbm>> -> memref<57344xf32, #tpu.memory_space<hbm>>
      %dma_wait3A_102 = tpu.memref_slice %arg4[%add3A_98] : memref<15000000xf32, #tpu.memory_space<hbm>> -> memref<57344xf32, #tpu.memory_space<hbm>>
      %dma_wait3A_103 = arith.constant 0 : i32
      %dma_wait3A_104 = tpu.memref_slice %arg7[%dma_wait3A_103] : memref<57344xf32, #tpu.memory_space<vmem>> -> memref<57344xf32, #tpu.memory_space<vmem>>
      tpu.wait_dma2 semaphore(%arg11 : memref<!tpu.dma_semaphore, #tpu.memory_space<semaphore_mem>>) src(%dma_wait3A_104 : memref<57344xf32, #tpu.memory_space<vmem>>) dst(%dma_wait3A_102 : memref<57344xf32, #tpu.memory_space<hbm>>)
      %add3A_105 = arith.constant 172032 : i32
      %add3A_106 = arith.addi %mul3A_2, %add3A_105 : i32
      %dma_start3A_107 = arith.constant 0 : i32
      %dma_start3A_108 = tpu.memref_slice %arg7[%dma_start3A_107] : memref<57344xf32, #tpu.memory_space<vmem>> -> memref<57344xf32, #tpu.memory_space<vmem>>
      %dma_start3A_109 = tpu.memref_slice %arg2[%add3A_106] : memref<15000000xf32, #tpu.memory_space<hbm>> -> memref<57344xf32, #tpu.memory_space<hbm>>
      %dma_start3A_110 = arith.constant 0 : i32
      %dma_start3A_111 = tpu.memref_slice %arg7[%dma_start3A_110] : memref<57344xf32, #tpu.memory_space<vmem>> -> memref<57344xf32, #tpu.memory_space<vmem>>
      %dma_start3A_112 = tpu.memref_slice %arg2[%add3A_106] : memref<15000000xf32, #tpu.memory_space<hbm>> -> memref<57344xf32, #tpu.memory_space<hbm>>
      tpu.enqueue_dma source(%dma_start3A_112 : memref<57344xf32, #tpu.memory_space<hbm>>) target(%dma_start3A_111 : memref<57344xf32, #tpu.memory_space<vmem>>) target_semaphore(%arg9 : memref<!tpu.dma_semaphore, #tpu.memory_space<semaphore_mem>>)
      %add3A_113 = arith.constant 172032 : i32
      %add3A_114 = arith.addi %mul3A_2, %add3A_113 : i32
      %dma_wait3A_115 = arith.constant 0 : i32
      %dma_wait3A_116 = tpu.memref_slice %arg7[%dma_wait3A_115] : memref<57344xf32, #tpu.memory_space<vmem>> -> memref<57344xf32, #tpu.memory_space<vmem>>
      %dma_wait3A_117 = tpu.memref_slice %arg2[%add3A_114] : memref<15000000xf32, #tpu.memory_space<hbm>> -> memref<57344xf32, #tpu.memory_space<hbm>>
      %dma_wait3A_118 = arith.constant 0 : i32
      %dma_wait3A_119 = tpu.memref_slice %arg7[%dma_wait3A_118] : memref<57344xf32, #tpu.memory_space<vmem>> -> memref<57344xf32, #tpu.memory_space<vmem>>
      %dma_wait3A_120 = tpu.memref_slice %arg2[%add3A_114] : memref<15000000xf32, #tpu.memory_space<hbm>> -> memref<57344xf32, #tpu.memory_space<hbm>>
      tpu.wait_dma2 semaphore(%arg9 : memref<!tpu.dma_semaphore, #tpu.memory_space<semaphore_mem>>) src(%dma_wait3A_120 : memref<57344xf32, #tpu.memory_space<hbm>>) dst(%dma_wait3A_119 : memref<57344xf32, #tpu.memory_space<vmem>>)
      %add3A_121 = arith.constant 172032 : i32
      %add3A_122 = arith.addi %mul3A_2, %add3A_121 : i32
      %dma_start3A_123 = arith.constant 0 : i32
      %dma_start3A_124 = tpu.memref_slice %arg7[%dma_start3A_123] : memref<57344xf32, #tpu.memory_space<vmem>> -> memref<57344xf32, #tpu.memory_space<vmem>>
      %dma_start3A_125 = tpu.memref_slice %arg4[%add3A_122] : memref<15000000xf32, #tpu.memory_space<hbm>> -> memref<57344xf32, #tpu.memory_space<hbm>>
      %dma_start3A_126 = tpu.memref_slice %arg4[%add3A_122] : memref<15000000xf32, #tpu.memory_space<hbm>> -> memref<57344xf32, #tpu.memory_space<hbm>>
      %dma_start3A_127 = arith.constant 0 : i32
      %dma_start3A_128 = tpu.memref_slice %arg7[%dma_start3A_127] : memref<57344xf32, #tpu.memory_space<vmem>> -> memref<57344xf32, #tpu.memory_space<vmem>>
      tpu.enqueue_dma source(%dma_start3A_128 : memref<57344xf32, #tpu.memory_space<vmem>>) target(%dma_start3A_126 : memref<57344xf32, #tpu.memory_space<hbm>>) target_semaphore(%arg11 : memref<!tpu.dma_semaphore, #tpu.memory_space<semaphore_mem>>)
      %add3A_129 = arith.constant 114688 : i32
      %add3A_130 = arith.addi %mul3A_2, %add3A_129 : i32
      %dma_wait3A_131 = arith.constant 0 : i32
      %dma_wait3A_132 = tpu.memref_slice %arg6[%dma_wait3A_131] : memref<57344xf32, #tpu.memory_space<vmem>> -> memref<57344xf32, #tpu.memory_space<vmem>>
      %dma_wait3A_133 = tpu.memref_slice %arg4[%add3A_130] : memref<15000000xf32, #tpu.memory_space<hbm>> -> memref<57344xf32, #tpu.memory_space<hbm>>
      %dma_wait3A_134 = tpu.memref_slice %arg4[%add3A_130] : memref<15000000xf32, #tpu.memory_space<hbm>> -> memref<57344xf32, #tpu.memory_space<hbm>>
      %dma_wait3A_135 = arith.constant 0 : i32
      %dma_wait3A_136 = tpu.memref_slice %arg6[%dma_wait3A_135] : memref<57344xf32, #tpu.memory_space<vmem>> -> memref<57344xf32, #tpu.memory_space<vmem>>
      tpu.wait_dma2 semaphore(%arg10 : memref<!tpu.dma_semaphore, #tpu.memory_space<semaphore_mem>>) src(%dma_wait3A_136 : memref<57344xf32, #tpu.memory_space<vmem>>) dst(%dma_wait3A_134 : memref<57344xf32, #tpu.memory_space<hbm>>)
      %add3A_137 = arith.constant 229376 : i32
      %add3A_138 = arith.addi %mul3A_2, %add3A_137 : i32
      %dma_start3A_139 = arith.constant 0 : i32
      %dma_start3A_140 = tpu.memref_slice %arg6[%dma_start3A_139] : memref<57344xf32, #tpu.memory_space<vmem>> -> memref<57344xf32, #tpu.memory_space<vmem>>
      %dma_start3A_141 = tpu.memref_slice %arg2[%add3A_138] : memref<15000000xf32, #tpu.memory_space<hbm>> -> memref<57344xf32, #tpu.memory_space<hbm>>
      %dma_start3A_142 = arith.constant 0 : i32
      %dma_start3A_143 = tpu.memref_slice %arg6[%dma_start3A_142] : memref<57344xf32, #tpu.memory_space<vmem>> -> memref<57344xf32, #tpu.memory_space<vmem>>
      %dma_start3A_144 = tpu.memref_slice %arg2[%add3A_138] : memref<15000000xf32, #tpu.memory_space<hbm>> -> memref<57344xf32, #tpu.memory_space<hbm>>
      tpu.enqueue_dma source(%dma_start3A_144 : memref<57344xf32, #tpu.memory_space<hbm>>) target(%dma_start3A_143 : memref<57344xf32, #tpu.memory_space<vmem>>) target_semaphore(%arg8 : memref<!tpu.dma_semaphore, #tpu.memory_space<semaphore_mem>>)
      %add3A_145 = arith.constant 229376 : i32
      %add3A_146 = arith.addi %mul3A_2, %add3A_145 : i32
      %dma_wait3A_147 = arith.constant 0 : i32
      %dma_wait3A_148 = tpu.memref_slice %arg6[%dma_wait3A_147] : memref<57344xf32, #tpu.memory_space<vmem>> -> memref<57344xf32, #tpu.memory_space<vmem>>
      %dma_wait3A_149 = tpu.memref_slice %arg2[%add3A_146] : memref<15000000xf32, #tpu.memory_space<hbm>> -> memref<57344xf32, #tpu.memory_space<hbm>>
      %dma_wait3A_150 = arith.constant 0 : i32
      %dma_wait3A_151 = tpu.memref_slice %arg6[%dma_wait3A_150] : memref<57344xf32, #tpu.memory_space<vmem>> -> memref<57344xf32, #tpu.memory_space<vmem>>
      %dma_wait3A_152 = tpu.memref_slice %arg2[%add3A_146] : memref<15000000xf32, #tpu.memory_space<hbm>> -> memref<57344xf32, #tpu.memory_space<hbm>>
      tpu.wait_dma2 semaphore(%arg8 : memref<!tpu.dma_semaphore, #tpu.memory_space<semaphore_mem>>) src(%dma_wait3A_152 : memref<57344xf32, #tpu.memory_space<hbm>>) dst(%dma_wait3A_151 : memref<57344xf32, #tpu.memory_space<vmem>>)
      %add3A_153 = arith.constant 229376 : i32
      %add3A_154 = arith.addi %mul3A_2, %add3A_153 : i32
      %dma_start3A_155 = arith.constant 0 : i32
      %dma_start3A_156 = tpu.memref_slice %arg6[%dma_start3A_155] : memref<57344xf32, #tpu.memory_space<vmem>> -> memref<57344xf32, #tpu.memory_space<vmem>>
      %dma_start3A_157 = tpu.memref_slice %arg4[%add3A_154] : memref<15000000xf32, #tpu.memory_space<hbm>> -> memref<57344xf32, #tpu.memory_space<hbm>>
      %dma_start3A_158 = tpu.memref_slice %arg4[%add3A_154] : memref<15000000xf32, #tpu.memory_space<hbm>> -> memref<57344xf32, #tpu.memory_space<hbm>>
      %dma_start3A_159 = arith.constant 0 : i32
      %dma_start3A_160 = tpu.memref_slice %arg6[%dma_start3A_159] : memref<57344xf32, #tpu.memory_space<vmem>> -> memref<57344xf32, #tpu.memory_space<vmem>>
      tpu.enqueue_dma source(%dma_start3A_160 : memref<57344xf32, #tpu.memory_space<vmem>>) target(%dma_start3A_158 : memref<57344xf32, #tpu.memory_space<hbm>>) target_semaphore(%arg10 : memref<!tpu.dma_semaphore, #tpu.memory_space<semaphore_mem>>)
      %add3A_161 = arith.constant 172032 : i32
      %add3A_162 = arith.addi %mul3A_2, %add3A_161 : i32
      %dma_wait3A_163 = arith.constant 0 : i32
      %dma_wait3A_164 = tpu.memref_slice %arg7[%dma_wait3A_163] : memref<57344xf32, #tpu.memory_space<vmem>> -> memref<57344xf32, #tpu.memory_space<vmem>>
      %dma_wait3A_165 = tpu.memref_slice %arg4[%add3A_162] : memref<15000000xf32, #tpu.memory_space<hbm>> -> memref<57344xf32, #tpu.memory_space<hbm>>
      %dma_wait3A_166 = tpu.memref_slice %arg4[%add3A_162] : memref<15000000xf32, #tpu.memory_space<hbm>> -> memref<57344xf32, #tpu.memory_space<hbm>>
      %dma_wait3A_167 = arith.constant 0 : i32
      %dma_wait3A_168 = tpu.memref_slice %arg7[%dma_wait3A_167] : memref<57344xf32, #tpu.memory_space<vmem>> -> memref<57344xf32, #tpu.memory_space<vmem>>
      tpu.wait_dma2 semaphore(%arg11 : memref<!tpu.dma_semaphore, #tpu.memory_space<semaphore_mem>>) src(%dma_wait3A_168 : memref<57344xf32, #tpu.memory_space<vmem>>) dst(%dma_wait3A_166 : memref<57344xf32, #tpu.memory_space<hbm>>)
      %add3A_169 = arith.constant 286720 : i32
      %add3A_170 = arith.addi %mul3A_2, %add3A_169 : i32
      %dma_start3A_171 = arith.constant 0 : i32
      %dma_start3A_172 = tpu.memref_slice %arg7[%dma_start3A_171] : memref<57344xf32, #tpu.memory_space<vmem>> -> memref<57344xf32, #tpu.memory_space<vmem>>
      %dma_start3A_173 = tpu.memref_slice %arg2[%add3A_170] : memref<15000000xf32, #tpu.memory_space<hbm>> -> memref<57344xf32, #tpu.memory_space<hbm>>
      %dma_start3A_174 = arith.constant 0 : i32
      %dma_start3A_175 = tpu.memref_slice %arg7[%dma_start3A_174] : memref<57344xf32, #tpu.memory_space<vmem>> -> memref<57344xf32, #tpu.memory_space<vmem>>
      %dma_start3A_176 = tpu.memref_slice %arg2[%add3A_170] : memref<15000000xf32, #tpu.memory_space<hbm>> -> memref<57344xf32, #tpu.memory_space<hbm>>
      tpu.enqueue_dma source(%dma_start3A_176 : memref<57344xf32, #tpu.memory_space<hbm>>) target(%dma_start3A_175 : memref<57344xf32, #tpu.memory_space<vmem>>) target_semaphore(%arg9 : memref<!tpu.dma_semaphore, #tpu.memory_space<semaphore_mem>>)
      %add3A_177 = arith.constant 286720 : i32
      %add3A_178 = arith.addi %mul3A_2, %add3A_177 : i32
      %dma_wait3A_179 = arith.constant 0 : i32
      %dma_wait3A_180 = tpu.memref_slice %arg7[%dma_wait3A_179] : memref<57344xf32, #tpu.memory_space<vmem>> -> memref<57344xf32, #tpu.memory_space<vmem>>
      %dma_wait3A_181 = tpu.memref_slice %arg2[%add3A_178] : memref<15000000xf32, #tpu.memory_space<hbm>> -> memref<57344xf32, #tpu.memory_space<hbm>>
      %dma_wait3A_182 = arith.constant 0 : i32
      %dma_wait3A_183 = tpu.memref_slice %arg7[%dma_wait3A_182] : memref<57344xf32, #tpu.memory_space<vmem>> -> memref<57344xf32, #tpu.memory_space<vmem>>
      %dma_wait3A_184 = tpu.memref_slice %arg2[%add3A_178] : memref<15000000xf32, #tpu.memory_space<hbm>> -> memref<57344xf32, #tpu.memory_space<hbm>>
      tpu.wait_dma2 semaphore(%arg9 : memref<!tpu.dma_semaphore, #tpu.memory_space<semaphore_mem>>) src(%dma_wait3A_184 : memref<57344xf32, #tpu.memory_space<hbm>>) dst(%dma_wait3A_183 : memref<57344xf32, #tpu.memory_space<vmem>>)
      %add3A_185 = arith.constant 286720 : i32
      %add3A_186 = arith.addi %mul3A_2, %add3A_185 : i32
      %dma_start3A_187 = arith.constant 0 : i32
      %dma_start3A_188 = tpu.memref_slice %arg7[%dma_start3A_187] : memref<57344xf32, #tpu.memory_space<vmem>> -> memref<57344xf32, #tpu.memory_space<vmem>>
      %dma_start3A_189 = tpu.memref_slice %arg4[%add3A_186] : memref<15000000xf32, #tpu.memory_space<hbm>> -> memref<57344xf32, #tpu.memory_space<hbm>>
      %dma_start3A_190 = tpu.memref_slice %arg4[%add3A_186] : memref<15000000xf32, #tpu.memory_space<hbm>> -> memref<57344xf32, #tpu.memory_space<hbm>>
      %dma_start3A_191 = arith.constant 0 : i32
      %dma_start3A_192 = tpu.memref_slice %arg7[%dma_start3A_191] : memref<57344xf32, #tpu.memory_space<vmem>> -> memref<57344xf32, #tpu.memory_space<vmem>>
      tpu.enqueue_dma source(%dma_start3A_192 : memref<57344xf32, #tpu.memory_space<vmem>>) target(%dma_start3A_190 : memref<57344xf32, #tpu.memory_space<hbm>>) target_semaphore(%arg11 : memref<!tpu.dma_semaphore, #tpu.memory_space<semaphore_mem>>)
      %add3A_193 = arith.constant 229376 : i32
      %add3A_194 = arith.addi %mul3A_2, %add3A_193 : i32
      %dma_wait3A_195 = arith.constant 0 : i32
      %dma_wait3A_196 = tpu.memref_slice %arg6[%dma_wait3A_195] : memref<57344xf32, #tpu.memory_space<vmem>> -> memref<57344xf32, #tpu.memory_space<vmem>>
      %dma_wait3A_197 = tpu.memref_slice %arg4[%add3A_194] : memref<15000000xf32, #tpu.memory_space<hbm>> -> memref<57344xf32, #tpu.memory_space<hbm>>
      %dma_wait3A_198 = tpu.memref_slice %arg4[%add3A_194] : memref<15000000xf32, #tpu.memory_space<hbm>> -> memref<57344xf32, #tpu.memory_space<hbm>>
      %dma_wait3A_199 = arith.constant 0 : i32
      %dma_wait3A_200 = tpu.memref_slice %arg6[%dma_wait3A_199] : memref<57344xf32, #tpu.memory_space<vmem>> -> memref<57344xf32, #tpu.memory_space<vmem>>
      tpu.wait_dma2 semaphore(%arg10 : memref<!tpu.dma_semaphore, #tpu.memory_space<semaphore_mem>>) src(%dma_wait3A_200 : memref<57344xf32, #tpu.memory_space<vmem>>) dst(%dma_wait3A_198 : memref<57344xf32, #tpu.memory_space<hbm>>)
      %add3A_201 = arith.constant 344064 : i32
      %add3A_202 = arith.addi %mul3A_2, %add3A_201 : i32
      %dma_start3A_203 = arith.constant 0 : i32
      %dma_start3A_204 = tpu.memref_slice %arg6[%dma_start3A_203] : memref<57344xf32, #tpu.memory_space<vmem>> -> memref<57344xf32, #tpu.memory_space<vmem>>
      %dma_start3A_205 = tpu.memref_slice %arg2[%add3A_202] : memref<15000000xf32, #tpu.memory_space<hbm>> -> memref<57344xf32, #tpu.memory_space<hbm>>
      %dma_start3A_206 = arith.constant 0 : i32
      %dma_start3A_207 = tpu.memref_slice %arg6[%dma_start3A_206] : memref<57344xf32, #tpu.memory_space<vmem>> -> memref<57344xf32, #tpu.memory_space<vmem>>
      %dma_start3A_208 = tpu.memref_slice %arg2[%add3A_202] : memref<15000000xf32, #tpu.memory_space<hbm>> -> memref<57344xf32, #tpu.memory_space<hbm>>
      tpu.enqueue_dma source(%dma_start3A_208 : memref<57344xf32, #tpu.memory_space<hbm>>) target(%dma_start3A_207 : memref<57344xf32, #tpu.memory_space<vmem>>) target_semaphore(%arg8 : memref<!tpu.dma_semaphore, #tpu.memory_space<semaphore_mem>>)
      %add3A_209 = arith.constant 344064 : i32
      %add3A_210 = arith.addi %mul3A_2, %add3A_209 : i32
      %dma_wait3A_211 = arith.constant 0 : i32
      %dma_wait3A_212 = tpu.memref_slice %arg6[%dma_wait3A_211] : memref<57344xf32, #tpu.memory_space<vmem>> -> memref<57344xf32, #tpu.memory_space<vmem>>
      %dma_wait3A_213 = tpu.memref_slice %arg2[%add3A_210] : memref<15000000xf32, #tpu.memory_space<hbm>> -> memref<57344xf32, #tpu.memory_space<hbm>>
      %dma_wait3A_214 = arith.constant 0 : i32
      %dma_wait3A_215 = tpu.memref_slice %arg6[%dma_wait3A_214] : memref<57344xf32, #tpu.memory_space<vmem>> -> memref<57344xf32, #tpu.memory_space<vmem>>
      %dma_wait3A_216 = tpu.memref_slice %arg2[%add3A_210] : memref<15000000xf32, #tpu.memory_space<hbm>> -> memref<57344xf32, #tpu.memory_space<hbm>>
      tpu.wait_dma2 semaphore(%arg8 : memref<!tpu.dma_semaphore, #tpu.memory_space<semaphore_mem>>) src(%dma_wait3A_216 : memref<57344xf32, #tpu.memory_space<hbm>>) dst(%dma_wait3A_215 : memref<57344xf32, #tpu.memory_space<vmem>>)
      %add3A_217 = arith.constant 344064 : i32
      %add3A_218 = arith.addi %mul3A_2, %add3A_217 : i32
      %dma_start3A_219 = arith.constant 0 : i32
      %dma_start3A_220 = tpu.memref_slice %arg6[%dma_start3A_219] : memref<57344xf32, #tpu.memory_space<vmem>> -> memref<57344xf32, #tpu.memory_space<vmem>>
      %dma_start3A_221 = tpu.memref_slice %arg4[%add3A_218] : memref<15000000xf32, #tpu.memory_space<hbm>> -> memref<57344xf32, #tpu.memory_space<hbm>>
      %dma_start3A_222 = tpu.memref_slice %arg4[%add3A_218] : memref<15000000xf32, #tpu.memory_space<hbm>> -> memref<57344xf32, #tpu.memory_space<hbm>>
      %dma_start3A_223 = arith.constant 0 : i32
      %dma_start3A_224 = tpu.memref_slice %arg6[%dma_start3A_223] : memref<57344xf32, #tpu.memory_space<vmem>> -> memref<57344xf32, #tpu.memory_space<vmem>>
      tpu.enqueue_dma source(%dma_start3A_224 : memref<57344xf32, #tpu.memory_space<vmem>>) target(%dma_start3A_222 : memref<57344xf32, #tpu.memory_space<hbm>>) target_semaphore(%arg10 : memref<!tpu.dma_semaphore, #tpu.memory_space<semaphore_mem>>)
      %add3A_225 = arith.constant 286720 : i32
      %add3A_226 = arith.addi %mul3A_2, %add3A_225 : i32
      %dma_wait3A_227 = arith.constant 0 : i32
      %dma_wait3A_228 = tpu.memref_slice %arg7[%dma_wait3A_227] : memref<57344xf32, #tpu.memory_space<vmem>> -> memref<57344xf32, #tpu.memory_space<vmem>>
      %dma_wait3A_229 = tpu.memref_slice %arg4[%add3A_226] : memref<15000000xf32, #tpu.memory_space<hbm>> -> memref<57344xf32, #tpu.memory_space<hbm>>
      %dma_wait3A_230 = tpu.memref_slice %arg4[%add3A_226] : memref<15000000xf32, #tpu.memory_space<hbm>> -> memref<57344xf32, #tpu.memory_space<hbm>>
      %dma_wait3A_231 = arith.constant 0 : i32
      %dma_wait3A_232 = tpu.memref_slice %arg7[%dma_wait3A_231] : memref<57344xf32, #tpu.memory_space<vmem>> -> memref<57344xf32, #tpu.memory_space<vmem>>
      tpu.wait_dma2 semaphore(%arg11 : memref<!tpu.dma_semaphore, #tpu.memory_space<semaphore_mem>>) src(%dma_wait3A_232 : memref<57344xf32, #tpu.memory_space<vmem>>) dst(%dma_wait3A_230 : memref<57344xf32, #tpu.memory_space<hbm>>)
      %add3A_233 = arith.constant 401408 : i32
      %add3A_234 = arith.addi %mul3A_2, %add3A_233 : i32
      %dma_start3A_235 = arith.constant 0 : i32
      %dma_start3A_236 = tpu.memref_slice %arg7[%dma_start3A_235] : memref<57344xf32, #tpu.memory_space<vmem>> -> memref<57344xf32, #tpu.memory_space<vmem>>
      %dma_start3A_237 = tpu.memref_slice %arg2[%add3A_234] : memref<15000000xf32, #tpu.memory_space<hbm>> -> memref<57344xf32, #tpu.memory_space<hbm>>
      %dma_start3A_238 = arith.constant 0 : i32
      %dma_start3A_239 = tpu.memref_slice %arg7[%dma_start3A_238] : memref<57344xf32, #tpu.memory_space<vmem>> -> memref<57344xf32, #tpu.memory_space<vmem>>
      %dma_start3A_240 = tpu.memref_slice %arg2[%add3A_234] : memref<15000000xf32, #tpu.memory_space<hbm>> -> memref<57344xf32, #tpu.memory_space<hbm>>
      tpu.enqueue_dma source(%dma_start3A_240 : memref<57344xf32, #tpu.memory_space<hbm>>) target(%dma_start3A_239 : memref<57344xf32, #tpu.memory_space<vmem>>) target_semaphore(%arg9 : memref<!tpu.dma_semaphore, #tpu.memory_space<semaphore_mem>>)
      %add3A_241 = arith.constant 401408 : i32
      %add3A_242 = arith.addi %mul3A_2, %add3A_241 : i32
      %dma_wait3A_243 = arith.constant 0 : i32
      %dma_wait3A_244 = tpu.memref_slice %arg7[%dma_wait3A_243] : memref<57344xf32, #tpu.memory_space<vmem>> -> memref<57344xf32, #tpu.memory_space<vmem>>
      %dma_wait3A_245 = tpu.memref_slice %arg2[%add3A_242] : memref<15000000xf32, #tpu.memory_space<hbm>> -> memref<57344xf32, #tpu.memory_space<hbm>>
      %dma_wait3A_246 = arith.constant 0 : i32
      %dma_wait3A_247 = tpu.memref_slice %arg7[%dma_wait3A_246] : memref<57344xf32, #tpu.memory_space<vmem>> -> memref<57344xf32, #tpu.memory_space<vmem>>
      %dma_wait3A_248 = tpu.memref_slice %arg2[%add3A_242] : memref<15000000xf32, #tpu.memory_space<hbm>> -> memref<57344xf32, #tpu.memory_space<hbm>>
      tpu.wait_dma2 semaphore(%arg9 : memref<!tpu.dma_semaphore, #tpu.memory_space<semaphore_mem>>) src(%dma_wait3A_248 : memref<57344xf32, #tpu.memory_space<hbm>>) dst(%dma_wait3A_247 : memref<57344xf32, #tpu.memory_space<vmem>>)
      %add3A_249 = arith.constant 401408 : i32
      %add3A_250 = arith.addi %mul3A_2, %add3A_249 : i32
      %dma_start3A_251 = arith.constant 0 : i32
      %dma_start3A_252 = tpu.memref_slice %arg7[%dma_start3A_251] : memref<57344xf32, #tpu.memory_space<vmem>> -> memref<57344xf32, #tpu.memory_space<vmem>>
      %dma_start3A_253 = tpu.memref_slice %arg4[%add3A_250] : memref<15000000xf32, #tpu.memory_space<hbm>> -> memref<57344xf32, #tpu.memory_space<hbm>>
      %dma_start3A_254 = tpu.memref_slice %arg4[%add3A_250] : memref<15000000xf32, #tpu.memory_space<hbm>> -> memref<57344xf32, #tpu.memory_space<hbm>>
      %dma_start3A_255 = arith.constant 0 : i32
      %dma_start3A_256 = tpu.memref_slice %arg7[%dma_start3A_255] : memref<57344xf32, #tpu.memory_space<vmem>> -> memref<57344xf32, #tpu.memory_space<vmem>>
      tpu.enqueue_dma source(%dma_start3A_256 : memref<57344xf32, #tpu.memory_space<vmem>>) target(%dma_start3A_254 : memref<57344xf32, #tpu.memory_space<hbm>>) target_semaphore(%arg11 : memref<!tpu.dma_semaphore, #tpu.memory_space<semaphore_mem>>)
      %add3A_257 = arith.constant 344064 : i32
      %add3A_258 = arith.addi %mul3A_2, %add3A_257 : i32
      %dma_wait3A_259 = arith.constant 0 : i32
      %dma_wait3A_260 = tpu.memref_slice %arg6[%dma_wait3A_259] : memref<57344xf32, #tpu.memory_space<vmem>> -> memref<57344xf32, #tpu.memory_space<vmem>>
      %dma_wait3A_261 = tpu.memref_slice %arg4[%add3A_258] : memref<15000000xf32, #tpu.memory_space<hbm>> -> memref<57344xf32, #tpu.memory_space<hbm>>
      %dma_wait3A_262 = tpu.memref_slice %arg4[%add3A_258] : memref<15000000xf32, #tpu.memory_space<hbm>> -> memref<57344xf32, #tpu.memory_space<hbm>>
      %dma_wait3A_263 = arith.constant 0 : i32
      %dma_wait3A_264 = tpu.memref_slice %arg6[%dma_wait3A_263] : memref<57344xf32, #tpu.memory_space<vmem>> -> memref<57344xf32, #tpu.memory_space<vmem>>
      tpu.wait_dma2 semaphore(%arg10 : memref<!tpu.dma_semaphore, #tpu.memory_space<semaphore_mem>>) src(%dma_wait3A_264 : memref<57344xf32, #tpu.memory_space<vmem>>) dst(%dma_wait3A_262 : memref<57344xf32, #tpu.memory_space<hbm>>)
      %add3A_265 = arith.constant 458752 : i32
      %add3A_266 = arith.addi %mul3A_2, %add3A_265 : i32
      %dma_start3A_267 = arith.constant 0 : i32
      %dma_start3A_268 = tpu.memref_slice %arg6[%dma_start3A_267] : memref<57344xf32, #tpu.memory_space<vmem>> -> memref<10240xf32, #tpu.memory_space<vmem>>
      %dma_start3A_269 = tpu.memref_slice %arg2[%add3A_266] : memref<15000000xf32, #tpu.memory_space<hbm>> -> memref<10240xf32, #tpu.memory_space<hbm>>
      %dma_start3A_270 = arith.constant 0 : i32
      %dma_start3A_271 = tpu.memref_slice %arg6[%dma_start3A_270] : memref<57344xf32, #tpu.memory_space<vmem>> -> memref<10240xf32, #tpu.memory_space<vmem>>
      %dma_start3A_272 = tpu.memref_slice %arg2[%add3A_266] : memref<15000000xf32, #tpu.memory_space<hbm>> -> memref<10240xf32, #tpu.memory_space<hbm>>
      tpu.enqueue_dma source(%dma_start3A_272 : memref<10240xf32, #tpu.memory_space<hbm>>) target(%dma_start3A_271 : memref<10240xf32, #tpu.memory_space<vmem>>) target_semaphore(%arg8 : memref<!tpu.dma_semaphore, #tpu.memory_space<semaphore_mem>>)
      %add3A_273 = arith.constant 458752 : i32
      %add3A_274 = arith.addi %mul3A_2, %add3A_273 : i32
      %dma_wait3A_275 = arith.constant 0 : i32
      %dma_wait3A_276 = tpu.memref_slice %arg6[%dma_wait3A_275] : memref<57344xf32, #tpu.memory_space<vmem>> -> memref<10240xf32, #tpu.memory_space<vmem>>
      %dma_wait3A_277 = tpu.memref_slice %arg2[%add3A_274] : memref<15000000xf32, #tpu.memory_space<hbm>> -> memref<10240xf32, #tpu.memory_space<hbm>>
      %dma_wait3A_278 = arith.constant 0 : i32
      %dma_wait3A_279 = tpu.memref_slice %arg6[%dma_wait3A_278] : memref<57344xf32, #tpu.memory_space<vmem>> -> memref<10240xf32, #tpu.memory_space<vmem>>
      %dma_wait3A_280 = tpu.memref_slice %arg2[%add3A_274] : memref<15000000xf32, #tpu.memory_space<hbm>> -> memref<10240xf32, #tpu.memory_space<hbm>>
      tpu.wait_dma2 semaphore(%arg8 : memref<!tpu.dma_semaphore, #tpu.memory_space<semaphore_mem>>) src(%dma_wait3A_280 : memref<10240xf32, #tpu.memory_space<hbm>>) dst(%dma_wait3A_279 : memref<10240xf32, #tpu.memory_space<vmem>>)
      %add3A_281 = arith.constant 458752 : i32
      %add3A_282 = arith.addi %mul3A_2, %add3A_281 : i32
      %dma_start3A_283 = arith.constant 0 : i32
      %dma_start3A_284 = tpu.memref_slice %arg6[%dma_start3A_283] : memref<57344xf32, #tpu.memory_space<vmem>> -> memref<10240xf32, #tpu.memory_space<vmem>>
      %dma_start3A_285 = tpu.memref_slice %arg4[%add3A_282] : memref<15000000xf32, #tpu.memory_space<hbm>> -> memref<10240xf32, #tpu.memory_space<hbm>>
      %dma_start3A_286 = tpu.memref_slice %arg4[%add3A_282] : memref<15000000xf32, #tpu.memory_space<hbm>> -> memref<10240xf32, #tpu.memory_space<hbm>>
      %dma_start3A_287 = arith.constant 0 : i32
      %dma_start3A_288 = tpu.memref_slice %arg6[%dma_start3A_287] : memref<57344xf32, #tpu.memory_space<vmem>> -> memref<10240xf32, #tpu.memory_space<vmem>>
      tpu.enqueue_dma source(%dma_start3A_288 : memref<10240xf32, #tpu.memory_space<vmem>>) target(%dma_start3A_286 : memref<10240xf32, #tpu.memory_space<hbm>>) target_semaphore(%arg10 : memref<!tpu.dma_semaphore, #tpu.memory_space<semaphore_mem>>)
      %add3A_289 = arith.constant 401408 : i32
      %add3A_290 = arith.addi %mul3A_2, %add3A_289 : i32
      %dma_wait3A_291 = arith.constant 0 : i32
      %dma_wait3A_292 = tpu.memref_slice %arg7[%dma_wait3A_291] : memref<57344xf32, #tpu.memory_space<vmem>> -> memref<57344xf32, #tpu.memory_space<vmem>>
      %dma_wait3A_293 = tpu.memref_slice %arg4[%add3A_290] : memref<15000000xf32, #tpu.memory_space<hbm>> -> memref<57344xf32, #tpu.memory_space<hbm>>
      %dma_wait3A_294 = tpu.memref_slice %arg4[%add3A_290] : memref<15000000xf32, #tpu.memory_space<hbm>> -> memref<57344xf32, #tpu.memory_space<hbm>>
      %dma_wait3A_295 = arith.constant 0 : i32
      %dma_wait3A_296 = tpu.memref_slice %arg7[%dma_wait3A_295] : memref<57344xf32, #tpu.memory_space<vmem>> -> memref<57344xf32, #tpu.memory_space<vmem>>
      tpu.wait_dma2 semaphore(%arg11 : memref<!tpu.dma_semaphore, #tpu.memory_space<semaphore_mem>>) src(%dma_wait3A_296 : memref<57344xf32, #tpu.memory_space<vmem>>) dst(%dma_wait3A_294 : memref<57344xf32, #tpu.memory_space<hbm>>)
      %add3A_297 = arith.constant 458752 : i32
      %add3A_298 = arith.addi %mul3A_2, %add3A_297 : i32
      %dma_wait3A_299 = arith.constant 0 : i32
      %dma_wait3A_300 = tpu.memref_slice %arg6[%dma_wait3A_299] : memref<57344xf32, #tpu.memory_space<vmem>> -> memref<10240xf32, #tpu.memory_space<vmem>>
      %dma_wait3A_301 = tpu.memref_slice %arg4[%add3A_298] : memref<15000000xf32, #tpu.memory_space<hbm>> -> memref<10240xf32, #tpu.memory_space<hbm>>
      %dma_wait3A_302 = tpu.memref_slice %arg4[%add3A_298] : memref<15000000xf32, #tpu.memory_space<hbm>> -> memref<10240xf32, #tpu.memory_space<hbm>>
      %dma_wait3A_303 = arith.constant 0 : i32
      %dma_wait3A_304 = tpu.memref_slice %arg6[%dma_wait3A_303] : memref<57344xf32, #tpu.memory_space<vmem>> -> memref<10240xf32, #tpu.memory_space<vmem>>
      tpu.wait_dma2 semaphore(%arg10 : memref<!tpu.dma_semaphore, #tpu.memory_space<semaphore_mem>>) src(%dma_wait3A_304 : memref<10240xf32, #tpu.memory_space<vmem>>) dst(%dma_wait3A_302 : memref<10240xf32, #tpu.memory_space<hbm>>)
    } else {
    }
    %eq3A = arith.constant 31 : i32
    %eq3A_5 = arith.cmpi eq, %add3A, %eq3A : i32
    %convert_element_type3A_6 = arith.extui %eq3A_5 : i1 to i32
    %cond3A_7 = arith.constant 0 : i32
    %cond3A_8 = arith.cmpi ne, %convert_element_type3A_6, %cond3A_7 : i32
    scf.if %cond3A_8 {
      %add3A_19 = arith.constant 0 : i32
      %add3A_20 = arith.addi %mul3A_2, %add3A_19 : i32
      %dma_start3A = arith.constant 0 : i32
      %dma_start3A_21 = tpu.memref_slice %arg6[%dma_start3A] : memref<57344xf32, #tpu.memory_space<vmem>> -> memref<57344xf32, #tpu.memory_space<vmem>>
      %dma_start3A_22 = tpu.memref_slice %arg2[%add3A_20] : memref<15000000xf32, #tpu.memory_space<hbm>> -> memref<57344xf32, #tpu.memory_space<hbm>>
      %dma_start3A_23 = arith.constant 0 : i32
      %dma_start3A_24 = tpu.memref_slice %arg6[%dma_start3A_23] : memref<57344xf32, #tpu.memory_space<vmem>> -> memref<57344xf32, #tpu.memory_space<vmem>>
      %dma_start3A_25 = tpu.memref_slice %arg2[%add3A_20] : memref<15000000xf32, #tpu.memory_space<hbm>> -> memref<57344xf32, #tpu.memory_space<hbm>>
      tpu.enqueue_dma source(%dma_start3A_25 : memref<57344xf32, #tpu.memory_space<hbm>>) target(%dma_start3A_24 : memref<57344xf32, #tpu.memory_space<vmem>>) target_semaphore(%arg8 : memref<!tpu.dma_semaphore, #tpu.memory_space<semaphore_mem>>)
      %add3A_26 = arith.constant 0 : i32
      %add3A_27 = arith.addi %mul3A_2, %add3A_26 : i32
      %dma_wait3A = arith.constant 0 : i32
      %dma_wait3A_28 = tpu.memref_slice %arg6[%dma_wait3A] : memref<57344xf32, #tpu.memory_space<vmem>> -> memref<57344xf32, #tpu.memory_space<vmem>>
      %dma_wait3A_29 = tpu.memref_slice %arg2[%add3A_27] : memref<15000000xf32, #tpu.memory_space<hbm>> -> memref<57344xf32, #tpu.memory_space<hbm>>
      %dma_wait3A_30 = arith.constant 0 : i32
      %dma_wait3A_31 = tpu.memref_slice %arg6[%dma_wait3A_30] : memref<57344xf32, #tpu.memory_space<vmem>> -> memref<57344xf32, #tpu.memory_space<vmem>>
      %dma_wait3A_32 = tpu.memref_slice %arg2[%add3A_27] : memref<15000000xf32, #tpu.memory_space<hbm>> -> memref<57344xf32, #tpu.memory_space<hbm>>
      tpu.wait_dma2 semaphore(%arg8 : memref<!tpu.dma_semaphore, #tpu.memory_space<semaphore_mem>>) src(%dma_wait3A_32 : memref<57344xf32, #tpu.memory_space<hbm>>) dst(%dma_wait3A_31 : memref<57344xf32, #tpu.memory_space<vmem>>)
      %add3A_33 = arith.constant 0 : i32
      %add3A_34 = arith.addi %mul3A_2, %add3A_33 : i32
      %dma_start3A_35 = arith.constant 0 : i32
      %dma_start3A_36 = tpu.memref_slice %arg6[%dma_start3A_35] : memref<57344xf32, #tpu.memory_space<vmem>> -> memref<57344xf32, #tpu.memory_space<vmem>>
      %dma_start3A_37 = tpu.memref_slice %arg4[%add3A_34] : memref<15000000xf32, #tpu.memory_space<hbm>> -> memref<57344xf32, #tpu.memory_space<hbm>>
      %dma_start3A_38 = tpu.memref_slice %arg4[%add3A_34] : memref<15000000xf32, #tpu.memory_space<hbm>> -> memref<57344xf32, #tpu.memory_space<hbm>>
      %dma_start3A_39 = arith.constant 0 : i32
      %dma_start3A_40 = tpu.memref_slice %arg6[%dma_start3A_39] : memref<57344xf32, #tpu.memory_space<vmem>> -> memref<57344xf32, #tpu.memory_space<vmem>>
      tpu.enqueue_dma source(%dma_start3A_40 : memref<57344xf32, #tpu.memory_space<vmem>>) target(%dma_start3A_38 : memref<57344xf32, #tpu.memory_space<hbm>>) target_semaphore(%arg10 : memref<!tpu.dma_semaphore, #tpu.memory_space<semaphore_mem>>)
      %add3A_41 = arith.constant 57344 : i32
      %add3A_42 = arith.addi %mul3A_2, %add3A_41 : i32
      %dma_start3A_43 = arith.constant 0 : i32
      %dma_start3A_44 = tpu.memref_slice %arg7[%dma_start3A_43] : memref<57344xf32, #tpu.memory_space<vmem>> -> memref<57344xf32, #tpu.memory_space<vmem>>
      %dma_start3A_45 = tpu.memref_slice %arg2[%add3A_42] : memref<15000000xf32, #tpu.memory_space<hbm>> -> memref<57344xf32, #tpu.memory_space<hbm>>
      %dma_start3A_46 = arith.constant 0 : i32
      %dma_start3A_47 = tpu.memref_slice %arg7[%dma_start3A_46] : memref<57344xf32, #tpu.memory_space<vmem>> -> memref<57344xf32, #tpu.memory_space<vmem>>
      %dma_start3A_48 = tpu.memref_slice %arg2[%add3A_42] : memref<15000000xf32, #tpu.memory_space<hbm>> -> memref<57344xf32, #tpu.memory_space<hbm>>
      tpu.enqueue_dma source(%dma_start3A_48 : memref<57344xf32, #tpu.memory_space<hbm>>) target(%dma_start3A_47 : memref<57344xf32, #tpu.memory_space<vmem>>) target_semaphore(%arg9 : memref<!tpu.dma_semaphore, #tpu.memory_space<semaphore_mem>>)
      %add3A_49 = arith.constant 57344 : i32
      %add3A_50 = arith.addi %mul3A_2, %add3A_49 : i32
      %dma_wait3A_51 = arith.constant 0 : i32
      %dma_wait3A_52 = tpu.memref_slice %arg7[%dma_wait3A_51] : memref<57344xf32, #tpu.memory_space<vmem>> -> memref<57344xf32, #tpu.memory_space<vmem>>
      %dma_wait3A_53 = tpu.memref_slice %arg2[%add3A_50] : memref<15000000xf32, #tpu.memory_space<hbm>> -> memref<57344xf32, #tpu.memory_space<hbm>>
      %dma_wait3A_54 = arith.constant 0 : i32
      %dma_wait3A_55 = tpu.memref_slice %arg7[%dma_wait3A_54] : memref<57344xf32, #tpu.memory_space<vmem>> -> memref<57344xf32, #tpu.memory_space<vmem>>
      %dma_wait3A_56 = tpu.memref_slice %arg2[%add3A_50] : memref<15000000xf32, #tpu.memory_space<hbm>> -> memref<57344xf32, #tpu.memory_space<hbm>>
      tpu.wait_dma2 semaphore(%arg9 : memref<!tpu.dma_semaphore, #tpu.memory_space<semaphore_mem>>) src(%dma_wait3A_56 : memref<57344xf32, #tpu.memory_space<hbm>>) dst(%dma_wait3A_55 : memref<57344xf32, #tpu.memory_space<vmem>>)
      %add3A_57 = arith.constant 57344 : i32
      %add3A_58 = arith.addi %mul3A_2, %add3A_57 : i32
      %dma_start3A_59 = arith.constant 0 : i32
      %dma_start3A_60 = tpu.memref_slice %arg7[%dma_start3A_59] : memref<57344xf32, #tpu.memory_space<vmem>> -> memref<57344xf32, #tpu.memory_space<vmem>>
      %dma_start3A_61 = tpu.memref_slice %arg4[%add3A_58] : memref<15000000xf32, #tpu.memory_space<hbm>> -> memref<57344xf32, #tpu.memory_space<hbm>>
      %dma_start3A_62 = tpu.memref_slice %arg4[%add3A_58] : memref<15000000xf32, #tpu.memory_space<hbm>> -> memref<57344xf32, #tpu.memory_space<hbm>>
      %dma_start3A_63 = arith.constant 0 : i32
      %dma_start3A_64 = tpu.memref_slice %arg7[%dma_start3A_63] : memref<57344xf32, #tpu.memory_space<vmem>> -> memref<57344xf32, #tpu.memory_space<vmem>>
      tpu.enqueue_dma source(%dma_start3A_64 : memref<57344xf32, #tpu.memory_space<vmem>>) target(%dma_start3A_62 : memref<57344xf32, #tpu.memory_space<hbm>>) target_semaphore(%arg11 : memref<!tpu.dma_semaphore, #tpu.memory_space<semaphore_mem>>)
      %add3A_65 = arith.constant 0 : i32
      %add3A_66 = arith.addi %mul3A_2, %add3A_65 : i32
      %dma_wait3A_67 = arith.constant 0 : i32
      %dma_wait3A_68 = tpu.memref_slice %arg6[%dma_wait3A_67] : memref<57344xf32, #tpu.memory_space<vmem>> -> memref<57344xf32, #tpu.memory_space<vmem>>
      %dma_wait3A_69 = tpu.memref_slice %arg4[%add3A_66] : memref<15000000xf32, #tpu.memory_space<hbm>> -> memref<57344xf32, #tpu.memory_space<hbm>>
      %dma_wait3A_70 = tpu.memref_slice %arg4[%add3A_66] : memref<15000000xf32, #tpu.memory_space<hbm>> -> memref<57344xf32, #tpu.memory_space<hbm>>
      %dma_wait3A_71 = arith.constant 0 : i32
      %dma_wait3A_72 = tpu.memref_slice %arg6[%dma_wait3A_71] : memref<57344xf32, #tpu.memory_space<vmem>> -> memref<57344xf32, #tpu.memory_space<vmem>>
      tpu.wait_dma2 semaphore(%arg10 : memref<!tpu.dma_semaphore, #tpu.memory_space<semaphore_mem>>) src(%dma_wait3A_72 : memref<57344xf32, #tpu.memory_space<vmem>>) dst(%dma_wait3A_70 : memref<57344xf32, #tpu.memory_space<hbm>>)
      %add3A_73 = arith.constant 114688 : i32
      %add3A_74 = arith.addi %mul3A_2, %add3A_73 : i32
      %dma_start3A_75 = arith.constant 0 : i32
      %dma_start3A_76 = tpu.memref_slice %arg6[%dma_start3A_75] : memref<57344xf32, #tpu.memory_space<vmem>> -> memref<57344xf32, #tpu.memory_space<vmem>>
      %dma_start3A_77 = tpu.memref_slice %arg2[%add3A_74] : memref<15000000xf32, #tpu.memory_space<hbm>> -> memref<57344xf32, #tpu.memory_space<hbm>>
      %dma_start3A_78 = arith.constant 0 : i32
      %dma_start3A_79 = tpu.memref_slice %arg6[%dma_start3A_78] : memref<57344xf32, #tpu.memory_space<vmem>> -> memref<57344xf32, #tpu.memory_space<vmem>>
      %dma_start3A_80 = tpu.memref_slice %arg2[%add3A_74] : memref<15000000xf32, #tpu.memory_space<hbm>> -> memref<57344xf32, #tpu.memory_space<hbm>>
      tpu.enqueue_dma source(%dma_start3A_80 : memref<57344xf32, #tpu.memory_space<hbm>>) target(%dma_start3A_79 : memref<57344xf32, #tpu.memory_space<vmem>>) target_semaphore(%arg8 : memref<!tpu.dma_semaphore, #tpu.memory_space<semaphore_mem>>)
      %add3A_81 = arith.constant 114688 : i32
      %add3A_82 = arith.addi %mul3A_2, %add3A_81 : i32
      %dma_wait3A_83 = arith.constant 0 : i32
      %dma_wait3A_84 = tpu.memref_slice %arg6[%dma_wait3A_83] : memref<57344xf32, #tpu.memory_space<vmem>> -> memref<57344xf32, #tpu.memory_space<vmem>>
      %dma_wait3A_85 = tpu.memref_slice %arg2[%add3A_82] : memref<15000000xf32, #tpu.memory_space<hbm>> -> memref<57344xf32, #tpu.memory_space<hbm>>
      %dma_wait3A_86 = arith.constant 0 : i32
      %dma_wait3A_87 = tpu.memref_slice %arg6[%dma_wait3A_86] : memref<57344xf32, #tpu.memory_space<vmem>> -> memref<57344xf32, #tpu.memory_space<vmem>>
      %dma_wait3A_88 = tpu.memref_slice %arg2[%add3A_82] : memref<15000000xf32, #tpu.memory_space<hbm>> -> memref<57344xf32, #tpu.memory_space<hbm>>
      tpu.wait_dma2 semaphore(%arg8 : memref<!tpu.dma_semaphore, #tpu.memory_space<semaphore_mem>>) src(%dma_wait3A_88 : memref<57344xf32, #tpu.memory_space<hbm>>) dst(%dma_wait3A_87 : memref<57344xf32, #tpu.memory_space<vmem>>)
      %add3A_89 = arith.constant 114688 : i32
      %add3A_90 = arith.addi %mul3A_2, %add3A_89 : i32
      %dma_start3A_91 = arith.constant 0 : i32
      %dma_start3A_92 = tpu.memref_slice %arg6[%dma_start3A_91] : memref<57344xf32, #tpu.memory_space<vmem>> -> memref<57344xf32, #tpu.memory_space<vmem>>
      %dma_start3A_93 = tpu.memref_slice %arg4[%add3A_90] : memref<15000000xf32, #tpu.memory_space<hbm>> -> memref<57344xf32, #tpu.memory_space<hbm>>
      %dma_start3A_94 = tpu.memref_slice %arg4[%add3A_90] : memref<15000000xf32, #tpu.memory_space<hbm>> -> memref<57344xf32, #tpu.memory_space<hbm>>
      %dma_start3A_95 = arith.constant 0 : i32
      %dma_start3A_96 = tpu.memref_slice %arg6[%dma_start3A_95] : memref<57344xf32, #tpu.memory_space<vmem>> -> memref<57344xf32, #tpu.memory_space<vmem>>
      tpu.enqueue_dma source(%dma_start3A_96 : memref<57344xf32, #tpu.memory_space<vmem>>) target(%dma_start3A_94 : memref<57344xf32, #tpu.memory_space<hbm>>) target_semaphore(%arg10 : memref<!tpu.dma_semaphore, #tpu.memory_space<semaphore_mem>>)
      %add3A_97 = arith.constant 57344 : i32
      %add3A_98 = arith.addi %mul3A_2, %add3A_97 : i32
      %dma_wait3A_99 = arith.constant 0 : i32
      %dma_wait3A_100 = tpu.memref_slice %arg7[%dma_wait3A_99] : memref<57344xf32, #tpu.memory_space<vmem>> -> memref<57344xf32, #tpu.memory_space<vmem>>
      %dma_wait3A_101 = tpu.memref_slice %arg4[%add3A_98] : memref<15000000xf32, #tpu.memory_space<hbm>> -> memref<57344xf32, #tpu.memory_space<hbm>>
      %dma_wait3A_102 = tpu.memref_slice %arg4[%add3A_98] : memref<15000000xf32, #tpu.memory_space<hbm>> -> memref<57344xf32, #tpu.memory_space<hbm>>
      %dma_wait3A_103 = arith.constant 0 : i32
      %dma_wait3A_104 = tpu.memref_slice %arg7[%dma_wait3A_103] : memref<57344xf32, #tpu.memory_space<vmem>> -> memref<57344xf32, #tpu.memory_space<vmem>>
      tpu.wait_dma2 semaphore(%arg11 : memref<!tpu.dma_semaphore, #tpu.memory_space<semaphore_mem>>) src(%dma_wait3A_104 : memref<57344xf32, #tpu.memory_space<vmem>>) dst(%dma_wait3A_102 : memref<57344xf32, #tpu.memory_space<hbm>>)
      %add3A_105 = arith.constant 172032 : i32
      %add3A_106 = arith.addi %mul3A_2, %add3A_105 : i32
      %dma_start3A_107 = arith.constant 0 : i32
      %dma_start3A_108 = tpu.memref_slice %arg7[%dma_start3A_107] : memref<57344xf32, #tpu.memory_space<vmem>> -> memref<57344xf32, #tpu.memory_space<vmem>>
      %dma_start3A_109 = tpu.memref_slice %arg2[%add3A_106] : memref<15000000xf32, #tpu.memory_space<hbm>> -> memref<57344xf32, #tpu.memory_space<hbm>>
      %dma_start3A_110 = arith.constant 0 : i32
      %dma_start3A_111 = tpu.memref_slice %arg7[%dma_start3A_110] : memref<57344xf32, #tpu.memory_space<vmem>> -> memref<57344xf32, #tpu.memory_space<vmem>>
      %dma_start3A_112 = tpu.memref_slice %arg2[%add3A_106] : memref<15000000xf32, #tpu.memory_space<hbm>> -> memref<57344xf32, #tpu.memory_space<hbm>>
      tpu.enqueue_dma source(%dma_start3A_112 : memref<57344xf32, #tpu.memory_space<hbm>>) target(%dma_start3A_111 : memref<57344xf32, #tpu.memory_space<vmem>>) target_semaphore(%arg9 : memref<!tpu.dma_semaphore, #tpu.memory_space<semaphore_mem>>)
      %add3A_113 = arith.constant 172032 : i32
      %add3A_114 = arith.addi %mul3A_2, %add3A_113 : i32
      %dma_wait3A_115 = arith.constant 0 : i32
      %dma_wait3A_116 = tpu.memref_slice %arg7[%dma_wait3A_115] : memref<57344xf32, #tpu.memory_space<vmem>> -> memref<57344xf32, #tpu.memory_space<vmem>>
      %dma_wait3A_117 = tpu.memref_slice %arg2[%add3A_114] : memref<15000000xf32, #tpu.memory_space<hbm>> -> memref<57344xf32, #tpu.memory_space<hbm>>
      %dma_wait3A_118 = arith.constant 0 : i32
      %dma_wait3A_119 = tpu.memref_slice %arg7[%dma_wait3A_118] : memref<57344xf32, #tpu.memory_space<vmem>> -> memref<57344xf32, #tpu.memory_space<vmem>>
      %dma_wait3A_120 = tpu.memref_slice %arg2[%add3A_114] : memref<15000000xf32, #tpu.memory_space<hbm>> -> memref<57344xf32, #tpu.memory_space<hbm>>
      tpu.wait_dma2 semaphore(%arg9 : memref<!tpu.dma_semaphore, #tpu.memory_space<semaphore_mem>>) src(%dma_wait3A_120 : memref<57344xf32, #tpu.memory_space<hbm>>) dst(%dma_wait3A_119 : memref<57344xf32, #tpu.memory_space<vmem>>)
      %add3A_121 = arith.constant 172032 : i32
      %add3A_122 = arith.addi %mul3A_2, %add3A_121 : i32
      %dma_start3A_123 = arith.constant 0 : i32
      %dma_start3A_124 = tpu.memref_slice %arg7[%dma_start3A_123] : memref<57344xf32, #tpu.memory_space<vmem>> -> memref<57344xf32, #tpu.memory_space<vmem>>
      %dma_start3A_125 = tpu.memref_slice %arg4[%add3A_122] : memref<15000000xf32, #tpu.memory_space<hbm>> -> memref<57344xf32, #tpu.memory_space<hbm>>
      %dma_start3A_126 = tpu.memref_slice %arg4[%add3A_122] : memref<15000000xf32, #tpu.memory_space<hbm>> -> memref<57344xf32, #tpu.memory_space<hbm>>
      %dma_start3A_127 = arith.constant 0 : i32
      %dma_start3A_128 = tpu.memref_slice %arg7[%dma_start3A_127] : memref<57344xf32, #tpu.memory_space<vmem>> -> memref<57344xf32, #tpu.memory_space<vmem>>
      tpu.enqueue_dma source(%dma_start3A_128 : memref<57344xf32, #tpu.memory_space<vmem>>) target(%dma_start3A_126 : memref<57344xf32, #tpu.memory_space<hbm>>) target_semaphore(%arg11 : memref<!tpu.dma_semaphore, #tpu.memory_space<semaphore_mem>>)
      %add3A_129 = arith.constant 114688 : i32
      %add3A_130 = arith.addi %mul3A_2, %add3A_129 : i32
      %dma_wait3A_131 = arith.constant 0 : i32
      %dma_wait3A_132 = tpu.memref_slice %arg6[%dma_wait3A_131] : memref<57344xf32, #tpu.memory_space<vmem>> -> memref<57344xf32, #tpu.memory_space<vmem>>
      %dma_wait3A_133 = tpu.memref_slice %arg4[%add3A_130] : memref<15000000xf32, #tpu.memory_space<hbm>> -> memref<57344xf32, #tpu.memory_space<hbm>>
      %dma_wait3A_134 = tpu.memref_slice %arg4[%add3A_130] : memref<15000000xf32, #tpu.memory_space<hbm>> -> memref<57344xf32, #tpu.memory_space<hbm>>
      %dma_wait3A_135 = arith.constant 0 : i32
      %dma_wait3A_136 = tpu.memref_slice %arg6[%dma_wait3A_135] : memref<57344xf32, #tpu.memory_space<vmem>> -> memref<57344xf32, #tpu.memory_space<vmem>>
      tpu.wait_dma2 semaphore(%arg10 : memref<!tpu.dma_semaphore, #tpu.memory_space<semaphore_mem>>) src(%dma_wait3A_136 : memref<57344xf32, #tpu.memory_space<vmem>>) dst(%dma_wait3A_134 : memref<57344xf32, #tpu.memory_space<hbm>>)
      %add3A_137 = arith.constant 229376 : i32
      %add3A_138 = arith.addi %mul3A_2, %add3A_137 : i32
      %dma_start3A_139 = arith.constant 0 : i32
      %dma_start3A_140 = tpu.memref_slice %arg6[%dma_start3A_139] : memref<57344xf32, #tpu.memory_space<vmem>> -> memref<57344xf32, #tpu.memory_space<vmem>>
      %dma_start3A_141 = tpu.memref_slice %arg2[%add3A_138] : memref<15000000xf32, #tpu.memory_space<hbm>> -> memref<57344xf32, #tpu.memory_space<hbm>>
      %dma_start3A_142 = arith.constant 0 : i32
      %dma_start3A_143 = tpu.memref_slice %arg6[%dma_start3A_142] : memref<57344xf32, #tpu.memory_space<vmem>> -> memref<57344xf32, #tpu.memory_space<vmem>>
      %dma_start3A_144 = tpu.memref_slice %arg2[%add3A_138] : memref<15000000xf32, #tpu.memory_space<hbm>> -> memref<57344xf32, #tpu.memory_space<hbm>>
      tpu.enqueue_dma source(%dma_start3A_144 : memref<57344xf32, #tpu.memory_space<hbm>>) target(%dma_start3A_143 : memref<57344xf32, #tpu.memory_space<vmem>>) target_semaphore(%arg8 : memref<!tpu.dma_semaphore, #tpu.memory_space<semaphore_mem>>)
      %add3A_145 = arith.constant 229376 : i32
      %add3A_146 = arith.addi %mul3A_2, %add3A_145 : i32
      %dma_wait3A_147 = arith.constant 0 : i32
      %dma_wait3A_148 = tpu.memref_slice %arg6[%dma_wait3A_147] : memref<57344xf32, #tpu.memory_space<vmem>> -> memref<57344xf32, #tpu.memory_space<vmem>>
      %dma_wait3A_149 = tpu.memref_slice %arg2[%add3A_146] : memref<15000000xf32, #tpu.memory_space<hbm>> -> memref<57344xf32, #tpu.memory_space<hbm>>
      %dma_wait3A_150 = arith.constant 0 : i32
      %dma_wait3A_151 = tpu.memref_slice %arg6[%dma_wait3A_150] : memref<57344xf32, #tpu.memory_space<vmem>> -> memref<57344xf32, #tpu.memory_space<vmem>>
      %dma_wait3A_152 = tpu.memref_slice %arg2[%add3A_146] : memref<15000000xf32, #tpu.memory_space<hbm>> -> memref<57344xf32, #tpu.memory_space<hbm>>
      tpu.wait_dma2 semaphore(%arg8 : memref<!tpu.dma_semaphore, #tpu.memory_space<semaphore_mem>>) src(%dma_wait3A_152 : memref<57344xf32, #tpu.memory_space<hbm>>) dst(%dma_wait3A_151 : memref<57344xf32, #tpu.memory_space<vmem>>)
      %add3A_153 = arith.constant 229376 : i32
      %add3A_154 = arith.addi %mul3A_2, %add3A_153 : i32
      %dma_start3A_155 = arith.constant 0 : i32
      %dma_start3A_156 = tpu.memref_slice %arg6[%dma_start3A_155] : memref<57344xf32, #tpu.memory_space<vmem>> -> memref<57344xf32, #tpu.memory_space<vmem>>
      %dma_start3A_157 = tpu.memref_slice %arg4[%add3A_154] : memref<15000000xf32, #tpu.memory_space<hbm>> -> memref<57344xf32, #tpu.memory_space<hbm>>
      %dma_start3A_158 = tpu.memref_slice %arg4[%add3A_154] : memref<15000000xf32, #tpu.memory_space<hbm>> -> memref<57344xf32, #tpu.memory_space<hbm>>
      %dma_start3A_159 = arith.constant 0 : i32
      %dma_start3A_160 = tpu.memref_slice %arg6[%dma_start3A_159] : memref<57344xf32, #tpu.memory_space<vmem>> -> memref<57344xf32, #tpu.memory_space<vmem>>
      tpu.enqueue_dma source(%dma_start3A_160 : memref<57344xf32, #tpu.memory_space<vmem>>) target(%dma_start3A_158 : memref<57344xf32, #tpu.memory_space<hbm>>) target_semaphore(%arg10 : memref<!tpu.dma_semaphore, #tpu.memory_space<semaphore_mem>>)
      %add3A_161 = arith.constant 172032 : i32
      %add3A_162 = arith.addi %mul3A_2, %add3A_161 : i32
      %dma_wait3A_163 = arith.constant 0 : i32
      %dma_wait3A_164 = tpu.memref_slice %arg7[%dma_wait3A_163] : memref<57344xf32, #tpu.memory_space<vmem>> -> memref<57344xf32, #tpu.memory_space<vmem>>
      %dma_wait3A_165 = tpu.memref_slice %arg4[%add3A_162] : memref<15000000xf32, #tpu.memory_space<hbm>> -> memref<57344xf32, #tpu.memory_space<hbm>>
      %dma_wait3A_166 = tpu.memref_slice %arg4[%add3A_162] : memref<15000000xf32, #tpu.memory_space<hbm>> -> memref<57344xf32, #tpu.memory_space<hbm>>
      %dma_wait3A_167 = arith.constant 0 : i32
      %dma_wait3A_168 = tpu.memref_slice %arg7[%dma_wait3A_167] : memref<57344xf32, #tpu.memory_space<vmem>> -> memref<57344xf32, #tpu.memory_space<vmem>>
      tpu.wait_dma2 semaphore(%arg11 : memref<!tpu.dma_semaphore, #tpu.memory_space<semaphore_mem>>) src(%dma_wait3A_168 : memref<57344xf32, #tpu.memory_space<vmem>>) dst(%dma_wait3A_166 : memref<57344xf32, #tpu.memory_space<hbm>>)
      %add3A_169 = arith.constant 286720 : i32
      %add3A_170 = arith.addi %mul3A_2, %add3A_169 : i32
      %dma_start3A_171 = arith.constant 0 : i32
      %dma_start3A_172 = tpu.memref_slice %arg7[%dma_start3A_171] : memref<57344xf32, #tpu.memory_space<vmem>> -> memref<57344xf32, #tpu.memory_space<vmem>>
      %dma_start3A_173 = tpu.memref_slice %arg2[%add3A_170] : memref<15000000xf32, #tpu.memory_space<hbm>> -> memref<57344xf32, #tpu.memory_space<hbm>>
      %dma_start3A_174 = arith.constant 0 : i32
      %dma_start3A_175 = tpu.memref_slice %arg7[%dma_start3A_174] : memref<57344xf32, #tpu.memory_space<vmem>> -> memref<57344xf32, #tpu.memory_space<vmem>>
      %dma_start3A_176 = tpu.memref_slice %arg2[%add3A_170] : memref<15000000xf32, #tpu.memory_space<hbm>> -> memref<57344xf32, #tpu.memory_space<hbm>>
      tpu.enqueue_dma source(%dma_start3A_176 : memref<57344xf32, #tpu.memory_space<hbm>>) target(%dma_start3A_175 : memref<57344xf32, #tpu.memory_space<vmem>>) target_semaphore(%arg9 : memref<!tpu.dma_semaphore, #tpu.memory_space<semaphore_mem>>)
      %add3A_177 = arith.constant 286720 : i32
      %add3A_178 = arith.addi %mul3A_2, %add3A_177 : i32
      %dma_wait3A_179 = arith.constant 0 : i32
      %dma_wait3A_180 = tpu.memref_slice %arg7[%dma_wait3A_179] : memref<57344xf32, #tpu.memory_space<vmem>> -> memref<57344xf32, #tpu.memory_space<vmem>>
      %dma_wait3A_181 = tpu.memref_slice %arg2[%add3A_178] : memref<15000000xf32, #tpu.memory_space<hbm>> -> memref<57344xf32, #tpu.memory_space<hbm>>
      %dma_wait3A_182 = arith.constant 0 : i32
      %dma_wait3A_183 = tpu.memref_slice %arg7[%dma_wait3A_182] : memref<57344xf32, #tpu.memory_space<vmem>> -> memref<57344xf32, #tpu.memory_space<vmem>>
      %dma_wait3A_184 = tpu.memref_slice %arg2[%add3A_178] : memref<15000000xf32, #tpu.memory_space<hbm>> -> memref<57344xf32, #tpu.memory_space<hbm>>
      tpu.wait_dma2 semaphore(%arg9 : memref<!tpu.dma_semaphore, #tpu.memory_space<semaphore_mem>>) src(%dma_wait3A_184 : memref<57344xf32, #tpu.memory_space<hbm>>) dst(%dma_wait3A_183 : memref<57344xf32, #tpu.memory_space<vmem>>)
      %add3A_185 = arith.constant 286720 : i32
      %add3A_186 = arith.addi %mul3A_2, %add3A_185 : i32
      %dma_start3A_187 = arith.constant 0 : i32
      %dma_start3A_188 = tpu.memref_slice %arg7[%dma_start3A_187] : memref<57344xf32, #tpu.memory_space<vmem>> -> memref<57344xf32, #tpu.memory_space<vmem>>
      %dma_start3A_189 = tpu.memref_slice %arg4[%add3A_186] : memref<15000000xf32, #tpu.memory_space<hbm>> -> memref<57344xf32, #tpu.memory_space<hbm>>
      %dma_start3A_190 = tpu.memref_slice %arg4[%add3A_186] : memref<15000000xf32, #tpu.memory_space<hbm>> -> memref<57344xf32, #tpu.memory_space<hbm>>
      %dma_start3A_191 = arith.constant 0 : i32
      %dma_start3A_192 = tpu.memref_slice %arg7[%dma_start3A_191] : memref<57344xf32, #tpu.memory_space<vmem>> -> memref<57344xf32, #tpu.memory_space<vmem>>
      tpu.enqueue_dma source(%dma_start3A_192 : memref<57344xf32, #tpu.memory_space<vmem>>) target(%dma_start3A_190 : memref<57344xf32, #tpu.memory_space<hbm>>) target_semaphore(%arg11 : memref<!tpu.dma_semaphore, #tpu.memory_space<semaphore_mem>>)
      %add3A_193 = arith.constant 229376 : i32
      %add3A_194 = arith.addi %mul3A_2, %add3A_193 : i32
      %dma_wait3A_195 = arith.constant 0 : i32
      %dma_wait3A_196 = tpu.memref_slice %arg6[%dma_wait3A_195] : memref<57344xf32, #tpu.memory_space<vmem>> -> memref<57344xf32, #tpu.memory_space<vmem>>
      %dma_wait3A_197 = tpu.memref_slice %arg4[%add3A_194] : memref<15000000xf32, #tpu.memory_space<hbm>> -> memref<57344xf32, #tpu.memory_space<hbm>>
      %dma_wait3A_198 = tpu.memref_slice %arg4[%add3A_194] : memref<15000000xf32, #tpu.memory_space<hbm>> -> memref<57344xf32, #tpu.memory_space<hbm>>
      %dma_wait3A_199 = arith.constant 0 : i32
      %dma_wait3A_200 = tpu.memref_slice %arg6[%dma_wait3A_199] : memref<57344xf32, #tpu.memory_space<vmem>> -> memref<57344xf32, #tpu.memory_space<vmem>>
      tpu.wait_dma2 semaphore(%arg10 : memref<!tpu.dma_semaphore, #tpu.memory_space<semaphore_mem>>) src(%dma_wait3A_200 : memref<57344xf32, #tpu.memory_space<vmem>>) dst(%dma_wait3A_198 : memref<57344xf32, #tpu.memory_space<hbm>>)
      %add3A_201 = arith.constant 344064 : i32
      %add3A_202 = arith.addi %mul3A_2, %add3A_201 : i32
      %dma_start3A_203 = arith.constant 0 : i32
      %dma_start3A_204 = tpu.memref_slice %arg6[%dma_start3A_203] : memref<57344xf32, #tpu.memory_space<vmem>> -> memref<57344xf32, #tpu.memory_space<vmem>>
      %dma_start3A_205 = tpu.memref_slice %arg2[%add3A_202] : memref<15000000xf32, #tpu.memory_space<hbm>> -> memref<57344xf32, #tpu.memory_space<hbm>>
      %dma_start3A_206 = arith.constant 0 : i32
      %dma_start3A_207 = tpu.memref_slice %arg6[%dma_start3A_206] : memref<57344xf32, #tpu.memory_space<vmem>> -> memref<57344xf32, #tpu.memory_space<vmem>>
      %dma_start3A_208 = tpu.memref_slice %arg2[%add3A_202] : memref<15000000xf32, #tpu.memory_space<hbm>> -> memref<57344xf32, #tpu.memory_space<hbm>>
      tpu.enqueue_dma source(%dma_start3A_208 : memref<57344xf32, #tpu.memory_space<hbm>>) target(%dma_start3A_207 : memref<57344xf32, #tpu.memory_space<vmem>>) target_semaphore(%arg8 : memref<!tpu.dma_semaphore, #tpu.memory_space<semaphore_mem>>)
      %add3A_209 = arith.constant 344064 : i32
      %add3A_210 = arith.addi %mul3A_2, %add3A_209 : i32
      %dma_wait3A_211 = arith.constant 0 : i32
      %dma_wait3A_212 = tpu.memref_slice %arg6[%dma_wait3A_211] : memref<57344xf32, #tpu.memory_space<vmem>> -> memref<57344xf32, #tpu.memory_space<vmem>>
      %dma_wait3A_213 = tpu.memref_slice %arg2[%add3A_210] : memref<15000000xf32, #tpu.memory_space<hbm>> -> memref<57344xf32, #tpu.memory_space<hbm>>
      %dma_wait3A_214 = arith.constant 0 : i32
      %dma_wait3A_215 = tpu.memref_slice %arg6[%dma_wait3A_214] : memref<57344xf32, #tpu.memory_space<vmem>> -> memref<57344xf32, #tpu.memory_space<vmem>>
      %dma_wait3A_216 = tpu.memref_slice %arg2[%add3A_210] : memref<15000000xf32, #tpu.memory_space<hbm>> -> memref<57344xf32, #tpu.memory_space<hbm>>
      tpu.wait_dma2 semaphore(%arg8 : memref<!tpu.dma_semaphore, #tpu.memory_space<semaphore_mem>>) src(%dma_wait3A_216 : memref<57344xf32, #tpu.memory_space<hbm>>) dst(%dma_wait3A_215 : memref<57344xf32, #tpu.memory_space<vmem>>)
      %add3A_217 = arith.constant 344064 : i32
      %add3A_218 = arith.addi %mul3A_2, %add3A_217 : i32
      %dma_start3A_219 = arith.constant 0 : i32
      %dma_start3A_220 = tpu.memref_slice %arg6[%dma_start3A_219] : memref<57344xf32, #tpu.memory_space<vmem>> -> memref<57344xf32, #tpu.memory_space<vmem>>
      %dma_start3A_221 = tpu.memref_slice %arg4[%add3A_218] : memref<15000000xf32, #tpu.memory_space<hbm>> -> memref<57344xf32, #tpu.memory_space<hbm>>
      %dma_start3A_222 = tpu.memref_slice %arg4[%add3A_218] : memref<15000000xf32, #tpu.memory_space<hbm>> -> memref<57344xf32, #tpu.memory_space<hbm>>
      %dma_start3A_223 = arith.constant 0 : i32
      %dma_start3A_224 = tpu.memref_slice %arg6[%dma_start3A_223] : memref<57344xf32, #tpu.memory_space<vmem>> -> memref<57344xf32, #tpu.memory_space<vmem>>
      tpu.enqueue_dma source(%dma_start3A_224 : memref<57344xf32, #tpu.memory_space<vmem>>) target(%dma_start3A_222 : memref<57344xf32, #tpu.memory_space<hbm>>) target_semaphore(%arg10 : memref<!tpu.dma_semaphore, #tpu.memory_space<semaphore_mem>>)
      %add3A_225 = arith.constant 286720 : i32
      %add3A_226 = arith.addi %mul3A_2, %add3A_225 : i32
      %dma_wait3A_227 = arith.constant 0 : i32
      %dma_wait3A_228 = tpu.memref_slice %arg7[%dma_wait3A_227] : memref<57344xf32, #tpu.memory_space<vmem>> -> memref<57344xf32, #tpu.memory_space<vmem>>
      %dma_wait3A_229 = tpu.memref_slice %arg4[%add3A_226] : memref<15000000xf32, #tpu.memory_space<hbm>> -> memref<57344xf32, #tpu.memory_space<hbm>>
      %dma_wait3A_230 = tpu.memref_slice %arg4[%add3A_226] : memref<15000000xf32, #tpu.memory_space<hbm>> -> memref<57344xf32, #tpu.memory_space<hbm>>
      %dma_wait3A_231 = arith.constant 0 : i32
      %dma_wait3A_232 = tpu.memref_slice %arg7[%dma_wait3A_231] : memref<57344xf32, #tpu.memory_space<vmem>> -> memref<57344xf32, #tpu.memory_space<vmem>>
      tpu.wait_dma2 semaphore(%arg11 : memref<!tpu.dma_semaphore, #tpu.memory_space<semaphore_mem>>) src(%dma_wait3A_232 : memref<57344xf32, #tpu.memory_space<vmem>>) dst(%dma_wait3A_230 : memref<57344xf32, #tpu.memory_space<hbm>>)
      %add3A_233 = arith.constant 401408 : i32
      %add3A_234 = arith.addi %mul3A_2, %add3A_233 : i32
      %dma_start3A_235 = arith.constant 0 : i32
      %dma_start3A_236 = tpu.memref_slice %arg7[%dma_start3A_235] : memref<57344xf32, #tpu.memory_space<vmem>> -> memref<57344xf32, #tpu.memory_space<vmem>>
      %dma_start3A_237 = tpu.memref_slice %arg2[%add3A_234] : memref<15000000xf32, #tpu.memory_space<hbm>> -> memref<57344xf32, #tpu.memory_space<hbm>>
      %dma_start3A_238 = arith.constant 0 : i32
      %dma_start3A_239 = tpu.memref_slice %arg7[%dma_start3A_238] : memref<57344xf32, #tpu.memory_space<vmem>> -> memref<57344xf32, #tpu.memory_space<vmem>>
      %dma_start3A_240 = tpu.memref_slice %arg2[%add3A_234] : memref<15000000xf32, #tpu.memory_space<hbm>> -> memref<57344xf32, #tpu.memory_space<hbm>>
      tpu.enqueue_dma source(%dma_start3A_240 : memref<57344xf32, #tpu.memory_space<hbm>>) target(%dma_start3A_239 : memref<57344xf32, #tpu.memory_space<vmem>>) target_semaphore(%arg9 : memref<!tpu.dma_semaphore, #tpu.memory_space<semaphore_mem>>)
      %add3A_241 = arith.constant 401408 : i32
      %add3A_242 = arith.addi %mul3A_2, %add3A_241 : i32
      %dma_wait3A_243 = arith.constant 0 : i32
      %dma_wait3A_244 = tpu.memref_slice %arg7[%dma_wait3A_243] : memref<57344xf32, #tpu.memory_space<vmem>> -> memref<57344xf32, #tpu.memory_space<vmem>>
      %dma_wait3A_245 = tpu.memref_slice %arg2[%add3A_242] : memref<15000000xf32, #tpu.memory_space<hbm>> -> memref<57344xf32, #tpu.memory_space<hbm>>
      %dma_wait3A_246 = arith.constant 0 : i32
      %dma_wait3A_247 = tpu.memref_slice %arg7[%dma_wait3A_246] : memref<57344xf32, #tpu.memory_space<vmem>> -> memref<57344xf32, #tpu.memory_space<vmem>>
      %dma_wait3A_248 = tpu.memref_slice %arg2[%add3A_242] : memref<15000000xf32, #tpu.memory_space<hbm>> -> memref<57344xf32, #tpu.memory_space<hbm>>
      tpu.wait_dma2 semaphore(%arg9 : memref<!tpu.dma_semaphore, #tpu.memory_space<semaphore_mem>>) src(%dma_wait3A_248 : memref<57344xf32, #tpu.memory_space<hbm>>) dst(%dma_wait3A_247 : memref<57344xf32, #tpu.memory_space<vmem>>)
      %add3A_249 = arith.constant 401408 : i32
      %add3A_250 = arith.addi %mul3A_2, %add3A_249 : i32
      %dma_start3A_251 = arith.constant 0 : i32
      %dma_start3A_252 = tpu.memref_slice %arg7[%dma_start3A_251] : memref<57344xf32, #tpu.memory_space<vmem>> -> memref<57344xf32, #tpu.memory_space<vmem>>
      %dma_start3A_253 = tpu.memref_slice %arg4[%add3A_250] : memref<15000000xf32, #tpu.memory_space<hbm>> -> memref<57344xf32, #tpu.memory_space<hbm>>
      %dma_start3A_254 = tpu.memref_slice %arg4[%add3A_250] : memref<15000000xf32, #tpu.memory_space<hbm>> -> memref<57344xf32, #tpu.memory_space<hbm>>
      %dma_start3A_255 = arith.constant 0 : i32
      %dma_start3A_256 = tpu.memref_slice %arg7[%dma_start3A_255] : memref<57344xf32, #tpu.memory_space<vmem>> -> memref<57344xf32, #tpu.memory_space<vmem>>
      tpu.enqueue_dma source(%dma_start3A_256 : memref<57344xf32, #tpu.memory_space<vmem>>) target(%dma_start3A_254 : memref<57344xf32, #tpu.memory_space<hbm>>) target_semaphore(%arg11 : memref<!tpu.dma_semaphore, #tpu.memory_space<semaphore_mem>>)
      %add3A_257 = arith.constant 344064 : i32
      %add3A_258 = arith.addi %mul3A_2, %add3A_257 : i32
      %dma_wait3A_259 = arith.constant 0 : i32
      %dma_wait3A_260 = tpu.memref_slice %arg6[%dma_wait3A_259] : memref<57344xf32, #tpu.memory_space<vmem>> -> memref<57344xf32, #tpu.memory_space<vmem>>
      %dma_wait3A_261 = tpu.memref_slice %arg4[%add3A_258] : memref<15000000xf32, #tpu.memory_space<hbm>> -> memref<57344xf32, #tpu.memory_space<hbm>>
      %dma_wait3A_262 = tpu.memref_slice %arg4[%add3A_258] : memref<15000000xf32, #tpu.memory_space<hbm>> -> memref<57344xf32, #tpu.memory_space<hbm>>
      %dma_wait3A_263 = arith.constant 0 : i32
      %dma_wait3A_264 = tpu.memref_slice %arg6[%dma_wait3A_263] : memref<57344xf32, #tpu.memory_space<vmem>> -> memref<57344xf32, #tpu.memory_space<vmem>>
      tpu.wait_dma2 semaphore(%arg10 : memref<!tpu.dma_semaphore, #tpu.memory_space<semaphore_mem>>) src(%dma_wait3A_264 : memref<57344xf32, #tpu.memory_space<vmem>>) dst(%dma_wait3A_262 : memref<57344xf32, #tpu.memory_space<hbm>>)
      %add3A_265 = arith.constant 458752 : i32
      %add3A_266 = arith.addi %mul3A_2, %add3A_265 : i32
      %dma_start3A_267 = arith.constant 0 : i32
      %dma_start3A_268 = tpu.memref_slice %arg6[%dma_start3A_267] : memref<57344xf32, #tpu.memory_space<vmem>> -> memref<2496xf32, #tpu.memory_space<vmem>>
      %dma_start3A_269 = tpu.memref_slice %arg2[%add3A_266] : memref<15000000xf32, #tpu.memory_space<hbm>> -> memref<2496xf32, #tpu.memory_space<hbm>>
      %dma_start3A_270 = arith.constant 0 : i32
      %dma_start3A_271 = tpu.memref_slice %arg6[%dma_start3A_270] : memref<57344xf32, #tpu.memory_space<vmem>> -> memref<2496xf32, #tpu.memory_space<vmem>>
      %dma_start3A_272 = tpu.memref_slice %arg2[%add3A_266] : memref<15000000xf32, #tpu.memory_space<hbm>> -> memref<2496xf32, #tpu.memory_space<hbm>>
      tpu.enqueue_dma source(%dma_start3A_272 : memref<2496xf32, #tpu.memory_space<hbm>>) target(%dma_start3A_271 : memref<2496xf32, #tpu.memory_space<vmem>>) target_semaphore(%arg8 : memref<!tpu.dma_semaphore, #tpu.memory_space<semaphore_mem>>)
      %add3A_273 = arith.constant 458752 : i32
      %add3A_274 = arith.addi %mul3A_2, %add3A_273 : i32
      %dma_wait3A_275 = arith.constant 0 : i32
      %dma_wait3A_276 = tpu.memref_slice %arg6[%dma_wait3A_275] : memref<57344xf32, #tpu.memory_space<vmem>> -> memref<2496xf32, #tpu.memory_space<vmem>>
      %dma_wait3A_277 = tpu.memref_slice %arg2[%add3A_274] : memref<15000000xf32, #tpu.memory_space<hbm>> -> memref<2496xf32, #tpu.memory_space<hbm>>
      %dma_wait3A_278 = arith.constant 0 : i32
      %dma_wait3A_279 = tpu.memref_slice %arg6[%dma_wait3A_278] : memref<57344xf32, #tpu.memory_space<vmem>> -> memref<2496xf32, #tpu.memory_space<vmem>>
      %dma_wait3A_280 = tpu.memref_slice %arg2[%add3A_274] : memref<15000000xf32, #tpu.memory_space<hbm>> -> memref<2496xf32, #tpu.memory_space<hbm>>
      tpu.wait_dma2 semaphore(%arg8 : memref<!tpu.dma_semaphore, #tpu.memory_space<semaphore_mem>>) src(%dma_wait3A_280 : memref<2496xf32, #tpu.memory_space<hbm>>) dst(%dma_wait3A_279 : memref<2496xf32, #tpu.memory_space<vmem>>)
      %add3A_281 = arith.constant 458752 : i32
      %add3A_282 = arith.addi %mul3A_2, %add3A_281 : i32
      %dma_start3A_283 = arith.constant 0 : i32
      %dma_start3A_284 = tpu.memref_slice %arg6[%dma_start3A_283] : memref<57344xf32, #tpu.memory_space<vmem>> -> memref<2496xf32, #tpu.memory_space<vmem>>
      %dma_start3A_285 = tpu.memref_slice %arg4[%add3A_282] : memref<15000000xf32, #tpu.memory_space<hbm>> -> memref<2496xf32, #tpu.memory_space<hbm>>
      %dma_start3A_286 = tpu.memref_slice %arg4[%add3A_282] : memref<15000000xf32, #tpu.memory_space<hbm>> -> memref<2496xf32, #tpu.memory_space<hbm>>
      %dma_start3A_287 = arith.constant 0 : i32
      %dma_start3A_288 = tpu.memref_slice %arg6[%dma_start3A_287] : memref<57344xf32, #tpu.memory_space<vmem>> -> memref<2496xf32, #tpu.memory_space<vmem>>
      tpu.enqueue_dma source(%dma_start3A_288 : memref<2496xf32, #tpu.memory_space<vmem>>) target(%dma_start3A_286 : memref<2496xf32, #tpu.memory_space<hbm>>) target_semaphore(%arg10 : memref<!tpu.dma_semaphore, #tpu.memory_space<semaphore_mem>>)
      %add3A_289 = arith.constant 401408 : i32
      %add3A_290 = arith.addi %mul3A_2, %add3A_289 : i32
      %dma_wait3A_291 = arith.constant 0 : i32
      %dma_wait3A_292 = tpu.memref_slice %arg7[%dma_wait3A_291] : memref<57344xf32, #tpu.memory_space<vmem>> -> memref<57344xf32, #tpu.memory_space<vmem>>
      %dma_wait3A_293 = tpu.memref_slice %arg4[%add3A_290] : memref<15000000xf32, #tpu.memory_space<hbm>> -> memref<57344xf32, #tpu.memory_space<hbm>>
      %dma_wait3A_294 = tpu.memref_slice %arg4[%add3A_290] : memref<15000000xf32, #tpu.memory_space<hbm>> -> memref<57344xf32, #tpu.memory_space<hbm>>
      %dma_wait3A_295 = arith.constant 0 : i32
      %dma_wait3A_296 = tpu.memref_slice %arg7[%dma_wait3A_295] : memref<57344xf32, #tpu.memory_space<vmem>> -> memref<57344xf32, #tpu.memory_space<vmem>>
      tpu.wait_dma2 semaphore(%arg11 : memref<!tpu.dma_semaphore, #tpu.memory_space<semaphore_mem>>) src(%dma_wait3A_296 : memref<57344xf32, #tpu.memory_space<vmem>>) dst(%dma_wait3A_294 : memref<57344xf32, #tpu.memory_space<hbm>>)
      %add3A_297 = arith.constant 458752 : i32
      %add3A_298 = arith.addi %mul3A_2, %add3A_297 : i32
      %dma_wait3A_299 = arith.constant 0 : i32
      %dma_wait3A_300 = tpu.memref_slice %arg6[%dma_wait3A_299] : memref<57344xf32, #tpu.memory_space<vmem>> -> memref<2496xf32, #tpu.memory_space<vmem>>
      %dma_wait3A_301 = tpu.memref_slice %arg4[%add3A_298] : memref<15000000xf32, #tpu.memory_space<hbm>> -> memref<2496xf32, #tpu.memory_space<hbm>>
      %dma_wait3A_302 = tpu.memref_slice %arg4[%add3A_298] : memref<15000000xf32, #tpu.memory_space<hbm>> -> memref<2496xf32, #tpu.memory_space<hbm>>
      %dma_wait3A_303 = arith.constant 0 : i32
      %dma_wait3A_304 = tpu.memref_slice %arg6[%dma_wait3A_303] : memref<57344xf32, #tpu.memory_space<vmem>> -> memref<2496xf32, #tpu.memory_space<vmem>>
      tpu.wait_dma2 semaphore(%arg10 : memref<!tpu.dma_semaphore, #tpu.memory_space<semaphore_mem>>) src(%dma_wait3A_304 : memref<2496xf32, #tpu.memory_space<vmem>>) dst(%dma_wait3A_302 : memref<2496xf32, #tpu.memory_space<hbm>>)
    } else {
    }
    %lt3A_9 = arith.constant 31 : i32
    %lt3A_10 = arith.cmpi slt, %add3A, %lt3A_9 : i32
    %convert_element_type3A_11 = arith.extui %lt3A_10 : i1 to i32
    %cond3A_12 = arith.constant 0 : i32
    %cond3A_13 = arith.cmpi ne, %convert_element_type3A_11, %cond3A_12 : i32
    scf.if %cond3A_13 {
      %add3A_19 = arith.constant 0 : i32
      %add3A_20 = arith.addi %mul3A_2, %add3A_19 : i32
      %dma_start3A = arith.constant 0 : i32
      %dma_start3A_21 = tpu.memref_slice %arg6[%dma_start3A] : memref<57344xf32, #tpu.memory_space<vmem>> -> memref<57344xf32, #tpu.memory_space<vmem>>
      %dma_start3A_22 = tpu.memref_slice %arg3[%add3A_20] : memref<15000000xf32, #tpu.memory_space<hbm>> -> memref<57344xf32, #tpu.memory_space<hbm>>
      %dma_start3A_23 = arith.constant 0 : i32
      %dma_start3A_24 = tpu.memref_slice %arg6[%dma_start3A_23] : memref<57344xf32, #tpu.memory_space<vmem>> -> memref<57344xf32, #tpu.memory_space<vmem>>
      %dma_start3A_25 = tpu.memref_slice %arg3[%add3A_20] : memref<15000000xf32, #tpu.memory_space<hbm>> -> memref<57344xf32, #tpu.memory_space<hbm>>
      tpu.enqueue_dma source(%dma_start3A_25 : memref<57344xf32, #tpu.memory_space<hbm>>) target(%dma_start3A_24 : memref<57344xf32, #tpu.memory_space<vmem>>) target_semaphore(%arg8 : memref<!tpu.dma_semaphore, #tpu.memory_space<semaphore_mem>>)
      %add3A_26 = arith.constant 0 : i32
      %add3A_27 = arith.addi %mul3A_2, %add3A_26 : i32
      %dma_wait3A = arith.constant 0 : i32
      %dma_wait3A_28 = tpu.memref_slice %arg6[%dma_wait3A] : memref<57344xf32, #tpu.memory_space<vmem>> -> memref<57344xf32, #tpu.memory_space<vmem>>
      %dma_wait3A_29 = tpu.memref_slice %arg3[%add3A_27] : memref<15000000xf32, #tpu.memory_space<hbm>> -> memref<57344xf32, #tpu.memory_space<hbm>>
      %dma_wait3A_30 = arith.constant 0 : i32
      %dma_wait3A_31 = tpu.memref_slice %arg6[%dma_wait3A_30] : memref<57344xf32, #tpu.memory_space<vmem>> -> memref<57344xf32, #tpu.memory_space<vmem>>
      %dma_wait3A_32 = tpu.memref_slice %arg3[%add3A_27] : memref<15000000xf32, #tpu.memory_space<hbm>> -> memref<57344xf32, #tpu.memory_space<hbm>>
      tpu.wait_dma2 semaphore(%arg8 : memref<!tpu.dma_semaphore, #tpu.memory_space<semaphore_mem>>) src(%dma_wait3A_32 : memref<57344xf32, #tpu.memory_space<hbm>>) dst(%dma_wait3A_31 : memref<57344xf32, #tpu.memory_space<vmem>>)
      %add3A_33 = arith.constant 0 : i32
      %add3A_34 = arith.addi %mul3A_2, %add3A_33 : i32
      %dma_start3A_35 = arith.constant 0 : i32
      %dma_start3A_36 = tpu.memref_slice %arg6[%dma_start3A_35] : memref<57344xf32, #tpu.memory_space<vmem>> -> memref<57344xf32, #tpu.memory_space<vmem>>
      %dma_start3A_37 = tpu.memref_slice %arg5[%add3A_34] : memref<15000000xf32, #tpu.memory_space<hbm>> -> memref<57344xf32, #tpu.memory_space<hbm>>
      %dma_start3A_38 = tpu.memref_slice %arg5[%add3A_34] : memref<15000000xf32, #tpu.memory_space<hbm>> -> memref<57344xf32, #tpu.memory_space<hbm>>
      %dma_start3A_39 = arith.constant 0 : i32
      %dma_start3A_40 = tpu.memref_slice %arg6[%dma_start3A_39] : memref<57344xf32, #tpu.memory_space<vmem>> -> memref<57344xf32, #tpu.memory_space<vmem>>
      tpu.enqueue_dma source(%dma_start3A_40 : memref<57344xf32, #tpu.memory_space<vmem>>) target(%dma_start3A_38 : memref<57344xf32, #tpu.memory_space<hbm>>) target_semaphore(%arg10 : memref<!tpu.dma_semaphore, #tpu.memory_space<semaphore_mem>>)
      %add3A_41 = arith.constant 57344 : i32
      %add3A_42 = arith.addi %mul3A_2, %add3A_41 : i32
      %dma_start3A_43 = arith.constant 0 : i32
      %dma_start3A_44 = tpu.memref_slice %arg7[%dma_start3A_43] : memref<57344xf32, #tpu.memory_space<vmem>> -> memref<57344xf32, #tpu.memory_space<vmem>>
      %dma_start3A_45 = tpu.memref_slice %arg3[%add3A_42] : memref<15000000xf32, #tpu.memory_space<hbm>> -> memref<57344xf32, #tpu.memory_space<hbm>>
      %dma_start3A_46 = arith.constant 0 : i32
      %dma_start3A_47 = tpu.memref_slice %arg7[%dma_start3A_46] : memref<57344xf32, #tpu.memory_space<vmem>> -> memref<57344xf32, #tpu.memory_space<vmem>>
      %dma_start3A_48 = tpu.memref_slice %arg3[%add3A_42] : memref<15000000xf32, #tpu.memory_space<hbm>> -> memref<57344xf32, #tpu.memory_space<hbm>>
      tpu.enqueue_dma source(%dma_start3A_48 : memref<57344xf32, #tpu.memory_space<hbm>>) target(%dma_start3A_47 : memref<57344xf32, #tpu.memory_space<vmem>>) target_semaphore(%arg9 : memref<!tpu.dma_semaphore, #tpu.memory_space<semaphore_mem>>)
      %add3A_49 = arith.constant 57344 : i32
      %add3A_50 = arith.addi %mul3A_2, %add3A_49 : i32
      %dma_wait3A_51 = arith.constant 0 : i32
      %dma_wait3A_52 = tpu.memref_slice %arg7[%dma_wait3A_51] : memref<57344xf32, #tpu.memory_space<vmem>> -> memref<57344xf32, #tpu.memory_space<vmem>>
      %dma_wait3A_53 = tpu.memref_slice %arg3[%add3A_50] : memref<15000000xf32, #tpu.memory_space<hbm>> -> memref<57344xf32, #tpu.memory_space<hbm>>
      %dma_wait3A_54 = arith.constant 0 : i32
      %dma_wait3A_55 = tpu.memref_slice %arg7[%dma_wait3A_54] : memref<57344xf32, #tpu.memory_space<vmem>> -> memref<57344xf32, #tpu.memory_space<vmem>>
      %dma_wait3A_56 = tpu.memref_slice %arg3[%add3A_50] : memref<15000000xf32, #tpu.memory_space<hbm>> -> memref<57344xf32, #tpu.memory_space<hbm>>
      tpu.wait_dma2 semaphore(%arg9 : memref<!tpu.dma_semaphore, #tpu.memory_space<semaphore_mem>>) src(%dma_wait3A_56 : memref<57344xf32, #tpu.memory_space<hbm>>) dst(%dma_wait3A_55 : memref<57344xf32, #tpu.memory_space<vmem>>)
      %add3A_57 = arith.constant 57344 : i32
      %add3A_58 = arith.addi %mul3A_2, %add3A_57 : i32
      %dma_start3A_59 = arith.constant 0 : i32
      %dma_start3A_60 = tpu.memref_slice %arg7[%dma_start3A_59] : memref<57344xf32, #tpu.memory_space<vmem>> -> memref<57344xf32, #tpu.memory_space<vmem>>
      %dma_start3A_61 = tpu.memref_slice %arg5[%add3A_58] : memref<15000000xf32, #tpu.memory_space<hbm>> -> memref<57344xf32, #tpu.memory_space<hbm>>
      %dma_start3A_62 = tpu.memref_slice %arg5[%add3A_58] : memref<15000000xf32, #tpu.memory_space<hbm>> -> memref<57344xf32, #tpu.memory_space<hbm>>
      %dma_start3A_63 = arith.constant 0 : i32
      %dma_start3A_64 = tpu.memref_slice %arg7[%dma_start3A_63] : memref<57344xf32, #tpu.memory_space<vmem>> -> memref<57344xf32, #tpu.memory_space<vmem>>
      tpu.enqueue_dma source(%dma_start3A_64 : memref<57344xf32, #tpu.memory_space<vmem>>) target(%dma_start3A_62 : memref<57344xf32, #tpu.memory_space<hbm>>) target_semaphore(%arg11 : memref<!tpu.dma_semaphore, #tpu.memory_space<semaphore_mem>>)
      %add3A_65 = arith.constant 0 : i32
      %add3A_66 = arith.addi %mul3A_2, %add3A_65 : i32
      %dma_wait3A_67 = arith.constant 0 : i32
      %dma_wait3A_68 = tpu.memref_slice %arg6[%dma_wait3A_67] : memref<57344xf32, #tpu.memory_space<vmem>> -> memref<57344xf32, #tpu.memory_space<vmem>>
      %dma_wait3A_69 = tpu.memref_slice %arg5[%add3A_66] : memref<15000000xf32, #tpu.memory_space<hbm>> -> memref<57344xf32, #tpu.memory_space<hbm>>
      %dma_wait3A_70 = tpu.memref_slice %arg5[%add3A_66] : memref<15000000xf32, #tpu.memory_space<hbm>> -> memref<57344xf32, #tpu.memory_space<hbm>>
      %dma_wait3A_71 = arith.constant 0 : i32
      %dma_wait3A_72 = tpu.memref_slice %arg6[%dma_wait3A_71] : memref<57344xf32, #tpu.memory_space<vmem>> -> memref<57344xf32, #tpu.memory_space<vmem>>
      tpu.wait_dma2 semaphore(%arg10 : memref<!tpu.dma_semaphore, #tpu.memory_space<semaphore_mem>>) src(%dma_wait3A_72 : memref<57344xf32, #tpu.memory_space<vmem>>) dst(%dma_wait3A_70 : memref<57344xf32, #tpu.memory_space<hbm>>)
      %add3A_73 = arith.constant 114688 : i32
      %add3A_74 = arith.addi %mul3A_2, %add3A_73 : i32
      %dma_start3A_75 = arith.constant 0 : i32
      %dma_start3A_76 = tpu.memref_slice %arg6[%dma_start3A_75] : memref<57344xf32, #tpu.memory_space<vmem>> -> memref<57344xf32, #tpu.memory_space<vmem>>
      %dma_start3A_77 = tpu.memref_slice %arg3[%add3A_74] : memref<15000000xf32, #tpu.memory_space<hbm>> -> memref<57344xf32, #tpu.memory_space<hbm>>
      %dma_start3A_78 = arith.constant 0 : i32
      %dma_start3A_79 = tpu.memref_slice %arg6[%dma_start3A_78] : memref<57344xf32, #tpu.memory_space<vmem>> -> memref<57344xf32, #tpu.memory_space<vmem>>
      %dma_start3A_80 = tpu.memref_slice %arg3[%add3A_74] : memref<15000000xf32, #tpu.memory_space<hbm>> -> memref<57344xf32, #tpu.memory_space<hbm>>
      tpu.enqueue_dma source(%dma_start3A_80 : memref<57344xf32, #tpu.memory_space<hbm>>) target(%dma_start3A_79 : memref<57344xf32, #tpu.memory_space<vmem>>) target_semaphore(%arg8 : memref<!tpu.dma_semaphore, #tpu.memory_space<semaphore_mem>>)
      %add3A_81 = arith.constant 114688 : i32
      %add3A_82 = arith.addi %mul3A_2, %add3A_81 : i32
      %dma_wait3A_83 = arith.constant 0 : i32
      %dma_wait3A_84 = tpu.memref_slice %arg6[%dma_wait3A_83] : memref<57344xf32, #tpu.memory_space<vmem>> -> memref<57344xf32, #tpu.memory_space<vmem>>
      %dma_wait3A_85 = tpu.memref_slice %arg3[%add3A_82] : memref<15000000xf32, #tpu.memory_space<hbm>> -> memref<57344xf32, #tpu.memory_space<hbm>>
      %dma_wait3A_86 = arith.constant 0 : i32
      %dma_wait3A_87 = tpu.memref_slice %arg6[%dma_wait3A_86] : memref<57344xf32, #tpu.memory_space<vmem>> -> memref<57344xf32, #tpu.memory_space<vmem>>
      %dma_wait3A_88 = tpu.memref_slice %arg3[%add3A_82] : memref<15000000xf32, #tpu.memory_space<hbm>> -> memref<57344xf32, #tpu.memory_space<hbm>>
      tpu.wait_dma2 semaphore(%arg8 : memref<!tpu.dma_semaphore, #tpu.memory_space<semaphore_mem>>) src(%dma_wait3A_88 : memref<57344xf32, #tpu.memory_space<hbm>>) dst(%dma_wait3A_87 : memref<57344xf32, #tpu.memory_space<vmem>>)
      %add3A_89 = arith.constant 114688 : i32
      %add3A_90 = arith.addi %mul3A_2, %add3A_89 : i32
      %dma_start3A_91 = arith.constant 0 : i32
      %dma_start3A_92 = tpu.memref_slice %arg6[%dma_start3A_91] : memref<57344xf32, #tpu.memory_space<vmem>> -> memref<57344xf32, #tpu.memory_space<vmem>>
      %dma_start3A_93 = tpu.memref_slice %arg5[%add3A_90] : memref<15000000xf32, #tpu.memory_space<hbm>> -> memref<57344xf32, #tpu.memory_space<hbm>>
      %dma_start3A_94 = tpu.memref_slice %arg5[%add3A_90] : memref<15000000xf32, #tpu.memory_space<hbm>> -> memref<57344xf32, #tpu.memory_space<hbm>>
      %dma_start3A_95 = arith.constant 0 : i32
      %dma_start3A_96 = tpu.memref_slice %arg6[%dma_start3A_95] : memref<57344xf32, #tpu.memory_space<vmem>> -> memref<57344xf32, #tpu.memory_space<vmem>>
      tpu.enqueue_dma source(%dma_start3A_96 : memref<57344xf32, #tpu.memory_space<vmem>>) target(%dma_start3A_94 : memref<57344xf32, #tpu.memory_space<hbm>>) target_semaphore(%arg10 : memref<!tpu.dma_semaphore, #tpu.memory_space<semaphore_mem>>)
      %add3A_97 = arith.constant 57344 : i32
      %add3A_98 = arith.addi %mul3A_2, %add3A_97 : i32
      %dma_wait3A_99 = arith.constant 0 : i32
      %dma_wait3A_100 = tpu.memref_slice %arg7[%dma_wait3A_99] : memref<57344xf32, #tpu.memory_space<vmem>> -> memref<57344xf32, #tpu.memory_space<vmem>>
      %dma_wait3A_101 = tpu.memref_slice %arg5[%add3A_98] : memref<15000000xf32, #tpu.memory_space<hbm>> -> memref<57344xf32, #tpu.memory_space<hbm>>
      %dma_wait3A_102 = tpu.memref_slice %arg5[%add3A_98] : memref<15000000xf32, #tpu.memory_space<hbm>> -> memref<57344xf32, #tpu.memory_space<hbm>>
      %dma_wait3A_103 = arith.constant 0 : i32
      %dma_wait3A_104 = tpu.memref_slice %arg7[%dma_wait3A_103] : memref<57344xf32, #tpu.memory_space<vmem>> -> memref<57344xf32, #tpu.memory_space<vmem>>
      tpu.wait_dma2 semaphore(%arg11 : memref<!tpu.dma_semaphore, #tpu.memory_space<semaphore_mem>>) src(%dma_wait3A_104 : memref<57344xf32, #tpu.memory_space<vmem>>) dst(%dma_wait3A_102 : memref<57344xf32, #tpu.memory_space<hbm>>)
      %add3A_105 = arith.constant 172032 : i32
      %add3A_106 = arith.addi %mul3A_2, %add3A_105 : i32
      %dma_start3A_107 = arith.constant 0 : i32
      %dma_start3A_108 = tpu.memref_slice %arg7[%dma_start3A_107] : memref<57344xf32, #tpu.memory_space<vmem>> -> memref<57344xf32, #tpu.memory_space<vmem>>
      %dma_start3A_109 = tpu.memref_slice %arg3[%add3A_106] : memref<15000000xf32, #tpu.memory_space<hbm>> -> memref<57344xf32, #tpu.memory_space<hbm>>
      %dma_start3A_110 = arith.constant 0 : i32
      %dma_start3A_111 = tpu.memref_slice %arg7[%dma_start3A_110] : memref<57344xf32, #tpu.memory_space<vmem>> -> memref<57344xf32, #tpu.memory_space<vmem>>
      %dma_start3A_112 = tpu.memref_slice %arg3[%add3A_106] : memref<15000000xf32, #tpu.memory_space<hbm>> -> memref<57344xf32, #tpu.memory_space<hbm>>
      tpu.enqueue_dma source(%dma_start3A_112 : memref<57344xf32, #tpu.memory_space<hbm>>) target(%dma_start3A_111 : memref<57344xf32, #tpu.memory_space<vmem>>) target_semaphore(%arg9 : memref<!tpu.dma_semaphore, #tpu.memory_space<semaphore_mem>>)
      %add3A_113 = arith.constant 172032 : i32
      %add3A_114 = arith.addi %mul3A_2, %add3A_113 : i32
      %dma_wait3A_115 = arith.constant 0 : i32
      %dma_wait3A_116 = tpu.memref_slice %arg7[%dma_wait3A_115] : memref<57344xf32, #tpu.memory_space<vmem>> -> memref<57344xf32, #tpu.memory_space<vmem>>
      %dma_wait3A_117 = tpu.memref_slice %arg3[%add3A_114] : memref<15000000xf32, #tpu.memory_space<hbm>> -> memref<57344xf32, #tpu.memory_space<hbm>>
      %dma_wait3A_118 = arith.constant 0 : i32
      %dma_wait3A_119 = tpu.memref_slice %arg7[%dma_wait3A_118] : memref<57344xf32, #tpu.memory_space<vmem>> -> memref<57344xf32, #tpu.memory_space<vmem>>
      %dma_wait3A_120 = tpu.memref_slice %arg3[%add3A_114] : memref<15000000xf32, #tpu.memory_space<hbm>> -> memref<57344xf32, #tpu.memory_space<hbm>>
      tpu.wait_dma2 semaphore(%arg9 : memref<!tpu.dma_semaphore, #tpu.memory_space<semaphore_mem>>) src(%dma_wait3A_120 : memref<57344xf32, #tpu.memory_space<hbm>>) dst(%dma_wait3A_119 : memref<57344xf32, #tpu.memory_space<vmem>>)
      %add3A_121 = arith.constant 172032 : i32
      %add3A_122 = arith.addi %mul3A_2, %add3A_121 : i32
      %dma_start3A_123 = arith.constant 0 : i32
      %dma_start3A_124 = tpu.memref_slice %arg7[%dma_start3A_123] : memref<57344xf32, #tpu.memory_space<vmem>> -> memref<57344xf32, #tpu.memory_space<vmem>>
      %dma_start3A_125 = tpu.memref_slice %arg5[%add3A_122] : memref<15000000xf32, #tpu.memory_space<hbm>> -> memref<57344xf32, #tpu.memory_space<hbm>>
      %dma_start3A_126 = tpu.memref_slice %arg5[%add3A_122] : memref<15000000xf32, #tpu.memory_space<hbm>> -> memref<57344xf32, #tpu.memory_space<hbm>>
      %dma_start3A_127 = arith.constant 0 : i32
      %dma_start3A_128 = tpu.memref_slice %arg7[%dma_start3A_127] : memref<57344xf32, #tpu.memory_space<vmem>> -> memref<57344xf32, #tpu.memory_space<vmem>>
      tpu.enqueue_dma source(%dma_start3A_128 : memref<57344xf32, #tpu.memory_space<vmem>>) target(%dma_start3A_126 : memref<57344xf32, #tpu.memory_space<hbm>>) target_semaphore(%arg11 : memref<!tpu.dma_semaphore, #tpu.memory_space<semaphore_mem>>)
      %add3A_129 = arith.constant 114688 : i32
      %add3A_130 = arith.addi %mul3A_2, %add3A_129 : i32
      %dma_wait3A_131 = arith.constant 0 : i32
      %dma_wait3A_132 = tpu.memref_slice %arg6[%dma_wait3A_131] : memref<57344xf32, #tpu.memory_space<vmem>> -> memref<57344xf32, #tpu.memory_space<vmem>>
      %dma_wait3A_133 = tpu.memref_slice %arg5[%add3A_130] : memref<15000000xf32, #tpu.memory_space<hbm>> -> memref<57344xf32, #tpu.memory_space<hbm>>
      %dma_wait3A_134 = tpu.memref_slice %arg5[%add3A_130] : memref<15000000xf32, #tpu.memory_space<hbm>> -> memref<57344xf32, #tpu.memory_space<hbm>>
      %dma_wait3A_135 = arith.constant 0 : i32
      %dma_wait3A_136 = tpu.memref_slice %arg6[%dma_wait3A_135] : memref<57344xf32, #tpu.memory_space<vmem>> -> memref<57344xf32, #tpu.memory_space<vmem>>
      tpu.wait_dma2 semaphore(%arg10 : memref<!tpu.dma_semaphore, #tpu.memory_space<semaphore_mem>>) src(%dma_wait3A_136 : memref<57344xf32, #tpu.memory_space<vmem>>) dst(%dma_wait3A_134 : memref<57344xf32, #tpu.memory_space<hbm>>)
      %add3A_137 = arith.constant 229376 : i32
      %add3A_138 = arith.addi %mul3A_2, %add3A_137 : i32
      %dma_start3A_139 = arith.constant 0 : i32
      %dma_start3A_140 = tpu.memref_slice %arg6[%dma_start3A_139] : memref<57344xf32, #tpu.memory_space<vmem>> -> memref<57344xf32, #tpu.memory_space<vmem>>
      %dma_start3A_141 = tpu.memref_slice %arg3[%add3A_138] : memref<15000000xf32, #tpu.memory_space<hbm>> -> memref<57344xf32, #tpu.memory_space<hbm>>
      %dma_start3A_142 = arith.constant 0 : i32
      %dma_start3A_143 = tpu.memref_slice %arg6[%dma_start3A_142] : memref<57344xf32, #tpu.memory_space<vmem>> -> memref<57344xf32, #tpu.memory_space<vmem>>
      %dma_start3A_144 = tpu.memref_slice %arg3[%add3A_138] : memref<15000000xf32, #tpu.memory_space<hbm>> -> memref<57344xf32, #tpu.memory_space<hbm>>
      tpu.enqueue_dma source(%dma_start3A_144 : memref<57344xf32, #tpu.memory_space<hbm>>) target(%dma_start3A_143 : memref<57344xf32, #tpu.memory_space<vmem>>) target_semaphore(%arg8 : memref<!tpu.dma_semaphore, #tpu.memory_space<semaphore_mem>>)
      %add3A_145 = arith.constant 229376 : i32
      %add3A_146 = arith.addi %mul3A_2, %add3A_145 : i32
      %dma_wait3A_147 = arith.constant 0 : i32
      %dma_wait3A_148 = tpu.memref_slice %arg6[%dma_wait3A_147] : memref<57344xf32, #tpu.memory_space<vmem>> -> memref<57344xf32, #tpu.memory_space<vmem>>
      %dma_wait3A_149 = tpu.memref_slice %arg3[%add3A_146] : memref<15000000xf32, #tpu.memory_space<hbm>> -> memref<57344xf32, #tpu.memory_space<hbm>>
      %dma_wait3A_150 = arith.constant 0 : i32
      %dma_wait3A_151 = tpu.memref_slice %arg6[%dma_wait3A_150] : memref<57344xf32, #tpu.memory_space<vmem>> -> memref<57344xf32, #tpu.memory_space<vmem>>
      %dma_wait3A_152 = tpu.memref_slice %arg3[%add3A_146] : memref<15000000xf32, #tpu.memory_space<hbm>> -> memref<57344xf32, #tpu.memory_space<hbm>>
      tpu.wait_dma2 semaphore(%arg8 : memref<!tpu.dma_semaphore, #tpu.memory_space<semaphore_mem>>) src(%dma_wait3A_152 : memref<57344xf32, #tpu.memory_space<hbm>>) dst(%dma_wait3A_151 : memref<57344xf32, #tpu.memory_space<vmem>>)
      %add3A_153 = arith.constant 229376 : i32
      %add3A_154 = arith.addi %mul3A_2, %add3A_153 : i32
      %dma_start3A_155 = arith.constant 0 : i32
      %dma_start3A_156 = tpu.memref_slice %arg6[%dma_start3A_155] : memref<57344xf32, #tpu.memory_space<vmem>> -> memref<57344xf32, #tpu.memory_space<vmem>>
      %dma_start3A_157 = tpu.memref_slice %arg5[%add3A_154] : memref<15000000xf32, #tpu.memory_space<hbm>> -> memref<57344xf32, #tpu.memory_space<hbm>>
      %dma_start3A_158 = tpu.memref_slice %arg5[%add3A_154] : memref<15000000xf32, #tpu.memory_space<hbm>> -> memref<57344xf32, #tpu.memory_space<hbm>>
      %dma_start3A_159 = arith.constant 0 : i32
      %dma_start3A_160 = tpu.memref_slice %arg6[%dma_start3A_159] : memref<57344xf32, #tpu.memory_space<vmem>> -> memref<57344xf32, #tpu.memory_space<vmem>>
      tpu.enqueue_dma source(%dma_start3A_160 : memref<57344xf32, #tpu.memory_space<vmem>>) target(%dma_start3A_158 : memref<57344xf32, #tpu.memory_space<hbm>>) target_semaphore(%arg10 : memref<!tpu.dma_semaphore, #tpu.memory_space<semaphore_mem>>)
      %add3A_161 = arith.constant 172032 : i32
      %add3A_162 = arith.addi %mul3A_2, %add3A_161 : i32
      %dma_wait3A_163 = arith.constant 0 : i32
      %dma_wait3A_164 = tpu.memref_slice %arg7[%dma_wait3A_163] : memref<57344xf32, #tpu.memory_space<vmem>> -> memref<57344xf32, #tpu.memory_space<vmem>>
      %dma_wait3A_165 = tpu.memref_slice %arg5[%add3A_162] : memref<15000000xf32, #tpu.memory_space<hbm>> -> memref<57344xf32, #tpu.memory_space<hbm>>
      %dma_wait3A_166 = tpu.memref_slice %arg5[%add3A_162] : memref<15000000xf32, #tpu.memory_space<hbm>> -> memref<57344xf32, #tpu.memory_space<hbm>>
      %dma_wait3A_167 = arith.constant 0 : i32
      %dma_wait3A_168 = tpu.memref_slice %arg7[%dma_wait3A_167] : memref<57344xf32, #tpu.memory_space<vmem>> -> memref<57344xf32, #tpu.memory_space<vmem>>
      tpu.wait_dma2 semaphore(%arg11 : memref<!tpu.dma_semaphore, #tpu.memory_space<semaphore_mem>>) src(%dma_wait3A_168 : memref<57344xf32, #tpu.memory_space<vmem>>) dst(%dma_wait3A_166 : memref<57344xf32, #tpu.memory_space<hbm>>)
      %add3A_169 = arith.constant 286720 : i32
      %add3A_170 = arith.addi %mul3A_2, %add3A_169 : i32
      %dma_start3A_171 = arith.constant 0 : i32
      %dma_start3A_172 = tpu.memref_slice %arg7[%dma_start3A_171] : memref<57344xf32, #tpu.memory_space<vmem>> -> memref<57344xf32, #tpu.memory_space<vmem>>
      %dma_start3A_173 = tpu.memref_slice %arg3[%add3A_170] : memref<15000000xf32, #tpu.memory_space<hbm>> -> memref<57344xf32, #tpu.memory_space<hbm>>
      %dma_start3A_174 = arith.constant 0 : i32
      %dma_start3A_175 = tpu.memref_slice %arg7[%dma_start3A_174] : memref<57344xf32, #tpu.memory_space<vmem>> -> memref<57344xf32, #tpu.memory_space<vmem>>
      %dma_start3A_176 = tpu.memref_slice %arg3[%add3A_170] : memref<15000000xf32, #tpu.memory_space<hbm>> -> memref<57344xf32, #tpu.memory_space<hbm>>
      tpu.enqueue_dma source(%dma_start3A_176 : memref<57344xf32, #tpu.memory_space<hbm>>) target(%dma_start3A_175 : memref<57344xf32, #tpu.memory_space<vmem>>) target_semaphore(%arg9 : memref<!tpu.dma_semaphore, #tpu.memory_space<semaphore_mem>>)
      %add3A_177 = arith.constant 286720 : i32
      %add3A_178 = arith.addi %mul3A_2, %add3A_177 : i32
      %dma_wait3A_179 = arith.constant 0 : i32
      %dma_wait3A_180 = tpu.memref_slice %arg7[%dma_wait3A_179] : memref<57344xf32, #tpu.memory_space<vmem>> -> memref<57344xf32, #tpu.memory_space<vmem>>
      %dma_wait3A_181 = tpu.memref_slice %arg3[%add3A_178] : memref<15000000xf32, #tpu.memory_space<hbm>> -> memref<57344xf32, #tpu.memory_space<hbm>>
      %dma_wait3A_182 = arith.constant 0 : i32
      %dma_wait3A_183 = tpu.memref_slice %arg7[%dma_wait3A_182] : memref<57344xf32, #tpu.memory_space<vmem>> -> memref<57344xf32, #tpu.memory_space<vmem>>
      %dma_wait3A_184 = tpu.memref_slice %arg3[%add3A_178] : memref<15000000xf32, #tpu.memory_space<hbm>> -> memref<57344xf32, #tpu.memory_space<hbm>>
      tpu.wait_dma2 semaphore(%arg9 : memref<!tpu.dma_semaphore, #tpu.memory_space<semaphore_mem>>) src(%dma_wait3A_184 : memref<57344xf32, #tpu.memory_space<hbm>>) dst(%dma_wait3A_183 : memref<57344xf32, #tpu.memory_space<vmem>>)
      %add3A_185 = arith.constant 286720 : i32
      %add3A_186 = arith.addi %mul3A_2, %add3A_185 : i32
      %dma_start3A_187 = arith.constant 0 : i32
      %dma_start3A_188 = tpu.memref_slice %arg7[%dma_start3A_187] : memref<57344xf32, #tpu.memory_space<vmem>> -> memref<57344xf32, #tpu.memory_space<vmem>>
      %dma_start3A_189 = tpu.memref_slice %arg5[%add3A_186] : memref<15000000xf32, #tpu.memory_space<hbm>> -> memref<57344xf32, #tpu.memory_space<hbm>>
      %dma_start3A_190 = tpu.memref_slice %arg5[%add3A_186] : memref<15000000xf32, #tpu.memory_space<hbm>> -> memref<57344xf32, #tpu.memory_space<hbm>>
      %dma_start3A_191 = arith.constant 0 : i32
      %dma_start3A_192 = tpu.memref_slice %arg7[%dma_start3A_191] : memref<57344xf32, #tpu.memory_space<vmem>> -> memref<57344xf32, #tpu.memory_space<vmem>>
      tpu.enqueue_dma source(%dma_start3A_192 : memref<57344xf32, #tpu.memory_space<vmem>>) target(%dma_start3A_190 : memref<57344xf32, #tpu.memory_space<hbm>>) target_semaphore(%arg11 : memref<!tpu.dma_semaphore, #tpu.memory_space<semaphore_mem>>)
      %add3A_193 = arith.constant 229376 : i32
      %add3A_194 = arith.addi %mul3A_2, %add3A_193 : i32
      %dma_wait3A_195 = arith.constant 0 : i32
      %dma_wait3A_196 = tpu.memref_slice %arg6[%dma_wait3A_195] : memref<57344xf32, #tpu.memory_space<vmem>> -> memref<57344xf32, #tpu.memory_space<vmem>>
      %dma_wait3A_197 = tpu.memref_slice %arg5[%add3A_194] : memref<15000000xf32, #tpu.memory_space<hbm>> -> memref<57344xf32, #tpu.memory_space<hbm>>
      %dma_wait3A_198 = tpu.memref_slice %arg5[%add3A_194] : memref<15000000xf32, #tpu.memory_space<hbm>> -> memref<57344xf32, #tpu.memory_space<hbm>>
      %dma_wait3A_199 = arith.constant 0 : i32
      %dma_wait3A_200 = tpu.memref_slice %arg6[%dma_wait3A_199] : memref<57344xf32, #tpu.memory_space<vmem>> -> memref<57344xf32, #tpu.memory_space<vmem>>
      tpu.wait_dma2 semaphore(%arg10 : memref<!tpu.dma_semaphore, #tpu.memory_space<semaphore_mem>>) src(%dma_wait3A_200 : memref<57344xf32, #tpu.memory_space<vmem>>) dst(%dma_wait3A_198 : memref<57344xf32, #tpu.memory_space<hbm>>)
      %add3A_201 = arith.constant 344064 : i32
      %add3A_202 = arith.addi %mul3A_2, %add3A_201 : i32
      %dma_start3A_203 = arith.constant 0 : i32
      %dma_start3A_204 = tpu.memref_slice %arg6[%dma_start3A_203] : memref<57344xf32, #tpu.memory_space<vmem>> -> memref<57344xf32, #tpu.memory_space<vmem>>
      %dma_start3A_205 = tpu.memref_slice %arg3[%add3A_202] : memref<15000000xf32, #tpu.memory_space<hbm>> -> memref<57344xf32, #tpu.memory_space<hbm>>
      %dma_start3A_206 = arith.constant 0 : i32
      %dma_start3A_207 = tpu.memref_slice %arg6[%dma_start3A_206] : memref<57344xf32, #tpu.memory_space<vmem>> -> memref<57344xf32, #tpu.memory_space<vmem>>
      %dma_start3A_208 = tpu.memref_slice %arg3[%add3A_202] : memref<15000000xf32, #tpu.memory_space<hbm>> -> memref<57344xf32, #tpu.memory_space<hbm>>
      tpu.enqueue_dma source(%dma_start3A_208 : memref<57344xf32, #tpu.memory_space<hbm>>) target(%dma_start3A_207 : memref<57344xf32, #tpu.memory_space<vmem>>) target_semaphore(%arg8 : memref<!tpu.dma_semaphore, #tpu.memory_space<semaphore_mem>>)
      %add3A_209 = arith.constant 344064 : i32
      %add3A_210 = arith.addi %mul3A_2, %add3A_209 : i32
      %dma_wait3A_211 = arith.constant 0 : i32
      %dma_wait3A_212 = tpu.memref_slice %arg6[%dma_wait3A_211] : memref<57344xf32, #tpu.memory_space<vmem>> -> memref<57344xf32, #tpu.memory_space<vmem>>
      %dma_wait3A_213 = tpu.memref_slice %arg3[%add3A_210] : memref<15000000xf32, #tpu.memory_space<hbm>> -> memref<57344xf32, #tpu.memory_space<hbm>>
      %dma_wait3A_214 = arith.constant 0 : i32
      %dma_wait3A_215 = tpu.memref_slice %arg6[%dma_wait3A_214] : memref<57344xf32, #tpu.memory_space<vmem>> -> memref<57344xf32, #tpu.memory_space<vmem>>
      %dma_wait3A_216 = tpu.memref_slice %arg3[%add3A_210] : memref<15000000xf32, #tpu.memory_space<hbm>> -> memref<57344xf32, #tpu.memory_space<hbm>>
      tpu.wait_dma2 semaphore(%arg8 : memref<!tpu.dma_semaphore, #tpu.memory_space<semaphore_mem>>) src(%dma_wait3A_216 : memref<57344xf32, #tpu.memory_space<hbm>>) dst(%dma_wait3A_215 : memref<57344xf32, #tpu.memory_space<vmem>>)
      %add3A_217 = arith.constant 344064 : i32
      %add3A_218 = arith.addi %mul3A_2, %add3A_217 : i32
      %dma_start3A_219 = arith.constant 0 : i32
      %dma_start3A_220 = tpu.memref_slice %arg6[%dma_start3A_219] : memref<57344xf32, #tpu.memory_space<vmem>> -> memref<57344xf32, #tpu.memory_space<vmem>>
      %dma_start3A_221 = tpu.memref_slice %arg5[%add3A_218] : memref<15000000xf32, #tpu.memory_space<hbm>> -> memref<57344xf32, #tpu.memory_space<hbm>>
      %dma_start3A_222 = tpu.memref_slice %arg5[%add3A_218] : memref<15000000xf32, #tpu.memory_space<hbm>> -> memref<57344xf32, #tpu.memory_space<hbm>>
      %dma_start3A_223 = arith.constant 0 : i32
      %dma_start3A_224 = tpu.memref_slice %arg6[%dma_start3A_223] : memref<57344xf32, #tpu.memory_space<vmem>> -> memref<57344xf32, #tpu.memory_space<vmem>>
      tpu.enqueue_dma source(%dma_start3A_224 : memref<57344xf32, #tpu.memory_space<vmem>>) target(%dma_start3A_222 : memref<57344xf32, #tpu.memory_space<hbm>>) target_semaphore(%arg10 : memref<!tpu.dma_semaphore, #tpu.memory_space<semaphore_mem>>)
      %add3A_225 = arith.constant 286720 : i32
      %add3A_226 = arith.addi %mul3A_2, %add3A_225 : i32
      %dma_wait3A_227 = arith.constant 0 : i32
      %dma_wait3A_228 = tpu.memref_slice %arg7[%dma_wait3A_227] : memref<57344xf32, #tpu.memory_space<vmem>> -> memref<57344xf32, #tpu.memory_space<vmem>>
      %dma_wait3A_229 = tpu.memref_slice %arg5[%add3A_226] : memref<15000000xf32, #tpu.memory_space<hbm>> -> memref<57344xf32, #tpu.memory_space<hbm>>
      %dma_wait3A_230 = tpu.memref_slice %arg5[%add3A_226] : memref<15000000xf32, #tpu.memory_space<hbm>> -> memref<57344xf32, #tpu.memory_space<hbm>>
      %dma_wait3A_231 = arith.constant 0 : i32
      %dma_wait3A_232 = tpu.memref_slice %arg7[%dma_wait3A_231] : memref<57344xf32, #tpu.memory_space<vmem>> -> memref<57344xf32, #tpu.memory_space<vmem>>
      tpu.wait_dma2 semaphore(%arg11 : memref<!tpu.dma_semaphore, #tpu.memory_space<semaphore_mem>>) src(%dma_wait3A_232 : memref<57344xf32, #tpu.memory_space<vmem>>) dst(%dma_wait3A_230 : memref<57344xf32, #tpu.memory_space<hbm>>)
      %add3A_233 = arith.constant 401408 : i32
      %add3A_234 = arith.addi %mul3A_2, %add3A_233 : i32
      %dma_start3A_235 = arith.constant 0 : i32
      %dma_start3A_236 = tpu.memref_slice %arg7[%dma_start3A_235] : memref<57344xf32, #tpu.memory_space<vmem>> -> memref<57344xf32, #tpu.memory_space<vmem>>
      %dma_start3A_237 = tpu.memref_slice %arg3[%add3A_234] : memref<15000000xf32, #tpu.memory_space<hbm>> -> memref<57344xf32, #tpu.memory_space<hbm>>
      %dma_start3A_238 = arith.constant 0 : i32
      %dma_start3A_239 = tpu.memref_slice %arg7[%dma_start3A_238] : memref<57344xf32, #tpu.memory_space<vmem>> -> memref<57344xf32, #tpu.memory_space<vmem>>
      %dma_start3A_240 = tpu.memref_slice %arg3[%add3A_234] : memref<15000000xf32, #tpu.memory_space<hbm>> -> memref<57344xf32, #tpu.memory_space<hbm>>
      tpu.enqueue_dma source(%dma_start3A_240 : memref<57344xf32, #tpu.memory_space<hbm>>) target(%dma_start3A_239 : memref<57344xf32, #tpu.memory_space<vmem>>) target_semaphore(%arg9 : memref<!tpu.dma_semaphore, #tpu.memory_space<semaphore_mem>>)
      %add3A_241 = arith.constant 401408 : i32
      %add3A_242 = arith.addi %mul3A_2, %add3A_241 : i32
      %dma_wait3A_243 = arith.constant 0 : i32
      %dma_wait3A_244 = tpu.memref_slice %arg7[%dma_wait3A_243] : memref<57344xf32, #tpu.memory_space<vmem>> -> memref<57344xf32, #tpu.memory_space<vmem>>
      %dma_wait3A_245 = tpu.memref_slice %arg3[%add3A_242] : memref<15000000xf32, #tpu.memory_space<hbm>> -> memref<57344xf32, #tpu.memory_space<hbm>>
      %dma_wait3A_246 = arith.constant 0 : i32
      %dma_wait3A_247 = tpu.memref_slice %arg7[%dma_wait3A_246] : memref<57344xf32, #tpu.memory_space<vmem>> -> memref<57344xf32, #tpu.memory_space<vmem>>
      %dma_wait3A_248 = tpu.memref_slice %arg3[%add3A_242] : memref<15000000xf32, #tpu.memory_space<hbm>> -> memref<57344xf32, #tpu.memory_space<hbm>>
      tpu.wait_dma2 semaphore(%arg9 : memref<!tpu.dma_semaphore, #tpu.memory_space<semaphore_mem>>) src(%dma_wait3A_248 : memref<57344xf32, #tpu.memory_space<hbm>>) dst(%dma_wait3A_247 : memref<57344xf32, #tpu.memory_space<vmem>>)
      %add3A_249 = arith.constant 401408 : i32
      %add3A_250 = arith.addi %mul3A_2, %add3A_249 : i32
      %dma_start3A_251 = arith.constant 0 : i32
      %dma_start3A_252 = tpu.memref_slice %arg7[%dma_start3A_251] : memref<57344xf32, #tpu.memory_space<vmem>> -> memref<57344xf32, #tpu.memory_space<vmem>>
      %dma_start3A_253 = tpu.memref_slice %arg5[%add3A_250] : memref<15000000xf32, #tpu.memory_space<hbm>> -> memref<57344xf32, #tpu.memory_space<hbm>>
      %dma_start3A_254 = tpu.memref_slice %arg5[%add3A_250] : memref<15000000xf32, #tpu.memory_space<hbm>> -> memref<57344xf32, #tpu.memory_space<hbm>>
      %dma_start3A_255 = arith.constant 0 : i32
      %dma_start3A_256 = tpu.memref_slice %arg7[%dma_start3A_255] : memref<57344xf32, #tpu.memory_space<vmem>> -> memref<57344xf32, #tpu.memory_space<vmem>>
      tpu.enqueue_dma source(%dma_start3A_256 : memref<57344xf32, #tpu.memory_space<vmem>>) target(%dma_start3A_254 : memref<57344xf32, #tpu.memory_space<hbm>>) target_semaphore(%arg11 : memref<!tpu.dma_semaphore, #tpu.memory_space<semaphore_mem>>)
      %add3A_257 = arith.constant 344064 : i32
      %add3A_258 = arith.addi %mul3A_2, %add3A_257 : i32
      %dma_wait3A_259 = arith.constant 0 : i32
      %dma_wait3A_260 = tpu.memref_slice %arg6[%dma_wait3A_259] : memref<57344xf32, #tpu.memory_space<vmem>> -> memref<57344xf32, #tpu.memory_space<vmem>>
      %dma_wait3A_261 = tpu.memref_slice %arg5[%add3A_258] : memref<15000000xf32, #tpu.memory_space<hbm>> -> memref<57344xf32, #tpu.memory_space<hbm>>
      %dma_wait3A_262 = tpu.memref_slice %arg5[%add3A_258] : memref<15000000xf32, #tpu.memory_space<hbm>> -> memref<57344xf32, #tpu.memory_space<hbm>>
      %dma_wait3A_263 = arith.constant 0 : i32
      %dma_wait3A_264 = tpu.memref_slice %arg6[%dma_wait3A_263] : memref<57344xf32, #tpu.memory_space<vmem>> -> memref<57344xf32, #tpu.memory_space<vmem>>
      tpu.wait_dma2 semaphore(%arg10 : memref<!tpu.dma_semaphore, #tpu.memory_space<semaphore_mem>>) src(%dma_wait3A_264 : memref<57344xf32, #tpu.memory_space<vmem>>) dst(%dma_wait3A_262 : memref<57344xf32, #tpu.memory_space<hbm>>)
      %add3A_265 = arith.constant 458752 : i32
      %add3A_266 = arith.addi %mul3A_2, %add3A_265 : i32
      %dma_start3A_267 = arith.constant 0 : i32
      %dma_start3A_268 = tpu.memref_slice %arg6[%dma_start3A_267] : memref<57344xf32, #tpu.memory_space<vmem>> -> memref<10240xf32, #tpu.memory_space<vmem>>
      %dma_start3A_269 = tpu.memref_slice %arg3[%add3A_266] : memref<15000000xf32, #tpu.memory_space<hbm>> -> memref<10240xf32, #tpu.memory_space<hbm>>
      %dma_start3A_270 = arith.constant 0 : i32
      %dma_start3A_271 = tpu.memref_slice %arg6[%dma_start3A_270] : memref<57344xf32, #tpu.memory_space<vmem>> -> memref<10240xf32, #tpu.memory_space<vmem>>
      %dma_start3A_272 = tpu.memref_slice %arg3[%add3A_266] : memref<15000000xf32, #tpu.memory_space<hbm>> -> memref<10240xf32, #tpu.memory_space<hbm>>
      tpu.enqueue_dma source(%dma_start3A_272 : memref<10240xf32, #tpu.memory_space<hbm>>) target(%dma_start3A_271 : memref<10240xf32, #tpu.memory_space<vmem>>) target_semaphore(%arg8 : memref<!tpu.dma_semaphore, #tpu.memory_space<semaphore_mem>>)
      %add3A_273 = arith.constant 458752 : i32
      %add3A_274 = arith.addi %mul3A_2, %add3A_273 : i32
      %dma_wait3A_275 = arith.constant 0 : i32
      %dma_wait3A_276 = tpu.memref_slice %arg6[%dma_wait3A_275] : memref<57344xf32, #tpu.memory_space<vmem>> -> memref<10240xf32, #tpu.memory_space<vmem>>
      %dma_wait3A_277 = tpu.memref_slice %arg3[%add3A_274] : memref<15000000xf32, #tpu.memory_space<hbm>> -> memref<10240xf32, #tpu.memory_space<hbm>>
      %dma_wait3A_278 = arith.constant 0 : i32
      %dma_wait3A_279 = tpu.memref_slice %arg6[%dma_wait3A_278] : memref<57344xf32, #tpu.memory_space<vmem>> -> memref<10240xf32, #tpu.memory_space<vmem>>
      %dma_wait3A_280 = tpu.memref_slice %arg3[%add3A_274] : memref<15000000xf32, #tpu.memory_space<hbm>> -> memref<10240xf32, #tpu.memory_space<hbm>>
      tpu.wait_dma2 semaphore(%arg8 : memref<!tpu.dma_semaphore, #tpu.memory_space<semaphore_mem>>) src(%dma_wait3A_280 : memref<10240xf32, #tpu.memory_space<hbm>>) dst(%dma_wait3A_279 : memref<10240xf32, #tpu.memory_space<vmem>>)
      %add3A_281 = arith.constant 458752 : i32
      %add3A_282 = arith.addi %mul3A_2, %add3A_281 : i32
      %dma_start3A_283 = arith.constant 0 : i32
      %dma_start3A_284 = tpu.memref_slice %arg6[%dma_start3A_283] : memref<57344xf32, #tpu.memory_space<vmem>> -> memref<10240xf32, #tpu.memory_space<vmem>>
      %dma_start3A_285 = tpu.memref_slice %arg5[%add3A_282] : memref<15000000xf32, #tpu.memory_space<hbm>> -> memref<10240xf32, #tpu.memory_space<hbm>>
      %dma_start3A_286 = tpu.memref_slice %arg5[%add3A_282] : memref<15000000xf32, #tpu.memory_space<hbm>> -> memref<10240xf32, #tpu.memory_space<hbm>>
      %dma_start3A_287 = arith.constant 0 : i32
      %dma_start3A_288 = tpu.memref_slice %arg6[%dma_start3A_287] : memref<57344xf32, #tpu.memory_space<vmem>> -> memref<10240xf32, #tpu.memory_space<vmem>>
      tpu.enqueue_dma source(%dma_start3A_288 : memref<10240xf32, #tpu.memory_space<vmem>>) target(%dma_start3A_286 : memref<10240xf32, #tpu.memory_space<hbm>>) target_semaphore(%arg10 : memref<!tpu.dma_semaphore, #tpu.memory_space<semaphore_mem>>)
      %add3A_289 = arith.constant 401408 : i32
      %add3A_290 = arith.addi %mul3A_2, %add3A_289 : i32
      %dma_wait3A_291 = arith.constant 0 : i32
      %dma_wait3A_292 = tpu.memref_slice %arg7[%dma_wait3A_291] : memref<57344xf32, #tpu.memory_space<vmem>> -> memref<57344xf32, #tpu.memory_space<vmem>>
      %dma_wait3A_293 = tpu.memref_slice %arg5[%add3A_290] : memref<15000000xf32, #tpu.memory_space<hbm>> -> memref<57344xf32, #tpu.memory_space<hbm>>
      %dma_wait3A_294 = tpu.memref_slice %arg5[%add3A_290] : memref<15000000xf32, #tpu.memory_space<hbm>> -> memref<57344xf32, #tpu.memory_space<hbm>>
      %dma_wait3A_295 = arith.constant 0 : i32
      %dma_wait3A_296 = tpu.memref_slice %arg7[%dma_wait3A_295] : memref<57344xf32, #tpu.memory_space<vmem>> -> memref<57344xf32, #tpu.memory_space<vmem>>
      tpu.wait_dma2 semaphore(%arg11 : memref<!tpu.dma_semaphore, #tpu.memory_space<semaphore_mem>>) src(%dma_wait3A_296 : memref<57344xf32, #tpu.memory_space<vmem>>) dst(%dma_wait3A_294 : memref<57344xf32, #tpu.memory_space<hbm>>)
      %add3A_297 = arith.constant 458752 : i32
      %add3A_298 = arith.addi %mul3A_2, %add3A_297 : i32
      %dma_wait3A_299 = arith.constant 0 : i32
      %dma_wait3A_300 = tpu.memref_slice %arg6[%dma_wait3A_299] : memref<57344xf32, #tpu.memory_space<vmem>> -> memref<10240xf32, #tpu.memory_space<vmem>>
      %dma_wait3A_301 = tpu.memref_slice %arg5[%add3A_298] : memref<15000000xf32, #tpu.memory_space<hbm>> -> memref<10240xf32, #tpu.memory_space<hbm>>
      %dma_wait3A_302 = tpu.memref_slice %arg5[%add3A_298] : memref<15000000xf32, #tpu.memory_space<hbm>> -> memref<10240xf32, #tpu.memory_space<hbm>>
      %dma_wait3A_303 = arith.constant 0 : i32
      %dma_wait3A_304 = tpu.memref_slice %arg6[%dma_wait3A_303] : memref<57344xf32, #tpu.memory_space<vmem>> -> memref<10240xf32, #tpu.memory_space<vmem>>
      tpu.wait_dma2 semaphore(%arg10 : memref<!tpu.dma_semaphore, #tpu.memory_space<semaphore_mem>>) src(%dma_wait3A_304 : memref<10240xf32, #tpu.memory_space<vmem>>) dst(%dma_wait3A_302 : memref<10240xf32, #tpu.memory_space<hbm>>)
    } else {
    }
    %eq3A_14 = arith.constant 31 : i32
    %eq3A_15 = arith.cmpi eq, %add3A, %eq3A_14 : i32
    %convert_element_type3A_16 = arith.extui %eq3A_15 : i1 to i32
    %cond3A_17 = arith.constant 0 : i32
    %cond3A_18 = arith.cmpi ne, %convert_element_type3A_16, %cond3A_17 : i32
    scf.if %cond3A_18 {
      %add3A_19 = arith.constant 0 : i32
      %add3A_20 = arith.addi %mul3A_2, %add3A_19 : i32
      %dma_start3A = arith.constant 0 : i32
      %dma_start3A_21 = tpu.memref_slice %arg6[%dma_start3A] : memref<57344xf32, #tpu.memory_space<vmem>> -> memref<57344xf32, #tpu.memory_space<vmem>>
      %dma_start3A_22 = tpu.memref_slice %arg3[%add3A_20] : memref<15000000xf32, #tpu.memory_space<hbm>> -> memref<57344xf32, #tpu.memory_space<hbm>>
      %dma_start3A_23 = arith.constant 0 : i32
      %dma_start3A_24 = tpu.memref_slice %arg6[%dma_start3A_23] : memref<57344xf32, #tpu.memory_space<vmem>> -> memref<57344xf32, #tpu.memory_space<vmem>>
      %dma_start3A_25 = tpu.memref_slice %arg3[%add3A_20] : memref<15000000xf32, #tpu.memory_space<hbm>> -> memref<57344xf32, #tpu.memory_space<hbm>>
      tpu.enqueue_dma source(%dma_start3A_25 : memref<57344xf32, #tpu.memory_space<hbm>>) target(%dma_start3A_24 : memref<57344xf32, #tpu.memory_space<vmem>>) target_semaphore(%arg8 : memref<!tpu.dma_semaphore, #tpu.memory_space<semaphore_mem>>)
      %add3A_26 = arith.constant 0 : i32
      %add3A_27 = arith.addi %mul3A_2, %add3A_26 : i32
      %dma_wait3A = arith.constant 0 : i32
      %dma_wait3A_28 = tpu.memref_slice %arg6[%dma_wait3A] : memref<57344xf32, #tpu.memory_space<vmem>> -> memref<57344xf32, #tpu.memory_space<vmem>>
      %dma_wait3A_29 = tpu.memref_slice %arg3[%add3A_27] : memref<15000000xf32, #tpu.memory_space<hbm>> -> memref<57344xf32, #tpu.memory_space<hbm>>
      %dma_wait3A_30 = arith.constant 0 : i32
      %dma_wait3A_31 = tpu.memref_slice %arg6[%dma_wait3A_30] : memref<57344xf32, #tpu.memory_space<vmem>> -> memref<57344xf32, #tpu.memory_space<vmem>>
      %dma_wait3A_32 = tpu.memref_slice %arg3[%add3A_27] : memref<15000000xf32, #tpu.memory_space<hbm>> -> memref<57344xf32, #tpu.memory_space<hbm>>
      tpu.wait_dma2 semaphore(%arg8 : memref<!tpu.dma_semaphore, #tpu.memory_space<semaphore_mem>>) src(%dma_wait3A_32 : memref<57344xf32, #tpu.memory_space<hbm>>) dst(%dma_wait3A_31 : memref<57344xf32, #tpu.memory_space<vmem>>)
      %add3A_33 = arith.constant 0 : i32
      %add3A_34 = arith.addi %mul3A_2, %add3A_33 : i32
      %dma_start3A_35 = arith.constant 0 : i32
      %dma_start3A_36 = tpu.memref_slice %arg6[%dma_start3A_35] : memref<57344xf32, #tpu.memory_space<vmem>> -> memref<57344xf32, #tpu.memory_space<vmem>>
      %dma_start3A_37 = tpu.memref_slice %arg5[%add3A_34] : memref<15000000xf32, #tpu.memory_space<hbm>> -> memref<57344xf32, #tpu.memory_space<hbm>>
      %dma_start3A_38 = tpu.memref_slice %arg5[%add3A_34] : memref<15000000xf32, #tpu.memory_space<hbm>> -> memref<57344xf32, #tpu.memory_space<hbm>>
      %dma_start3A_39 = arith.constant 0 : i32
      %dma_start3A_40 = tpu.memref_slice %arg6[%dma_start3A_39] : memref<57344xf32, #tpu.memory_space<vmem>> -> memref<57344xf32, #tpu.memory_space<vmem>>
      tpu.enqueue_dma source(%dma_start3A_40 : memref<57344xf32, #tpu.memory_space<vmem>>) target(%dma_start3A_38 : memref<57344xf32, #tpu.memory_space<hbm>>) target_semaphore(%arg10 : memref<!tpu.dma_semaphore, #tpu.memory_space<semaphore_mem>>)
      %add3A_41 = arith.constant 57344 : i32
      %add3A_42 = arith.addi %mul3A_2, %add3A_41 : i32
      %dma_start3A_43 = arith.constant 0 : i32
      %dma_start3A_44 = tpu.memref_slice %arg7[%dma_start3A_43] : memref<57344xf32, #tpu.memory_space<vmem>> -> memref<57344xf32, #tpu.memory_space<vmem>>
      %dma_start3A_45 = tpu.memref_slice %arg3[%add3A_42] : memref<15000000xf32, #tpu.memory_space<hbm>> -> memref<57344xf32, #tpu.memory_space<hbm>>
      %dma_start3A_46 = arith.constant 0 : i32
      %dma_start3A_47 = tpu.memref_slice %arg7[%dma_start3A_46] : memref<57344xf32, #tpu.memory_space<vmem>> -> memref<57344xf32, #tpu.memory_space<vmem>>
      %dma_start3A_48 = tpu.memref_slice %arg3[%add3A_42] : memref<15000000xf32, #tpu.memory_space<hbm>> -> memref<57344xf32, #tpu.memory_space<hbm>>
      tpu.enqueue_dma source(%dma_start3A_48 : memref<57344xf32, #tpu.memory_space<hbm>>) target(%dma_start3A_47 : memref<57344xf32, #tpu.memory_space<vmem>>) target_semaphore(%arg9 : memref<!tpu.dma_semaphore, #tpu.memory_space<semaphore_mem>>)
      %add3A_49 = arith.constant 57344 : i32
      %add3A_50 = arith.addi %mul3A_2, %add3A_49 : i32
      %dma_wait3A_51 = arith.constant 0 : i32
      %dma_wait3A_52 = tpu.memref_slice %arg7[%dma_wait3A_51] : memref<57344xf32, #tpu.memory_space<vmem>> -> memref<57344xf32, #tpu.memory_space<vmem>>
      %dma_wait3A_53 = tpu.memref_slice %arg3[%add3A_50] : memref<15000000xf32, #tpu.memory_space<hbm>> -> memref<57344xf32, #tpu.memory_space<hbm>>
      %dma_wait3A_54 = arith.constant 0 : i32
      %dma_wait3A_55 = tpu.memref_slice %arg7[%dma_wait3A_54] : memref<57344xf32, #tpu.memory_space<vmem>> -> memref<57344xf32, #tpu.memory_space<vmem>>
      %dma_wait3A_56 = tpu.memref_slice %arg3[%add3A_50] : memref<15000000xf32, #tpu.memory_space<hbm>> -> memref<57344xf32, #tpu.memory_space<hbm>>
      tpu.wait_dma2 semaphore(%arg9 : memref<!tpu.dma_semaphore, #tpu.memory_space<semaphore_mem>>) src(%dma_wait3A_56 : memref<57344xf32, #tpu.memory_space<hbm>>) dst(%dma_wait3A_55 : memref<57344xf32, #tpu.memory_space<vmem>>)
      %add3A_57 = arith.constant 57344 : i32
      %add3A_58 = arith.addi %mul3A_2, %add3A_57 : i32
      %dma_start3A_59 = arith.constant 0 : i32
      %dma_start3A_60 = tpu.memref_slice %arg7[%dma_start3A_59] : memref<57344xf32, #tpu.memory_space<vmem>> -> memref<57344xf32, #tpu.memory_space<vmem>>
      %dma_start3A_61 = tpu.memref_slice %arg5[%add3A_58] : memref<15000000xf32, #tpu.memory_space<hbm>> -> memref<57344xf32, #tpu.memory_space<hbm>>
      %dma_start3A_62 = tpu.memref_slice %arg5[%add3A_58] : memref<15000000xf32, #tpu.memory_space<hbm>> -> memref<57344xf32, #tpu.memory_space<hbm>>
      %dma_start3A_63 = arith.constant 0 : i32
      %dma_start3A_64 = tpu.memref_slice %arg7[%dma_start3A_63] : memref<57344xf32, #tpu.memory_space<vmem>> -> memref<57344xf32, #tpu.memory_space<vmem>>
      tpu.enqueue_dma source(%dma_start3A_64 : memref<57344xf32, #tpu.memory_space<vmem>>) target(%dma_start3A_62 : memref<57344xf32, #tpu.memory_space<hbm>>) target_semaphore(%arg11 : memref<!tpu.dma_semaphore, #tpu.memory_space<semaphore_mem>>)
      %add3A_65 = arith.constant 0 : i32
      %add3A_66 = arith.addi %mul3A_2, %add3A_65 : i32
      %dma_wait3A_67 = arith.constant 0 : i32
      %dma_wait3A_68 = tpu.memref_slice %arg6[%dma_wait3A_67] : memref<57344xf32, #tpu.memory_space<vmem>> -> memref<57344xf32, #tpu.memory_space<vmem>>
      %dma_wait3A_69 = tpu.memref_slice %arg5[%add3A_66] : memref<15000000xf32, #tpu.memory_space<hbm>> -> memref<57344xf32, #tpu.memory_space<hbm>>
      %dma_wait3A_70 = tpu.memref_slice %arg5[%add3A_66] : memref<15000000xf32, #tpu.memory_space<hbm>> -> memref<57344xf32, #tpu.memory_space<hbm>>
      %dma_wait3A_71 = arith.constant 0 : i32
      %dma_wait3A_72 = tpu.memref_slice %arg6[%dma_wait3A_71] : memref<57344xf32, #tpu.memory_space<vmem>> -> memref<57344xf32, #tpu.memory_space<vmem>>
      tpu.wait_dma2 semaphore(%arg10 : memref<!tpu.dma_semaphore, #tpu.memory_space<semaphore_mem>>) src(%dma_wait3A_72 : memref<57344xf32, #tpu.memory_space<vmem>>) dst(%dma_wait3A_70 : memref<57344xf32, #tpu.memory_space<hbm>>)
      %add3A_73 = arith.constant 114688 : i32
      %add3A_74 = arith.addi %mul3A_2, %add3A_73 : i32
      %dma_start3A_75 = arith.constant 0 : i32
      %dma_start3A_76 = tpu.memref_slice %arg6[%dma_start3A_75] : memref<57344xf32, #tpu.memory_space<vmem>> -> memref<57344xf32, #tpu.memory_space<vmem>>
      %dma_start3A_77 = tpu.memref_slice %arg3[%add3A_74] : memref<15000000xf32, #tpu.memory_space<hbm>> -> memref<57344xf32, #tpu.memory_space<hbm>>
      %dma_start3A_78 = arith.constant 0 : i32
      %dma_start3A_79 = tpu.memref_slice %arg6[%dma_start3A_78] : memref<57344xf32, #tpu.memory_space<vmem>> -> memref<57344xf32, #tpu.memory_space<vmem>>
      %dma_start3A_80 = tpu.memref_slice %arg3[%add3A_74] : memref<15000000xf32, #tpu.memory_space<hbm>> -> memref<57344xf32, #tpu.memory_space<hbm>>
      tpu.enqueue_dma source(%dma_start3A_80 : memref<57344xf32, #tpu.memory_space<hbm>>) target(%dma_start3A_79 : memref<57344xf32, #tpu.memory_space<vmem>>) target_semaphore(%arg8 : memref<!tpu.dma_semaphore, #tpu.memory_space<semaphore_mem>>)
      %add3A_81 = arith.constant 114688 : i32
      %add3A_82 = arith.addi %mul3A_2, %add3A_81 : i32
      %dma_wait3A_83 = arith.constant 0 : i32
      %dma_wait3A_84 = tpu.memref_slice %arg6[%dma_wait3A_83] : memref<57344xf32, #tpu.memory_space<vmem>> -> memref<57344xf32, #tpu.memory_space<vmem>>
      %dma_wait3A_85 = tpu.memref_slice %arg3[%add3A_82] : memref<15000000xf32, #tpu.memory_space<hbm>> -> memref<57344xf32, #tpu.memory_space<hbm>>
      %dma_wait3A_86 = arith.constant 0 : i32
      %dma_wait3A_87 = tpu.memref_slice %arg6[%dma_wait3A_86] : memref<57344xf32, #tpu.memory_space<vmem>> -> memref<57344xf32, #tpu.memory_space<vmem>>
      %dma_wait3A_88 = tpu.memref_slice %arg3[%add3A_82] : memref<15000000xf32, #tpu.memory_space<hbm>> -> memref<57344xf32, #tpu.memory_space<hbm>>
      tpu.wait_dma2 semaphore(%arg8 : memref<!tpu.dma_semaphore, #tpu.memory_space<semaphore_mem>>) src(%dma_wait3A_88 : memref<57344xf32, #tpu.memory_space<hbm>>) dst(%dma_wait3A_87 : memref<57344xf32, #tpu.memory_space<vmem>>)
      %add3A_89 = arith.constant 114688 : i32
      %add3A_90 = arith.addi %mul3A_2, %add3A_89 : i32
      %dma_start3A_91 = arith.constant 0 : i32
      %dma_start3A_92 = tpu.memref_slice %arg6[%dma_start3A_91] : memref<57344xf32, #tpu.memory_space<vmem>> -> memref<57344xf32, #tpu.memory_space<vmem>>
      %dma_start3A_93 = tpu.memref_slice %arg5[%add3A_90] : memref<15000000xf32, #tpu.memory_space<hbm>> -> memref<57344xf32, #tpu.memory_space<hbm>>
      %dma_start3A_94 = tpu.memref_slice %arg5[%add3A_90] : memref<15000000xf32, #tpu.memory_space<hbm>> -> memref<57344xf32, #tpu.memory_space<hbm>>
      %dma_start3A_95 = arith.constant 0 : i32
      %dma_start3A_96 = tpu.memref_slice %arg6[%dma_start3A_95] : memref<57344xf32, #tpu.memory_space<vmem>> -> memref<57344xf32, #tpu.memory_space<vmem>>
      tpu.enqueue_dma source(%dma_start3A_96 : memref<57344xf32, #tpu.memory_space<vmem>>) target(%dma_start3A_94 : memref<57344xf32, #tpu.memory_space<hbm>>) target_semaphore(%arg10 : memref<!tpu.dma_semaphore, #tpu.memory_space<semaphore_mem>>)
      %add3A_97 = arith.constant 57344 : i32
      %add3A_98 = arith.addi %mul3A_2, %add3A_97 : i32
      %dma_wait3A_99 = arith.constant 0 : i32
      %dma_wait3A_100 = tpu.memref_slice %arg7[%dma_wait3A_99] : memref<57344xf32, #tpu.memory_space<vmem>> -> memref<57344xf32, #tpu.memory_space<vmem>>
      %dma_wait3A_101 = tpu.memref_slice %arg5[%add3A_98] : memref<15000000xf32, #tpu.memory_space<hbm>> -> memref<57344xf32, #tpu.memory_space<hbm>>
      %dma_wait3A_102 = tpu.memref_slice %arg5[%add3A_98] : memref<15000000xf32, #tpu.memory_space<hbm>> -> memref<57344xf32, #tpu.memory_space<hbm>>
      %dma_wait3A_103 = arith.constant 0 : i32
      %dma_wait3A_104 = tpu.memref_slice %arg7[%dma_wait3A_103] : memref<57344xf32, #tpu.memory_space<vmem>> -> memref<57344xf32, #tpu.memory_space<vmem>>
      tpu.wait_dma2 semaphore(%arg11 : memref<!tpu.dma_semaphore, #tpu.memory_space<semaphore_mem>>) src(%dma_wait3A_104 : memref<57344xf32, #tpu.memory_space<vmem>>) dst(%dma_wait3A_102 : memref<57344xf32, #tpu.memory_space<hbm>>)
      %add3A_105 = arith.constant 172032 : i32
      %add3A_106 = arith.addi %mul3A_2, %add3A_105 : i32
      %dma_start3A_107 = arith.constant 0 : i32
      %dma_start3A_108 = tpu.memref_slice %arg7[%dma_start3A_107] : memref<57344xf32, #tpu.memory_space<vmem>> -> memref<57344xf32, #tpu.memory_space<vmem>>
      %dma_start3A_109 = tpu.memref_slice %arg3[%add3A_106] : memref<15000000xf32, #tpu.memory_space<hbm>> -> memref<57344xf32, #tpu.memory_space<hbm>>
      %dma_start3A_110 = arith.constant 0 : i32
      %dma_start3A_111 = tpu.memref_slice %arg7[%dma_start3A_110] : memref<57344xf32, #tpu.memory_space<vmem>> -> memref<57344xf32, #tpu.memory_space<vmem>>
      %dma_start3A_112 = tpu.memref_slice %arg3[%add3A_106] : memref<15000000xf32, #tpu.memory_space<hbm>> -> memref<57344xf32, #tpu.memory_space<hbm>>
      tpu.enqueue_dma source(%dma_start3A_112 : memref<57344xf32, #tpu.memory_space<hbm>>) target(%dma_start3A_111 : memref<57344xf32, #tpu.memory_space<vmem>>) target_semaphore(%arg9 : memref<!tpu.dma_semaphore, #tpu.memory_space<semaphore_mem>>)
      %add3A_113 = arith.constant 172032 : i32
      %add3A_114 = arith.addi %mul3A_2, %add3A_113 : i32
      %dma_wait3A_115 = arith.constant 0 : i32
      %dma_wait3A_116 = tpu.memref_slice %arg7[%dma_wait3A_115] : memref<57344xf32, #tpu.memory_space<vmem>> -> memref<57344xf32, #tpu.memory_space<vmem>>
      %dma_wait3A_117 = tpu.memref_slice %arg3[%add3A_114] : memref<15000000xf32, #tpu.memory_space<hbm>> -> memref<57344xf32, #tpu.memory_space<hbm>>
      %dma_wait3A_118 = arith.constant 0 : i32
      %dma_wait3A_119 = tpu.memref_slice %arg7[%dma_wait3A_118] : memref<57344xf32, #tpu.memory_space<vmem>> -> memref<57344xf32, #tpu.memory_space<vmem>>
      %dma_wait3A_120 = tpu.memref_slice %arg3[%add3A_114] : memref<15000000xf32, #tpu.memory_space<hbm>> -> memref<57344xf32, #tpu.memory_space<hbm>>
      tpu.wait_dma2 semaphore(%arg9 : memref<!tpu.dma_semaphore, #tpu.memory_space<semaphore_mem>>) src(%dma_wait3A_120 : memref<57344xf32, #tpu.memory_space<hbm>>) dst(%dma_wait3A_119 : memref<57344xf32, #tpu.memory_space<vmem>>)
      %add3A_121 = arith.constant 172032 : i32
      %add3A_122 = arith.addi %mul3A_2, %add3A_121 : i32
      %dma_start3A_123 = arith.constant 0 : i32
      %dma_start3A_124 = tpu.memref_slice %arg7[%dma_start3A_123] : memref<57344xf32, #tpu.memory_space<vmem>> -> memref<57344xf32, #tpu.memory_space<vmem>>
      %dma_start3A_125 = tpu.memref_slice %arg5[%add3A_122] : memref<15000000xf32, #tpu.memory_space<hbm>> -> memref<57344xf32, #tpu.memory_space<hbm>>
      %dma_start3A_126 = tpu.memref_slice %arg5[%add3A_122] : memref<15000000xf32, #tpu.memory_space<hbm>> -> memref<57344xf32, #tpu.memory_space<hbm>>
      %dma_start3A_127 = arith.constant 0 : i32
      %dma_start3A_128 = tpu.memref_slice %arg7[%dma_start3A_127] : memref<57344xf32, #tpu.memory_space<vmem>> -> memref<57344xf32, #tpu.memory_space<vmem>>
      tpu.enqueue_dma source(%dma_start3A_128 : memref<57344xf32, #tpu.memory_space<vmem>>) target(%dma_start3A_126 : memref<57344xf32, #tpu.memory_space<hbm>>) target_semaphore(%arg11 : memref<!tpu.dma_semaphore, #tpu.memory_space<semaphore_mem>>)
      %add3A_129 = arith.constant 114688 : i32
      %add3A_130 = arith.addi %mul3A_2, %add3A_129 : i32
      %dma_wait3A_131 = arith.constant 0 : i32
      %dma_wait3A_132 = tpu.memref_slice %arg6[%dma_wait3A_131] : memref<57344xf32, #tpu.memory_space<vmem>> -> memref<57344xf32, #tpu.memory_space<vmem>>
      %dma_wait3A_133 = tpu.memref_slice %arg5[%add3A_130] : memref<15000000xf32, #tpu.memory_space<hbm>> -> memref<57344xf32, #tpu.memory_space<hbm>>
      %dma_wait3A_134 = tpu.memref_slice %arg5[%add3A_130] : memref<15000000xf32, #tpu.memory_space<hbm>> -> memref<57344xf32, #tpu.memory_space<hbm>>
      %dma_wait3A_135 = arith.constant 0 : i32
      %dma_wait3A_136 = tpu.memref_slice %arg6[%dma_wait3A_135] : memref<57344xf32, #tpu.memory_space<vmem>> -> memref<57344xf32, #tpu.memory_space<vmem>>
      tpu.wait_dma2 semaphore(%arg10 : memref<!tpu.dma_semaphore, #tpu.memory_space<semaphore_mem>>) src(%dma_wait3A_136 : memref<57344xf32, #tpu.memory_space<vmem>>) dst(%dma_wait3A_134 : memref<57344xf32, #tpu.memory_space<hbm>>)
      %add3A_137 = arith.constant 229376 : i32
      %add3A_138 = arith.addi %mul3A_2, %add3A_137 : i32
      %dma_start3A_139 = arith.constant 0 : i32
      %dma_start3A_140 = tpu.memref_slice %arg6[%dma_start3A_139] : memref<57344xf32, #tpu.memory_space<vmem>> -> memref<57344xf32, #tpu.memory_space<vmem>>
      %dma_start3A_141 = tpu.memref_slice %arg3[%add3A_138] : memref<15000000xf32, #tpu.memory_space<hbm>> -> memref<57344xf32, #tpu.memory_space<hbm>>
      %dma_start3A_142 = arith.constant 0 : i32
      %dma_start3A_143 = tpu.memref_slice %arg6[%dma_start3A_142] : memref<57344xf32, #tpu.memory_space<vmem>> -> memref<57344xf32, #tpu.memory_space<vmem>>
      %dma_start3A_144 = tpu.memref_slice %arg3[%add3A_138] : memref<15000000xf32, #tpu.memory_space<hbm>> -> memref<57344xf32, #tpu.memory_space<hbm>>
      tpu.enqueue_dma source(%dma_start3A_144 : memref<57344xf32, #tpu.memory_space<hbm>>) target(%dma_start3A_143 : memref<57344xf32, #tpu.memory_space<vmem>>) target_semaphore(%arg8 : memref<!tpu.dma_semaphore, #tpu.memory_space<semaphore_mem>>)
      %add3A_145 = arith.constant 229376 : i32
      %add3A_146 = arith.addi %mul3A_2, %add3A_145 : i32
      %dma_wait3A_147 = arith.constant 0 : i32
      %dma_wait3A_148 = tpu.memref_slice %arg6[%dma_wait3A_147] : memref<57344xf32, #tpu.memory_space<vmem>> -> memref<57344xf32, #tpu.memory_space<vmem>>
      %dma_wait3A_149 = tpu.memref_slice %arg3[%add3A_146] : memref<15000000xf32, #tpu.memory_space<hbm>> -> memref<57344xf32, #tpu.memory_space<hbm>>
      %dma_wait3A_150 = arith.constant 0 : i32
      %dma_wait3A_151 = tpu.memref_slice %arg6[%dma_wait3A_150] : memref<57344xf32, #tpu.memory_space<vmem>> -> memref<57344xf32, #tpu.memory_space<vmem>>
      %dma_wait3A_152 = tpu.memref_slice %arg3[%add3A_146] : memref<15000000xf32, #tpu.memory_space<hbm>> -> memref<57344xf32, #tpu.memory_space<hbm>>
      tpu.wait_dma2 semaphore(%arg8 : memref<!tpu.dma_semaphore, #tpu.memory_space<semaphore_mem>>) src(%dma_wait3A_152 : memref<57344xf32, #tpu.memory_space<hbm>>) dst(%dma_wait3A_151 : memref<57344xf32, #tpu.memory_space<vmem>>)
      %add3A_153 = arith.constant 229376 : i32
      %add3A_154 = arith.addi %mul3A_2, %add3A_153 : i32
      %dma_start3A_155 = arith.constant 0 : i32
      %dma_start3A_156 = tpu.memref_slice %arg6[%dma_start3A_155] : memref<57344xf32, #tpu.memory_space<vmem>> -> memref<57344xf32, #tpu.memory_space<vmem>>
      %dma_start3A_157 = tpu.memref_slice %arg5[%add3A_154] : memref<15000000xf32, #tpu.memory_space<hbm>> -> memref<57344xf32, #tpu.memory_space<hbm>>
      %dma_start3A_158 = tpu.memref_slice %arg5[%add3A_154] : memref<15000000xf32, #tpu.memory_space<hbm>> -> memref<57344xf32, #tpu.memory_space<hbm>>
      %dma_start3A_159 = arith.constant 0 : i32
      %dma_start3A_160 = tpu.memref_slice %arg6[%dma_start3A_159] : memref<57344xf32, #tpu.memory_space<vmem>> -> memref<57344xf32, #tpu.memory_space<vmem>>
      tpu.enqueue_dma source(%dma_start3A_160 : memref<57344xf32, #tpu.memory_space<vmem>>) target(%dma_start3A_158 : memref<57344xf32, #tpu.memory_space<hbm>>) target_semaphore(%arg10 : memref<!tpu.dma_semaphore, #tpu.memory_space<semaphore_mem>>)
      %add3A_161 = arith.constant 172032 : i32
      %add3A_162 = arith.addi %mul3A_2, %add3A_161 : i32
      %dma_wait3A_163 = arith.constant 0 : i32
      %dma_wait3A_164 = tpu.memref_slice %arg7[%dma_wait3A_163] : memref<57344xf32, #tpu.memory_space<vmem>> -> memref<57344xf32, #tpu.memory_space<vmem>>
      %dma_wait3A_165 = tpu.memref_slice %arg5[%add3A_162] : memref<15000000xf32, #tpu.memory_space<hbm>> -> memref<57344xf32, #tpu.memory_space<hbm>>
      %dma_wait3A_166 = tpu.memref_slice %arg5[%add3A_162] : memref<15000000xf32, #tpu.memory_space<hbm>> -> memref<57344xf32, #tpu.memory_space<hbm>>
      %dma_wait3A_167 = arith.constant 0 : i32
      %dma_wait3A_168 = tpu.memref_slice %arg7[%dma_wait3A_167] : memref<57344xf32, #tpu.memory_space<vmem>> -> memref<57344xf32, #tpu.memory_space<vmem>>
      tpu.wait_dma2 semaphore(%arg11 : memref<!tpu.dma_semaphore, #tpu.memory_space<semaphore_mem>>) src(%dma_wait3A_168 : memref<57344xf32, #tpu.memory_space<vmem>>) dst(%dma_wait3A_166 : memref<57344xf32, #tpu.memory_space<hbm>>)
      %add3A_169 = arith.constant 286720 : i32
      %add3A_170 = arith.addi %mul3A_2, %add3A_169 : i32
      %dma_start3A_171 = arith.constant 0 : i32
      %dma_start3A_172 = tpu.memref_slice %arg7[%dma_start3A_171] : memref<57344xf32, #tpu.memory_space<vmem>> -> memref<57344xf32, #tpu.memory_space<vmem>>
      %dma_start3A_173 = tpu.memref_slice %arg3[%add3A_170] : memref<15000000xf32, #tpu.memory_space<hbm>> -> memref<57344xf32, #tpu.memory_space<hbm>>
      %dma_start3A_174 = arith.constant 0 : i32
      %dma_start3A_175 = tpu.memref_slice %arg7[%dma_start3A_174] : memref<57344xf32, #tpu.memory_space<vmem>> -> memref<57344xf32, #tpu.memory_space<vmem>>
      %dma_start3A_176 = tpu.memref_slice %arg3[%add3A_170] : memref<15000000xf32, #tpu.memory_space<hbm>> -> memref<57344xf32, #tpu.memory_space<hbm>>
      tpu.enqueue_dma source(%dma_start3A_176 : memref<57344xf32, #tpu.memory_space<hbm>>) target(%dma_start3A_175 : memref<57344xf32, #tpu.memory_space<vmem>>) target_semaphore(%arg9 : memref<!tpu.dma_semaphore, #tpu.memory_space<semaphore_mem>>)
      %add3A_177 = arith.constant 286720 : i32
      %add3A_178 = arith.addi %mul3A_2, %add3A_177 : i32
      %dma_wait3A_179 = arith.constant 0 : i32
      %dma_wait3A_180 = tpu.memref_slice %arg7[%dma_wait3A_179] : memref<57344xf32, #tpu.memory_space<vmem>> -> memref<57344xf32, #tpu.memory_space<vmem>>
      %dma_wait3A_181 = tpu.memref_slice %arg3[%add3A_178] : memref<15000000xf32, #tpu.memory_space<hbm>> -> memref<57344xf32, #tpu.memory_space<hbm>>
      %dma_wait3A_182 = arith.constant 0 : i32
      %dma_wait3A_183 = tpu.memref_slice %arg7[%dma_wait3A_182] : memref<57344xf32, #tpu.memory_space<vmem>> -> memref<57344xf32, #tpu.memory_space<vmem>>
      %dma_wait3A_184 = tpu.memref_slice %arg3[%add3A_178] : memref<15000000xf32, #tpu.memory_space<hbm>> -> memref<57344xf32, #tpu.memory_space<hbm>>
      tpu.wait_dma2 semaphore(%arg9 : memref<!tpu.dma_semaphore, #tpu.memory_space<semaphore_mem>>) src(%dma_wait3A_184 : memref<57344xf32, #tpu.memory_space<hbm>>) dst(%dma_wait3A_183 : memref<57344xf32, #tpu.memory_space<vmem>>)
      %add3A_185 = arith.constant 286720 : i32
      %add3A_186 = arith.addi %mul3A_2, %add3A_185 : i32
      %dma_start3A_187 = arith.constant 0 : i32
      %dma_start3A_188 = tpu.memref_slice %arg7[%dma_start3A_187] : memref<57344xf32, #tpu.memory_space<vmem>> -> memref<57344xf32, #tpu.memory_space<vmem>>
      %dma_start3A_189 = tpu.memref_slice %arg5[%add3A_186] : memref<15000000xf32, #tpu.memory_space<hbm>> -> memref<57344xf32, #tpu.memory_space<hbm>>
      %dma_start3A_190 = tpu.memref_slice %arg5[%add3A_186] : memref<15000000xf32, #tpu.memory_space<hbm>> -> memref<57344xf32, #tpu.memory_space<hbm>>
      %dma_start3A_191 = arith.constant 0 : i32
      %dma_start3A_192 = tpu.memref_slice %arg7[%dma_start3A_191] : memref<57344xf32, #tpu.memory_space<vmem>> -> memref<57344xf32, #tpu.memory_space<vmem>>
      tpu.enqueue_dma source(%dma_start3A_192 : memref<57344xf32, #tpu.memory_space<vmem>>) target(%dma_start3A_190 : memref<57344xf32, #tpu.memory_space<hbm>>) target_semaphore(%arg11 : memref<!tpu.dma_semaphore, #tpu.memory_space<semaphore_mem>>)
      %add3A_193 = arith.constant 229376 : i32
      %add3A_194 = arith.addi %mul3A_2, %add3A_193 : i32
      %dma_wait3A_195 = arith.constant 0 : i32
      %dma_wait3A_196 = tpu.memref_slice %arg6[%dma_wait3A_195] : memref<57344xf32, #tpu.memory_space<vmem>> -> memref<57344xf32, #tpu.memory_space<vmem>>
      %dma_wait3A_197 = tpu.memref_slice %arg5[%add3A_194] : memref<15000000xf32, #tpu.memory_space<hbm>> -> memref<57344xf32, #tpu.memory_space<hbm>>
      %dma_wait3A_198 = tpu.memref_slice %arg5[%add3A_194] : memref<15000000xf32, #tpu.memory_space<hbm>> -> memref<57344xf32, #tpu.memory_space<hbm>>
      %dma_wait3A_199 = arith.constant 0 : i32
      %dma_wait3A_200 = tpu.memref_slice %arg6[%dma_wait3A_199] : memref<57344xf32, #tpu.memory_space<vmem>> -> memref<57344xf32, #tpu.memory_space<vmem>>
      tpu.wait_dma2 semaphore(%arg10 : memref<!tpu.dma_semaphore, #tpu.memory_space<semaphore_mem>>) src(%dma_wait3A_200 : memref<57344xf32, #tpu.memory_space<vmem>>) dst(%dma_wait3A_198 : memref<57344xf32, #tpu.memory_space<hbm>>)
      %add3A_201 = arith.constant 344064 : i32
      %add3A_202 = arith.addi %mul3A_2, %add3A_201 : i32
      %dma_start3A_203 = arith.constant 0 : i32
      %dma_start3A_204 = tpu.memref_slice %arg6[%dma_start3A_203] : memref<57344xf32, #tpu.memory_space<vmem>> -> memref<57344xf32, #tpu.memory_space<vmem>>
      %dma_start3A_205 = tpu.memref_slice %arg3[%add3A_202] : memref<15000000xf32, #tpu.memory_space<hbm>> -> memref<57344xf32, #tpu.memory_space<hbm>>
      %dma_start3A_206 = arith.constant 0 : i32
      %dma_start3A_207 = tpu.memref_slice %arg6[%dma_start3A_206] : memref<57344xf32, #tpu.memory_space<vmem>> -> memref<57344xf32, #tpu.memory_space<vmem>>
      %dma_start3A_208 = tpu.memref_slice %arg3[%add3A_202] : memref<15000000xf32, #tpu.memory_space<hbm>> -> memref<57344xf32, #tpu.memory_space<hbm>>
      tpu.enqueue_dma source(%dma_start3A_208 : memref<57344xf32, #tpu.memory_space<hbm>>) target(%dma_start3A_207 : memref<57344xf32, #tpu.memory_space<vmem>>) target_semaphore(%arg8 : memref<!tpu.dma_semaphore, #tpu.memory_space<semaphore_mem>>)
      %add3A_209 = arith.constant 344064 : i32
      %add3A_210 = arith.addi %mul3A_2, %add3A_209 : i32
      %dma_wait3A_211 = arith.constant 0 : i32
      %dma_wait3A_212 = tpu.memref_slice %arg6[%dma_wait3A_211] : memref<57344xf32, #tpu.memory_space<vmem>> -> memref<57344xf32, #tpu.memory_space<vmem>>
      %dma_wait3A_213 = tpu.memref_slice %arg3[%add3A_210] : memref<15000000xf32, #tpu.memory_space<hbm>> -> memref<57344xf32, #tpu.memory_space<hbm>>
      %dma_wait3A_214 = arith.constant 0 : i32
      %dma_wait3A_215 = tpu.memref_slice %arg6[%dma_wait3A_214] : memref<57344xf32, #tpu.memory_space<vmem>> -> memref<57344xf32, #tpu.memory_space<vmem>>
      %dma_wait3A_216 = tpu.memref_slice %arg3[%add3A_210] : memref<15000000xf32, #tpu.memory_space<hbm>> -> memref<57344xf32, #tpu.memory_space<hbm>>
      tpu.wait_dma2 semaphore(%arg8 : memref<!tpu.dma_semaphore, #tpu.memory_space<semaphore_mem>>) src(%dma_wait3A_216 : memref<57344xf32, #tpu.memory_space<hbm>>) dst(%dma_wait3A_215 : memref<57344xf32, #tpu.memory_space<vmem>>)
      %add3A_217 = arith.constant 344064 : i32
      %add3A_218 = arith.addi %mul3A_2, %add3A_217 : i32
      %dma_start3A_219 = arith.constant 0 : i32
      %dma_start3A_220 = tpu.memref_slice %arg6[%dma_start3A_219] : memref<57344xf32, #tpu.memory_space<vmem>> -> memref<57344xf32, #tpu.memory_space<vmem>>
      %dma_start3A_221 = tpu.memref_slice %arg5[%add3A_218] : memref<15000000xf32, #tpu.memory_space<hbm>> -> memref<57344xf32, #tpu.memory_space<hbm>>
      %dma_start3A_222 = tpu.memref_slice %arg5[%add3A_218] : memref<15000000xf32, #tpu.memory_space<hbm>> -> memref<57344xf32, #tpu.memory_space<hbm>>
      %dma_start3A_223 = arith.constant 0 : i32
      %dma_start3A_224 = tpu.memref_slice %arg6[%dma_start3A_223] : memref<57344xf32, #tpu.memory_space<vmem>> -> memref<57344xf32, #tpu.memory_space<vmem>>
      tpu.enqueue_dma source(%dma_start3A_224 : memref<57344xf32, #tpu.memory_space<vmem>>) target(%dma_start3A_222 : memref<57344xf32, #tpu.memory_space<hbm>>) target_semaphore(%arg10 : memref<!tpu.dma_semaphore, #tpu.memory_space<semaphore_mem>>)
      %add3A_225 = arith.constant 286720 : i32
      %add3A_226 = arith.addi %mul3A_2, %add3A_225 : i32
      %dma_wait3A_227 = arith.constant 0 : i32
      %dma_wait3A_228 = tpu.memref_slice %arg7[%dma_wait3A_227] : memref<57344xf32, #tpu.memory_space<vmem>> -> memref<57344xf32, #tpu.memory_space<vmem>>
      %dma_wait3A_229 = tpu.memref_slice %arg5[%add3A_226] : memref<15000000xf32, #tpu.memory_space<hbm>> -> memref<57344xf32, #tpu.memory_space<hbm>>
      %dma_wait3A_230 = tpu.memref_slice %arg5[%add3A_226] : memref<15000000xf32, #tpu.memory_space<hbm>> -> memref<57344xf32, #tpu.memory_space<hbm>>
      %dma_wait3A_231 = arith.constant 0 : i32
      %dma_wait3A_232 = tpu.memref_slice %arg7[%dma_wait3A_231] : memref<57344xf32, #tpu.memory_space<vmem>> -> memref<57344xf32, #tpu.memory_space<vmem>>
      tpu.wait_dma2 semaphore(%arg11 : memref<!tpu.dma_semaphore, #tpu.memory_space<semaphore_mem>>) src(%dma_wait3A_232 : memref<57344xf32, #tpu.memory_space<vmem>>) dst(%dma_wait3A_230 : memref<57344xf32, #tpu.memory_space<hbm>>)
      %add3A_233 = arith.constant 401408 : i32
      %add3A_234 = arith.addi %mul3A_2, %add3A_233 : i32
      %dma_start3A_235 = arith.constant 0 : i32
      %dma_start3A_236 = tpu.memref_slice %arg7[%dma_start3A_235] : memref<57344xf32, #tpu.memory_space<vmem>> -> memref<57344xf32, #tpu.memory_space<vmem>>
      %dma_start3A_237 = tpu.memref_slice %arg3[%add3A_234] : memref<15000000xf32, #tpu.memory_space<hbm>> -> memref<57344xf32, #tpu.memory_space<hbm>>
      %dma_start3A_238 = arith.constant 0 : i32
      %dma_start3A_239 = tpu.memref_slice %arg7[%dma_start3A_238] : memref<57344xf32, #tpu.memory_space<vmem>> -> memref<57344xf32, #tpu.memory_space<vmem>>
      %dma_start3A_240 = tpu.memref_slice %arg3[%add3A_234] : memref<15000000xf32, #tpu.memory_space<hbm>> -> memref<57344xf32, #tpu.memory_space<hbm>>
      tpu.enqueue_dma source(%dma_start3A_240 : memref<57344xf32, #tpu.memory_space<hbm>>) target(%dma_start3A_239 : memref<57344xf32, #tpu.memory_space<vmem>>) target_semaphore(%arg9 : memref<!tpu.dma_semaphore, #tpu.memory_space<semaphore_mem>>)
      %add3A_241 = arith.constant 401408 : i32
      %add3A_242 = arith.addi %mul3A_2, %add3A_241 : i32
      %dma_wait3A_243 = arith.constant 0 : i32
      %dma_wait3A_244 = tpu.memref_slice %arg7[%dma_wait3A_243] : memref<57344xf32, #tpu.memory_space<vmem>> -> memref<57344xf32, #tpu.memory_space<vmem>>
      %dma_wait3A_245 = tpu.memref_slice %arg3[%add3A_242] : memref<15000000xf32, #tpu.memory_space<hbm>> -> memref<57344xf32, #tpu.memory_space<hbm>>
      %dma_wait3A_246 = arith.constant 0 : i32
      %dma_wait3A_247 = tpu.memref_slice %arg7[%dma_wait3A_246] : memref<57344xf32, #tpu.memory_space<vmem>> -> memref<57344xf32, #tpu.memory_space<vmem>>
      %dma_wait3A_248 = tpu.memref_slice %arg3[%add3A_242] : memref<15000000xf32, #tpu.memory_space<hbm>> -> memref<57344xf32, #tpu.memory_space<hbm>>
      tpu.wait_dma2 semaphore(%arg9 : memref<!tpu.dma_semaphore, #tpu.memory_space<semaphore_mem>>) src(%dma_wait3A_248 : memref<57344xf32, #tpu.memory_space<hbm>>) dst(%dma_wait3A_247 : memref<57344xf32, #tpu.memory_space<vmem>>)
      %add3A_249 = arith.constant 401408 : i32
      %add3A_250 = arith.addi %mul3A_2, %add3A_249 : i32
      %dma_start3A_251 = arith.constant 0 : i32
      %dma_start3A_252 = tpu.memref_slice %arg7[%dma_start3A_251] : memref<57344xf32, #tpu.memory_space<vmem>> -> memref<57344xf32, #tpu.memory_space<vmem>>
      %dma_start3A_253 = tpu.memref_slice %arg5[%add3A_250] : memref<15000000xf32, #tpu.memory_space<hbm>> -> memref<57344xf32, #tpu.memory_space<hbm>>
      %dma_start3A_254 = tpu.memref_slice %arg5[%add3A_250] : memref<15000000xf32, #tpu.memory_space<hbm>> -> memref<57344xf32, #tpu.memory_space<hbm>>
      %dma_start3A_255 = arith.constant 0 : i32
      %dma_start3A_256 = tpu.memref_slice %arg7[%dma_start3A_255] : memref<57344xf32, #tpu.memory_space<vmem>> -> memref<57344xf32, #tpu.memory_space<vmem>>
      tpu.enqueue_dma source(%dma_start3A_256 : memref<57344xf32, #tpu.memory_space<vmem>>) target(%dma_start3A_254 : memref<57344xf32, #tpu.memory_space<hbm>>) target_semaphore(%arg11 : memref<!tpu.dma_semaphore, #tpu.memory_space<semaphore_mem>>)
      %add3A_257 = arith.constant 344064 : i32
      %add3A_258 = arith.addi %mul3A_2, %add3A_257 : i32
      %dma_wait3A_259 = arith.constant 0 : i32
      %dma_wait3A_260 = tpu.memref_slice %arg6[%dma_wait3A_259] : memref<57344xf32, #tpu.memory_space<vmem>> -> memref<57344xf32, #tpu.memory_space<vmem>>
      %dma_wait3A_261 = tpu.memref_slice %arg5[%add3A_258] : memref<15000000xf32, #tpu.memory_space<hbm>> -> memref<57344xf32, #tpu.memory_space<hbm>>
      %dma_wait3A_262 = tpu.memref_slice %arg5[%add3A_258] : memref<15000000xf32, #tpu.memory_space<hbm>> -> memref<57344xf32, #tpu.memory_space<hbm>>
      %dma_wait3A_263 = arith.constant 0 : i32
      %dma_wait3A_264 = tpu.memref_slice %arg6[%dma_wait3A_263] : memref<57344xf32, #tpu.memory_space<vmem>> -> memref<57344xf32, #tpu.memory_space<vmem>>
      tpu.wait_dma2 semaphore(%arg10 : memref<!tpu.dma_semaphore, #tpu.memory_space<semaphore_mem>>) src(%dma_wait3A_264 : memref<57344xf32, #tpu.memory_space<vmem>>) dst(%dma_wait3A_262 : memref<57344xf32, #tpu.memory_space<hbm>>)
      %add3A_265 = arith.constant 458752 : i32
      %add3A_266 = arith.addi %mul3A_2, %add3A_265 : i32
      %dma_start3A_267 = arith.constant 0 : i32
      %dma_start3A_268 = tpu.memref_slice %arg6[%dma_start3A_267] : memref<57344xf32, #tpu.memory_space<vmem>> -> memref<2496xf32, #tpu.memory_space<vmem>>
      %dma_start3A_269 = tpu.memref_slice %arg3[%add3A_266] : memref<15000000xf32, #tpu.memory_space<hbm>> -> memref<2496xf32, #tpu.memory_space<hbm>>
      %dma_start3A_270 = arith.constant 0 : i32
      %dma_start3A_271 = tpu.memref_slice %arg6[%dma_start3A_270] : memref<57344xf32, #tpu.memory_space<vmem>> -> memref<2496xf32, #tpu.memory_space<vmem>>
      %dma_start3A_272 = tpu.memref_slice %arg3[%add3A_266] : memref<15000000xf32, #tpu.memory_space<hbm>> -> memref<2496xf32, #tpu.memory_space<hbm>>
      tpu.enqueue_dma source(%dma_start3A_272 : memref<2496xf32, #tpu.memory_space<hbm>>) target(%dma_start3A_271 : memref<2496xf32, #tpu.memory_space<vmem>>) target_semaphore(%arg8 : memref<!tpu.dma_semaphore, #tpu.memory_space<semaphore_mem>>)
      %add3A_273 = arith.constant 458752 : i32
      %add3A_274 = arith.addi %mul3A_2, %add3A_273 : i32
      %dma_wait3A_275 = arith.constant 0 : i32
      %dma_wait3A_276 = tpu.memref_slice %arg6[%dma_wait3A_275] : memref<57344xf32, #tpu.memory_space<vmem>> -> memref<2496xf32, #tpu.memory_space<vmem>>
      %dma_wait3A_277 = tpu.memref_slice %arg3[%add3A_274] : memref<15000000xf32, #tpu.memory_space<hbm>> -> memref<2496xf32, #tpu.memory_space<hbm>>
      %dma_wait3A_278 = arith.constant 0 : i32
      %dma_wait3A_279 = tpu.memref_slice %arg6[%dma_wait3A_278] : memref<57344xf32, #tpu.memory_space<vmem>> -> memref<2496xf32, #tpu.memory_space<vmem>>
      %dma_wait3A_280 = tpu.memref_slice %arg3[%add3A_274] : memref<15000000xf32, #tpu.memory_space<hbm>> -> memref<2496xf32, #tpu.memory_space<hbm>>
      tpu.wait_dma2 semaphore(%arg8 : memref<!tpu.dma_semaphore, #tpu.memory_space<semaphore_mem>>) src(%dma_wait3A_280 : memref<2496xf32, #tpu.memory_space<hbm>>) dst(%dma_wait3A_279 : memref<2496xf32, #tpu.memory_space<vmem>>)
      %add3A_281 = arith.constant 458752 : i32
      %add3A_282 = arith.addi %mul3A_2, %add3A_281 : i32
      %dma_start3A_283 = arith.constant 0 : i32
      %dma_start3A_284 = tpu.memref_slice %arg6[%dma_start3A_283] : memref<57344xf32, #tpu.memory_space<vmem>> -> memref<2496xf32, #tpu.memory_space<vmem>>
      %dma_start3A_285 = tpu.memref_slice %arg5[%add3A_282] : memref<15000000xf32, #tpu.memory_space<hbm>> -> memref<2496xf32, #tpu.memory_space<hbm>>
      %dma_start3A_286 = tpu.memref_slice %arg5[%add3A_282] : memref<15000000xf32, #tpu.memory_space<hbm>> -> memref<2496xf32, #tpu.memory_space<hbm>>
      %dma_start3A_287 = arith.constant 0 : i32
      %dma_start3A_288 = tpu.memref_slice %arg6[%dma_start3A_287] : memref<57344xf32, #tpu.memory_space<vmem>> -> memref<2496xf32, #tpu.memory_space<vmem>>
      tpu.enqueue_dma source(%dma_start3A_288 : memref<2496xf32, #tpu.memory_space<vmem>>) target(%dma_start3A_286 : memref<2496xf32, #tpu.memory_space<hbm>>) target_semaphore(%arg10 : memref<!tpu.dma_semaphore, #tpu.memory_space<semaphore_mem>>)
      %add3A_289 = arith.constant 401408 : i32
      %add3A_290 = arith.addi %mul3A_2, %add3A_289 : i32
      %dma_wait3A_291 = arith.constant 0 : i32
      %dma_wait3A_292 = tpu.memref_slice %arg7[%dma_wait3A_291] : memref<57344xf32, #tpu.memory_space<vmem>> -> memref<57344xf32, #tpu.memory_space<vmem>>
      %dma_wait3A_293 = tpu.memref_slice %arg5[%add3A_290] : memref<15000000xf32, #tpu.memory_space<hbm>> -> memref<57344xf32, #tpu.memory_space<hbm>>
      %dma_wait3A_294 = tpu.memref_slice %arg5[%add3A_290] : memref<15000000xf32, #tpu.memory_space<hbm>> -> memref<57344xf32, #tpu.memory_space<hbm>>
      %dma_wait3A_295 = arith.constant 0 : i32
      %dma_wait3A_296 = tpu.memref_slice %arg7[%dma_wait3A_295] : memref<57344xf32, #tpu.memory_space<vmem>> -> memref<57344xf32, #tpu.memory_space<vmem>>
      tpu.wait_dma2 semaphore(%arg11 : memref<!tpu.dma_semaphore, #tpu.memory_space<semaphore_mem>>) src(%dma_wait3A_296 : memref<57344xf32, #tpu.memory_space<vmem>>) dst(%dma_wait3A_294 : memref<57344xf32, #tpu.memory_space<hbm>>)
      %add3A_297 = arith.constant 458752 : i32
      %add3A_298 = arith.addi %mul3A_2, %add3A_297 : i32
      %dma_wait3A_299 = arith.constant 0 : i32
      %dma_wait3A_300 = tpu.memref_slice %arg6[%dma_wait3A_299] : memref<57344xf32, #tpu.memory_space<vmem>> -> memref<2496xf32, #tpu.memory_space<vmem>>
      %dma_wait3A_301 = tpu.memref_slice %arg5[%add3A_298] : memref<15000000xf32, #tpu.memory_space<hbm>> -> memref<2496xf32, #tpu.memory_space<hbm>>
      %dma_wait3A_302 = tpu.memref_slice %arg5[%add3A_298] : memref<15000000xf32, #tpu.memory_space<hbm>> -> memref<2496xf32, #tpu.memory_space<hbm>>
      %dma_wait3A_303 = arith.constant 0 : i32
      %dma_wait3A_304 = tpu.memref_slice %arg6[%dma_wait3A_303] : memref<57344xf32, #tpu.memory_space<vmem>> -> memref<2496xf32, #tpu.memory_space<vmem>>
      tpu.wait_dma2 semaphore(%arg10 : memref<!tpu.dma_semaphore, #tpu.memory_space<semaphore_mem>>) src(%dma_wait3A_304 : memref<2496xf32, #tpu.memory_space<vmem>>) dst(%dma_wait3A_302 : memref<2496xf32, #tpu.memory_space<hbm>>)
    } else {
    }
    return
  }
}

#map = affine_map<(d0, d1) -> (0)>
module attributes {stable_mosaic.version = 14 : i64} {
  func.func @new_body(%arg0: i32, %arg1: i32, %arg2: memref<4096xi32, #tpu.memory_space<hbm>>, %arg3: memref<4096xf32, #tpu.memory_space<hbm>>, %arg4: memref<4096xf32, #tpu.memory_space<hbm>>, %arg5: memref<4096xf32, #tpu.memory_space<hbm>>, %arg6: memref<15000000xf32, #tpu.memory_space<hbm>>, %arg7: memref<15000000xf32, #tpu.memory_space<hbm>>, %arg8: memref<15000000xf32, #tpu.memory_space<hbm>>, %arg9: memref<15000000xf32, #tpu.memory_space<hbm>>, %arg10: memref<15000000xf32, #tpu.memory_space<hbm>>, %arg11: memref<15000000xf32, #tpu.memory_space<hbm>>, %arg12: memref<128xi32, #tpu.memory_space<vmem>>, %arg13: memref<128xf32, #tpu.memory_space<vmem>>, %arg14: memref<128xf32, #tpu.memory_space<vmem>>, %arg15: memref<128xf32, #tpu.memory_space<vmem>>, %arg16: memref<!tpu.dma_semaphore, #tpu.memory_space<semaphore_mem>>, %arg17: memref<!tpu.dma_semaphore, #tpu.memory_space<semaphore_mem>>, %arg18: memref<!tpu.dma_semaphore, #tpu.memory_space<semaphore_mem>>, %arg19: memref<!tpu.dma_semaphore, #tpu.memory_space<semaphore_mem>>) attributes {dimension_semantics = [#tpu.dimension_semantics<core_parallel>, #tpu.dimension_semantics<subcore_parallel>], iteration_bounds = array<i64: 2, 16>, scalar_prefetch = 0 : i64, scratch_operands = 8 : i64, tpu.core_type = #tpu.core_type<sc_vector_subcore>, window_params = [{transform_indices = #map}, {transform_indices = #map}, {transform_indices = #map}, {transform_indices = #map}, {transform_indices = #map}, {transform_indices = #map}, {transform_indices = #map}, {transform_indices = #map}, {transform_indices = #map}, {transform_indices = #map}]} {
    %mul3A = arith.constant 2 : i32
    %mul3A_0 = arith.muli %arg1, %mul3A : i32
    %add3A = arith.addi %mul3A_0, %arg0 : i32
    %mul3A_1 = arith.constant 128 : i32
    %mul3A_2 = arith.muli %add3A, %mul3A_1 : i32
    %dma_start3A = tpu.memref_slice %arg2[%mul3A_2] : memref<4096xi32, #tpu.memory_space<hbm>> -> memref<128xi32, #tpu.memory_space<hbm>>
    %dma_start3A_3 = tpu.memref_slice %arg2[%mul3A_2] : memref<4096xi32, #tpu.memory_space<hbm>> -> memref<128xi32, #tpu.memory_space<hbm>>
    tpu.enqueue_dma source(%dma_start3A_3 : memref<128xi32, #tpu.memory_space<hbm>>) target(%arg12 : memref<128xi32, #tpu.memory_space<vmem>>) target_semaphore(%arg16 : memref<!tpu.dma_semaphore, #tpu.memory_space<semaphore_mem>>)
    %dma_start3A_4 = tpu.memref_slice %arg3[%mul3A_2] : memref<4096xf32, #tpu.memory_space<hbm>> -> memref<128xf32, #tpu.memory_space<hbm>>
    %dma_start3A_5 = tpu.memref_slice %arg3[%mul3A_2] : memref<4096xf32, #tpu.memory_space<hbm>> -> memref<128xf32, #tpu.memory_space<hbm>>
    tpu.enqueue_dma source(%dma_start3A_5 : memref<128xf32, #tpu.memory_space<hbm>>) target(%arg13 : memref<128xf32, #tpu.memory_space<vmem>>) target_semaphore(%arg17 : memref<!tpu.dma_semaphore, #tpu.memory_space<semaphore_mem>>)
    %dma_start3A_6 = tpu.memref_slice %arg4[%mul3A_2] : memref<4096xf32, #tpu.memory_space<hbm>> -> memref<128xf32, #tpu.memory_space<hbm>>
    %dma_start3A_7 = tpu.memref_slice %arg4[%mul3A_2] : memref<4096xf32, #tpu.memory_space<hbm>> -> memref<128xf32, #tpu.memory_space<hbm>>
    tpu.enqueue_dma source(%dma_start3A_7 : memref<128xf32, #tpu.memory_space<hbm>>) target(%arg14 : memref<128xf32, #tpu.memory_space<vmem>>) target_semaphore(%arg18 : memref<!tpu.dma_semaphore, #tpu.memory_space<semaphore_mem>>)
    %dma_start3A_8 = tpu.memref_slice %arg5[%mul3A_2] : memref<4096xf32, #tpu.memory_space<hbm>> -> memref<128xf32, #tpu.memory_space<hbm>>
    %dma_start3A_9 = tpu.memref_slice %arg5[%mul3A_2] : memref<4096xf32, #tpu.memory_space<hbm>> -> memref<128xf32, #tpu.memory_space<hbm>>
    tpu.enqueue_dma source(%dma_start3A_9 : memref<128xf32, #tpu.memory_space<hbm>>) target(%arg15 : memref<128xf32, #tpu.memory_space<vmem>>) target_semaphore(%arg19 : memref<!tpu.dma_semaphore, #tpu.memory_space<semaphore_mem>>)
    %dma_wait3A = tpu.memref_slice %arg2[%mul3A_2] : memref<4096xi32, #tpu.memory_space<hbm>> -> memref<128xi32, #tpu.memory_space<hbm>>
    %dma_wait3A_10 = tpu.memref_slice %arg2[%mul3A_2] : memref<4096xi32, #tpu.memory_space<hbm>> -> memref<128xi32, #tpu.memory_space<hbm>>
    tpu.wait_dma2 semaphore(%arg16 : memref<!tpu.dma_semaphore, #tpu.memory_space<semaphore_mem>>) src(%dma_wait3A_10 : memref<128xi32, #tpu.memory_space<hbm>>) dst(%arg12 : memref<128xi32, #tpu.memory_space<vmem>>)
    %dma_wait3A_11 = tpu.memref_slice %arg3[%mul3A_2] : memref<4096xf32, #tpu.memory_space<hbm>> -> memref<128xf32, #tpu.memory_space<hbm>>
    %dma_wait3A_12 = tpu.memref_slice %arg3[%mul3A_2] : memref<4096xf32, #tpu.memory_space<hbm>> -> memref<128xf32, #tpu.memory_space<hbm>>
    tpu.wait_dma2 semaphore(%arg17 : memref<!tpu.dma_semaphore, #tpu.memory_space<semaphore_mem>>) src(%dma_wait3A_12 : memref<128xf32, #tpu.memory_space<hbm>>) dst(%arg13 : memref<128xf32, #tpu.memory_space<vmem>>)
    %dma_wait3A_13 = tpu.memref_slice %arg4[%mul3A_2] : memref<4096xf32, #tpu.memory_space<hbm>> -> memref<128xf32, #tpu.memory_space<hbm>>
    %dma_wait3A_14 = tpu.memref_slice %arg4[%mul3A_2] : memref<4096xf32, #tpu.memory_space<hbm>> -> memref<128xf32, #tpu.memory_space<hbm>>
    tpu.wait_dma2 semaphore(%arg18 : memref<!tpu.dma_semaphore, #tpu.memory_space<semaphore_mem>>) src(%dma_wait3A_14 : memref<128xf32, #tpu.memory_space<hbm>>) dst(%arg14 : memref<128xf32, #tpu.memory_space<vmem>>)
    %dma_wait3A_15 = tpu.memref_slice %arg5[%mul3A_2] : memref<4096xf32, #tpu.memory_space<hbm>> -> memref<128xf32, #tpu.memory_space<hbm>>
    %dma_wait3A_16 = tpu.memref_slice %arg5[%mul3A_2] : memref<4096xf32, #tpu.memory_space<hbm>> -> memref<128xf32, #tpu.memory_space<hbm>>
    tpu.wait_dma2 semaphore(%arg19 : memref<!tpu.dma_semaphore, #tpu.memory_space<semaphore_mem>>) src(%dma_wait3A_16 : memref<128xf32, #tpu.memory_space<hbm>>) dst(%arg15 : memref<128xf32, #tpu.memory_space<vmem>>)
    %dma_start3A_17 = arith.constant 0 : i32
    %dma_start3A_18 = tpu.memref_slice %arg6[%dma_start3A_17] : memref<15000000xf32, #tpu.memory_space<hbm>> -> memref<15000000xf32, #tpu.memory_space<hbm>>
    tpu.enqueue_indirect_dma source(%arg13 : memref<128xf32, #tpu.memory_space<vmem>>) target(%dma_start3A_18 : memref<15000000xf32, #tpu.memory_space<hbm>>) offsets(%arg12 : memref<128xi32, #tpu.memory_space<vmem>>) semaphore(%arg16 : memref<!tpu.dma_semaphore, #tpu.memory_space<semaphore_mem>>)
    %dma_start3A_19 = arith.constant 0 : i32
    %dma_start3A_20 = tpu.memref_slice %arg7[%dma_start3A_19] : memref<15000000xf32, #tpu.memory_space<hbm>> -> memref<15000000xf32, #tpu.memory_space<hbm>>
    tpu.enqueue_indirect_dma source(%arg14 : memref<128xf32, #tpu.memory_space<vmem>>) target(%dma_start3A_20 : memref<15000000xf32, #tpu.memory_space<hbm>>) offsets(%arg12 : memref<128xi32, #tpu.memory_space<vmem>>) semaphore(%arg17 : memref<!tpu.dma_semaphore, #tpu.memory_space<semaphore_mem>>)
    %dma_start3A_21 = arith.constant 0 : i32
    %dma_start3A_22 = tpu.memref_slice %arg8[%dma_start3A_21] : memref<15000000xf32, #tpu.memory_space<hbm>> -> memref<15000000xf32, #tpu.memory_space<hbm>>
    tpu.enqueue_indirect_dma source(%arg15 : memref<128xf32, #tpu.memory_space<vmem>>) target(%dma_start3A_22 : memref<15000000xf32, #tpu.memory_space<hbm>>) offsets(%arg12 : memref<128xi32, #tpu.memory_space<vmem>>) semaphore(%arg18 : memref<!tpu.dma_semaphore, #tpu.memory_space<semaphore_mem>>)
    %dma_wait3A_23 = arith.constant 0 : i32
    %dma_wait3A_24 = tpu.memref_slice %arg6[%dma_wait3A_23] : memref<15000000xf32, #tpu.memory_space<hbm>> -> memref<15000000xf32, #tpu.memory_space<hbm>>
    tpu.wait_indirect_dma semaphore(%arg16 : memref<!tpu.dma_semaphore, #tpu.memory_space<semaphore_mem>>) src(%arg13 : memref<128xf32, #tpu.memory_space<vmem>>) dst(%dma_wait3A_24 : memref<15000000xf32, #tpu.memory_space<hbm>>)
    %dma_wait3A_25 = arith.constant 0 : i32
    %dma_wait3A_26 = tpu.memref_slice %arg7[%dma_wait3A_25] : memref<15000000xf32, #tpu.memory_space<hbm>> -> memref<15000000xf32, #tpu.memory_space<hbm>>
    tpu.wait_indirect_dma semaphore(%arg17 : memref<!tpu.dma_semaphore, #tpu.memory_space<semaphore_mem>>) src(%arg14 : memref<128xf32, #tpu.memory_space<vmem>>) dst(%dma_wait3A_26 : memref<15000000xf32, #tpu.memory_space<hbm>>)
    %dma_wait3A_27 = arith.constant 0 : i32
    %dma_wait3A_28 = tpu.memref_slice %arg8[%dma_wait3A_27] : memref<15000000xf32, #tpu.memory_space<hbm>> -> memref<15000000xf32, #tpu.memory_space<hbm>>
    tpu.wait_indirect_dma semaphore(%arg18 : memref<!tpu.dma_semaphore, #tpu.memory_space<semaphore_mem>>) src(%arg15 : memref<128xf32, #tpu.memory_space<vmem>>) dst(%dma_wait3A_28 : memref<15000000xf32, #tpu.memory_space<hbm>>)
    return
  }
}

module attributes {stable_mosaic.version = 14 : i64} {
  func.func @_tc_compute_body(%arg0: i32, %arg1: memref<512x4096xf32, #tpu.memory_space<vmem>>, %arg2: memref<512x1xf32, #tpu.memory_space<vmem>>, %arg3: memref<512x1xf32, #tpu.memory_space<vmem>>, %arg4: memref<512x1xf32, #tpu.memory_space<vmem>>, %arg5: memref<512x1xf32, #tpu.memory_space<vmem>>, %arg6: memref<512x1xf32, #tpu.memory_space<vmem>>, %arg7: memref<512x1xf32, #tpu.memory_space<vmem>>, %arg8: memref<1x1xf32, #tpu.memory_space<vmem>>, %arg9: memref<1x1xf32, #tpu.memory_space<vmem>>, %arg10: memref<1x1xf32, #tpu.memory_space<vmem>>) attributes {dimension_semantics = [#tpu.dimension_semantics<arbitrary>], iteration_bounds = array<i64: 8>, scalar_prefetch = 0 : i64, scratch_operands = 0 : i64, tpu.core_type = #tpu.core_type<tc>, window_params = [{transform_indices = @transform_0, window_bounds = array<i64: 512, 4096>}, {transform_indices = @transform_1, window_bounds = array<i64: 512, 1>}, {transform_indices = @transform_2, window_bounds = array<i64: 512, 1>}, {transform_indices = @transform_3, window_bounds = array<i64: 512, 1>}, {transform_indices = @transform_4, window_bounds = array<i64: 512, 1>}, {transform_indices = @transform_5, window_bounds = array<i64: 512, 1>}, {transform_indices = @transform_6, window_bounds = array<i64: 512, 1>}, {pipeline_mode = #tpu.pipeline_mode<synchronous>, transform_indices = @transform_7, window_bounds = array<i64: 1, 1>}, {pipeline_mode = #tpu.pipeline_mode<synchronous>, transform_indices = @transform_8, window_bounds = array<i64: 1, 1>}, {pipeline_mode = #tpu.pipeline_mode<synchronous>, transform_indices = @transform_9, window_bounds = array<i64: 1, 1>}]} {
    %get3A = arith.constant 0 : index
    %get3A_0 = arith.constant 0 : index
    %get3A_1 = vector.load %arg1[%get3A, %get3A_0] : memref<512x4096xf32, #tpu.memory_space<vmem>>, vector<512x4096xf32>
    %slice3A = vector.extract_strided_slice %get3A_1 {offsets = [0, 0], sizes = [512, 1], strides = [1, 1]} : vector<512x4096xf32> to vector<512x1xf32>
    %sub3A = vector.broadcast %slice3A : vector<512x1xf32> to vector<512x4096xf32>
    %sub3A_2 = arith.subf %get3A_1, %sub3A : vector<512x4096xf32>
    %get3A_3 = arith.constant 0 : index
    %get3A_4 = arith.constant 0 : index
    %get3A_5 = vector.load %arg3[%get3A_3, %get3A_4] : memref<512x1xf32, #tpu.memory_space<vmem>>, vector<512x1xf32>
    %div3A = arith.constant 1.000000e+00 : f32
    %div3A_6 = vector.broadcast %div3A : f32 to vector<512x1xf32>
    %div3A_7 = arith.divf %div3A_6, %get3A_5 : vector<512x1xf32>
    %mul3A = vector.broadcast %div3A_7 : vector<512x1xf32> to vector<512x4096xf32>
    %mul3A_8 = arith.mulf %sub3A_2, %mul3A : vector<512x4096xf32>
    %exp3A = math.exp %mul3A_8 : vector<512x4096xf32>
    %broadcast_in_dim3A = arith.constant 1.000000e+00 : f32
    %broadcast_in_dim3A_9 = vector.broadcast %broadcast_in_dim3A : f32 to vector<4096x1xf32>
    %dot_general3A = arith.constant dense<0.000000e+00> : vector<512x1xf32>
    %dot_general3A_10 = tpu.matmul %exp3A, %broadcast_in_dim3A_9, %dot_general3A {dimension_numbers = #tpu.dot_dimension_numbers<[1], [0], [0], [1], [0, 0, 1, 1], [], []>, transpose_lhs_hint = false} : vector<512x4096xf32>, vector<4096x1xf32>, vector<512x1xf32> -> vector<512x1xf32>
    %mul3A_11 = arith.mulf %exp3A, %sub3A_2 : vector<512x4096xf32>
    %dot_general3A_12 = arith.constant dense<0.000000e+00> : vector<512x1xf32>
    %dot_general3A_13 = tpu.matmul %mul3A_11, %broadcast_in_dim3A_9, %dot_general3A_12 {dimension_numbers = #tpu.dot_dimension_numbers<[1], [0], [0], [1], [0, 0, 1, 1], [], []>, transpose_lhs_hint = false} : vector<512x4096xf32>, vector<4096x1xf32>, vector<512x1xf32> -> vector<512x1xf32>
    %mul3A_14 = arith.constant 2.44140625E-4 : f32
    %mul3A_15 = vector.broadcast %mul3A_14 : f32 to vector<512x1xf32>
    %mul3A_16 = arith.mulf %dot_general3A_10, %mul3A_15 : vector<512x1xf32>
    %get3A_17 = arith.constant 0 : index
    %get3A_18 = arith.constant 0 : index
    %get3A_19 = vector.load %arg2[%get3A_17, %get3A_18] : memref<512x1xf32, #tpu.memory_space<vmem>>, vector<512x1xf32>
    %mul3A_20 = arith.constant 2.000000e-01 : f32
    %mul3A_21 = vector.broadcast %mul3A_20 : f32 to vector<512x1xf32>
    %mul3A_22 = arith.mulf %mul3A_21, %get3A_19 : vector<512x1xf32>
    %mul3A_23 = arith.constant 8.000000e-01 : f32
    %mul3A_24 = vector.broadcast %mul3A_23 : f32 to vector<512x1xf32>
    %mul3A_25 = arith.mulf %mul3A_24, %mul3A_16 : vector<512x1xf32>
    %add3A = arith.addf %mul3A_22, %mul3A_25 : vector<512x1xf32>
    %mul3A_26 = arith.constant 4.096000e+03 : f32
    %mul3A_27 = vector.broadcast %mul3A_26 : f32 to vector<512x1xf32>
    %mul3A_28 = arith.mulf %mul3A_27, %add3A : vector<512x1xf32>
    %div3A_29 = arith.divf %dot_general3A_13, %mul3A_28 : vector<512x1xf32>
    %log3A = math.log %add3A : vector<512x1xf32>
    %add3A_30 = arith.constant 6.000000e+00 : f32
    %add3A_31 = vector.broadcast %add3A_30 : f32 to vector<512x1xf32>
    %add3A_32 = arith.addf %log3A, %add3A_31 : vector<512x1xf32>
    %mul3A_33 = arith.mulf %div3A_29, %div3A_7 : vector<512x1xf32>
    %sub3A_34 = arith.subf %add3A_32, %mul3A_33 : vector<512x1xf32>
    %jit3A = arith.constant -3.000000e+00 : f32
    %jit3A_35 = arith.constant 3.000000e+00 : f32
    %max3A = vector.broadcast %jit3A : f32 to vector<512x1xf32>
    %max3A_36 = arith.maximumf %max3A, %sub3A_34 : vector<512x1xf32>
    %min3A = vector.broadcast %jit3A_35 : f32 to vector<512x1xf32>
    %min3A_37 = arith.minimumf %min3A, %max3A_36 : vector<512x1xf32>
    %get3A_38 = arith.constant 0 : index
    %get3A_39 = arith.constant 0 : index
    %get3A_40 = vector.load %arg4[%get3A_38, %get3A_39] : memref<512x1xf32, #tpu.memory_space<vmem>>, vector<512x1xf32>
    %mul3A_41 = arith.constant 1.000000e-01 : f32
    %mul3A_42 = vector.broadcast %mul3A_41 : f32 to vector<512x1xf32>
    %mul3A_43 = arith.mulf %mul3A_42, %get3A_40 : vector<512x1xf32>
    %mul3A_44 = arith.constant 0.899999976 : f32
    %mul3A_45 = vector.broadcast %mul3A_44 : f32 to vector<512x1xf32>
    %mul3A_46 = arith.mulf %mul3A_45, %min3A_37 : vector<512x1xf32>
    %add3A_47 = arith.addf %mul3A_43, %mul3A_46 : vector<512x1xf32>
    %mul3A_48 = arith.constant 3.000000e-02 : f32
    %mul3A_49 = vector.broadcast %mul3A_48 : f32 to vector<512x1xf32>
    %mul3A_50 = arith.mulf %mul3A_49, %add3A_47 : vector<512x1xf32>
    %sub3A_51 = arith.subf %get3A_5, %mul3A_50 : vector<512x1xf32>
    %jit3A_52 = arith.constant 5.000000e-02 : f32
    %jit3A_53 = arith.constant 1.000000e+00 : f32
    %max3A_54 = vector.broadcast %jit3A_52 : f32 to vector<512x1xf32>
    %max3A_55 = arith.maximumf %max3A_54, %sub3A_51 : vector<512x1xf32>
    %min3A_56 = vector.broadcast %jit3A_53 : f32 to vector<512x1xf32>
    %min3A_57 = arith.minimumf %min3A_56, %max3A_55 : vector<512x1xf32>
    %swap3A = arith.constant 0 : index
    %swap3A_58 = arith.constant 0 : index
    %swap3A_59 = vector.load %arg5[%swap3A, %swap3A_58] : memref<512x1xf32, #tpu.memory_space<vmem>>, vector<512x1xf32>
    tpu.vector_store %arg5[%swap3A, %swap3A_58], %add3A {strides = array<i32>} : memref<512x1xf32, #tpu.memory_space<vmem>>, vector<512x1xf32>,
    %swap3A_60 = arith.constant 0 : index
    %swap3A_61 = arith.constant 0 : index
    %swap3A_62 = vector.load %arg6[%swap3A_60, %swap3A_61] : memref<512x1xf32, #tpu.memory_space<vmem>>, vector<512x1xf32>
    tpu.vector_store %arg6[%swap3A_60, %swap3A_61], %add3A_47 {strides = array<i32>} : memref<512x1xf32, #tpu.memory_space<vmem>>, vector<512x1xf32>,
    %swap3A_63 = arith.constant 0 : index
    %swap3A_64 = arith.constant 0 : index
    %swap3A_65 = vector.load %arg7[%swap3A_63, %swap3A_64] : memref<512x1xf32, #tpu.memory_space<vmem>>, vector<512x1xf32>
    tpu.vector_store %arg7[%swap3A_63, %swap3A_64], %min3A_57 {strides = array<i32>} : memref<512x1xf32, #tpu.memory_space<vmem>>, vector<512x1xf32>,
    %reduce_sum3A = vector.shape_cast %div3A_29 : vector<512x1xf32> to vector<1x512x1xf32>
    %reduce_sum3A_66 = arith.constant dense<0.000000e+00> : vector<1xf32>
    %reduce_sum3A_67 = vector.multi_reduction <add>, %reduce_sum3A, %reduce_sum3A_66 [1, 2] : vector<1x512x1xf32> to vector<1xf32>
    %reduce_sum3A_68 = vector.shape_cast %reduce_sum3A_67 : vector<1xf32> to vector<1x1x1xf32>
    %reduce_sum3A_69 = vector.extract %reduce_sum3A_68[0, 0, 0] : f32 from vector<1x1x1xf32>
    %reshape3A = vector.broadcast %reduce_sum3A_69 : f32 to vector<1x1xf32>
    %reduce_sum3A_70 = vector.shape_cast %min3A_37 : vector<512x1xf32> to vector<1x512x1xf32>
    %reduce_sum3A_71 = arith.constant dense<0.000000e+00> : vector<1xf32>
    %reduce_sum3A_72 = vector.multi_reduction <add>, %reduce_sum3A_70, %reduce_sum3A_71 [1, 2] : vector<1x512x1xf32> to vector<1xf32>
    %reduce_sum3A_73 = vector.shape_cast %reduce_sum3A_72 : vector<1xf32> to vector<1x1x1xf32>
    %reduce_sum3A_74 = vector.extract %reduce_sum3A_73[0, 0, 0] : f32 from vector<1x1x1xf32>
    %reshape3A_75 = vector.broadcast %reduce_sum3A_74 : f32 to vector<1x1xf32>
    %reduce_sum3A_76 = vector.shape_cast %get3A_5 : vector<512x1xf32> to vector<1x512x1xf32>
    %reduce_sum3A_77 = arith.constant dense<0.000000e+00> : vector<1xf32>
    %reduce_sum3A_78 = vector.multi_reduction <add>, %reduce_sum3A_76, %reduce_sum3A_77 [1, 2] : vector<1x512x1xf32> to vector<1xf32>
    %reduce_sum3A_79 = vector.shape_cast %reduce_sum3A_78 : vector<1xf32> to vector<1x1x1xf32>
    %reduce_sum3A_80 = vector.extract %reduce_sum3A_79[0, 0, 0] : f32 from vector<1x1x1xf32>
    %reshape3A_81 = vector.broadcast %reduce_sum3A_80 : f32 to vector<1x1xf32>
    %eq3A = arith.constant 0 : i32
    %eq3A_82 = arith.cmpi eq, %arg0, %eq3A : i32
    %convert_element_type3A = arith.extui %eq3A_82 : i1 to i32
    %cond3A = arith.constant 0 : i32
    %cond3A_83 = arith.cmpi ne, %convert_element_type3A, %cond3A : i32
    scf.if %cond3A_83 {
      %swap3A_88 = arith.constant 0 : index
      %swap3A_89 = arith.constant 0 : index
      %swap3A_90 = vector.load %arg8[%swap3A_88, %swap3A_89] : memref<1x1xf32, #tpu.memory_space<vmem>>, vector<1x1xf32>
      tpu.vector_store %arg8[%swap3A_88, %swap3A_89], %reshape3A {strides = array<i32>} : memref<1x1xf32, #tpu.memory_space<vmem>>, vector<1x1xf32>,
      %swap3A_91 = arith.constant 0 : index
      %swap3A_92 = arith.constant 0 : index
      %swap3A_93 = vector.load %arg9[%swap3A_91, %swap3A_92] : memref<1x1xf32, #tpu.memory_space<vmem>>, vector<1x1xf32>
      tpu.vector_store %arg9[%swap3A_91, %swap3A_92], %reshape3A_75 {strides = array<i32>} : memref<1x1xf32, #tpu.memory_space<vmem>>, vector<1x1xf32>,
      %swap3A_94 = arith.constant 0 : index
      %swap3A_95 = arith.constant 0 : index
      %swap3A_96 = vector.load %arg10[%swap3A_94, %swap3A_95] : memref<1x1xf32, #tpu.memory_space<vmem>>, vector<1x1xf32>
      tpu.vector_store %arg10[%swap3A_94, %swap3A_95], %reshape3A_81 {strides = array<i32>} : memref<1x1xf32, #tpu.memory_space<vmem>>, vector<1x1xf32>,
    } else {
    }
    %gt3A = arith.constant 0 : i32
    %gt3A_84 = arith.cmpi sgt, %arg0, %gt3A : i32
    %convert_element_type3A_85 = arith.extui %gt3A_84 : i1 to i32
    %cond3A_86 = arith.constant 0 : i32
    %cond3A_87 = arith.cmpi ne, %convert_element_type3A_85, %cond3A_86 : i32
    scf.if %cond3A_87 {
      %get3A_88 = arith.constant 0 : index
      %get3A_89 = arith.constant 0 : index
      %get3A_90 = vector.load %arg8[%get3A_88, %get3A_89] : memref<1x1xf32, #tpu.memory_space<vmem>>, vector<1x1xf32>
      %add3A_91 = arith.addf %get3A_90, %reshape3A : vector<1x1xf32>
      %swap3A_92 = arith.constant 0 : index
      %swap3A_93 = arith.constant 0 : index
      %swap3A_94 = vector.load %arg8[%swap3A_92, %swap3A_93] : memref<1x1xf32, #tpu.memory_space<vmem>>, vector<1x1xf32>
      tpu.vector_store %arg8[%swap3A_92, %swap3A_93], %add3A_91 {strides = array<i32>} : memref<1x1xf32, #tpu.memory_space<vmem>>, vector<1x1xf32>,
      %get3A_95 = arith.constant 0 : index
      %get3A_96 = arith.constant 0 : index
      %get3A_97 = vector.load %arg9[%get3A_95, %get3A_96] : memref<1x1xf32, #tpu.memory_space<vmem>>, vector<1x1xf32>
      %add3A_98 = arith.addf %get3A_97, %reshape3A_75 : vector<1x1xf32>
      %swap3A_99 = arith.constant 0 : index
      %swap3A_100 = arith.constant 0 : index
      %swap3A_101 = vector.load %arg9[%swap3A_99, %swap3A_100] : memref<1x1xf32, #tpu.memory_space<vmem>>, vector<1x1xf32>
      tpu.vector_store %arg9[%swap3A_99, %swap3A_100], %add3A_98 {strides = array<i32>} : memref<1x1xf32, #tpu.memory_space<vmem>>, vector<1x1xf32>,
      %get3A_102 = arith.constant 0 : index
      %get3A_103 = arith.constant 0 : index
      %get3A_104 = vector.load %arg10[%get3A_102, %get3A_103] : memref<1x1xf32, #tpu.memory_space<vmem>>, vector<1x1xf32>
      %add3A_105 = arith.addf %get3A_104, %reshape3A_81 : vector<1x1xf32>
      %swap3A_106 = arith.constant 0 : index
      %swap3A_107 = arith.constant 0 : index
      %swap3A_108 = vector.load %arg10[%swap3A_106, %swap3A_107] : memref<1x1xf32, #tpu.memory_space<vmem>>, vector<1x1xf32>
      tpu.vector_store %arg10[%swap3A_106, %swap3A_107], %add3A_105 {strides = array<i32>} : memref<1x1xf32, #tpu.memory_space<vmem>>, vector<1x1xf32>,
    } else {
    }
    return
  }
  func.func @transform_0(%arg0: i32) -> (i32, i32) {
    %c0_i32 = arith.constant 0 : i32
    %c0_i32_0 = arith.constant 0 : i32
    return %arg0, %c0_i32 : i32, i32
  }
  func.func @transform_1(%arg0: i32) -> (i32, i32) {
    %c0_i32 = arith.constant 0 : i32
    %c0_i32_0 = arith.constant 0 : i32
    return %arg0, %c0_i32 : i32, i32
  }
  func.func @transform_2(%arg0: i32) -> (i32, i32) {
    %c0_i32 = arith.constant 0 : i32
    %c0_i32_0 = arith.constant 0 : i32
    return %arg0, %c0_i32 : i32, i32
  }
  func.func @transform_3(%arg0: i32) -> (i32, i32) {
    %c0_i32 = arith.constant 0 : i32
    %c0_i32_0 = arith.constant 0 : i32
    return %arg0, %c0_i32 : i32, i32
  }
  func.func @transform_4(%arg0: i32) -> (i32, i32) {
    %c0_i32 = arith.constant 0 : i32
    %c0_i32_0 = arith.constant 0 : i32
    return %arg0, %c0_i32 : i32, i32
  }
  func.func @transform_5(%arg0: i32) -> (i32, i32) {
    %c0_i32 = arith.constant 0 : i32
    %c0_i32_0 = arith.constant 0 : i32
    return %arg0, %c0_i32 : i32, i32
  }
  func.func @transform_6(%arg0: i32) -> (i32, i32) {
    %c0_i32 = arith.constant 0 : i32
    %c0_i32_0 = arith.constant 0 : i32
    return %arg0, %c0_i32 : i32, i32
  }
  func.func @transform_7(%arg0: i32) -> (i32, i32) {
    %c0_i32 = arith.constant 0 : i32
    %c0_i32_0 = arith.constant 0 : i32
    %c0_i32_1 = arith.constant 0 : i32
    return %c0_i32, %c0_i32_0 : i32, i32
  }
  func.func @transform_8(%arg0: i32) -> (i32, i32) {
    %c0_i32 = arith.constant 0 : i32
    %c0_i32_0 = arith.constant 0 : i32
    %c0_i32_1 = arith.constant 0 : i32
    return %c0_i32, %c0_i32_0 : i32, i32
  }
  func.func @transform_9(%arg0: i32) -> (i32, i32) {
    %c0_i32 = arith.constant 0 : i32
    %c0_i32_0 = arith.constant 0 : i32
    %c0_i32_1 = arith.constant 0 : i32
    return %c0_i32, %c0_i32_0 : i32, i32
  }
}

module attributes {stable_mosaic.version = 14 : i64} {
  func.func @_tc_copy_body(%arg0: i32, %arg1: memref<524288xf32, #tpu.memory_space<vmem>>, %arg2: memref<524288xf32, #tpu.memory_space<vmem>>) attributes {dimension_semantics = [#tpu.dimension_semantics<arbitrary>], iteration_bounds = array<i64: 29>, scalar_prefetch = 0 : i64, scratch_operands = 0 : i64, tpu.core_type = #tpu.core_type<tc>, window_params = [{transform_indices = @transform_0, window_bounds = array<i64: 524288>}, {transform_indices = @transform_1, window_bounds = array<i64: 524288>}]} {
    %get3A = arith.constant 0 : index
    %get3A_0 = vector.load %arg1[%get3A] : memref<524288xf32, #tpu.memory_space<vmem>>, vector<524288xf32>
    %swap3A = arith.constant 0 : index
    %swap3A_1 = vector.load %arg2[%swap3A] : memref<524288xf32, #tpu.memory_space<vmem>>, vector<524288xf32>
    tpu.vector_store %arg2[%swap3A], %get3A_0 {strides = array<i32>} : memref<524288xf32, #tpu.memory_space<vmem>>, vector<524288xf32>,
    return
  }
  func.func @transform_0(%arg0: i32) -> i32 {
    %c0_i32 = arith.constant 0 : i32
    return %arg0 : i32
  }
  func.func @transform_1(%arg0: i32) -> i32 {
    %c0_i32 = arith.constant 0 : i32
    return %arg0 : i32
  }
}

</mosaic_0001>

<sc_bundles>
// kernel: kernel.10.cloned.1.call-start
scs
__scs_entry_jumppad:
0x0: {  	(pc) =	sbr.rel $0x88, $3  }
0x1: {  	(tag) =	ssettag $0x0;
	lr =	simm.s32 $0x1  }
0x2: {  	[smem:$0x3F9C] =	sst lr;
	_ =	strace $0xD0000000  }
0x3: {  	_ = 	snop  }
0x4: {  	_ = 	snop  }
0x5: {  	_ = 	snop  }
0x6: {  	_ = 	snop  }
0x7: {  	_ = 	snop  }
__scs_overlays_trampoline_lowered:
0x8: {  	[smem:$0x3FAB] =	sst s0  }
0x9: {  	[smem:$0x3FAC] =	sst s1  }
0xa: {  	[smem:$0x3FAD] =	sst s2  }
0xb: {  	[smem:$0x3FAE] =	sst s3  }
0xc: {  	[smem:$0x3FAF] =	sst s4  }
0xd: {  	[smem:$0x3FB0] =	sst s5  }
0xe: {  	[smem:$0x3FB1] =	sst s6  }
0xf: {  	[smem:$0x3FB2] =	sst s7  }
0x10: {  	[smem:$0x3FB3] =	sst s8  }
0x11: {  	[smem:$0x3FB4] =	sst s9;
	s0 =	simm.s32 @!p0 $0x0  }
0x12: {  	s1 =	sld [smem:$0x3F9A];
	s0 =	simm.s32 @p0 $0x1  }
0x13: {  	[smem:$0x3FB5] =	sst s0;
	s0 =	simm.s32 @!p1 $0x0  }
0x14: {  	s2 =	sld [smem:$0x3F99];
	s0 =	simm.s32 @p1 $0x1  }
0x15: {  	[smem:$0x3FB6] =	sst s0;
	s0 =	simm.s32 @!p2 $0x0  }
0x16: {  	s3 =	sld [smem:$0x3FDB];
	s0 =	simm.s32 @p2 $0x1  }
0x17: {  	s4 =	simm.s32 $0x1BF5;
	[smem:$0x3FB8] =	sst s0  }
0x18: {  	s0 =	sld [smem:$0x3F9B];
	_ =	swait.ge [sflag:s4], $0x0  }
0x19: {  	s7 =	sld [smem:$0x3F9C]  }
0x1a: {  	s8 =	sadd.s32 $0xFFFFE003, lr  }
0x1b: {  	s9 =	sadd.s32 $0xFFFFFEF7, lr;
	s5 =	simm.s32 $0xFFFFFFFF;
	p2 =	slt.u32 s8, $0xFFFFF086  }
0x1c: {  	p1 =	slt.u32 s9, $0xF7A;
	s5 =	simm.s32 @!p2 $0x0  }
0x1d: {  	s5 =	simm.s32 @p1 $0x1;
	p0 =	seq.s32 s7, s2  }
0x1e: {  	s7 =	smul.u32 @!p0 $0xF7A, s2;
	p2 =	seq.s32 @!p0 s5, $0x0  }
0x1f: {  	s9 =	smul.u32 $0xF7A, s1;
	s8 =	simm.s32 @!p0 $0x1BF5;
	p2 =	por !p2, p0  }
0x20: {  	[sflag:s8] =	ssyncset.s32 @!p0 $0xFFFFF086;
	s6 =	sadd.s32 @!p0 s3, s7;
	s7 =	simm.s32 @!p0 $0x108  }
0x21: {  	s3 =	sadd.s32 s3, s9;
	s6 =	sadd.s32 @!p0 $0x88, s6;
	s7 =	simm.s32 @p2 $0x1082  }
0x22: {  	[simem:s7], [sflag:s8] =	dma.local @!p0 [hbm:s6], $0xF7A  }
0x23: {  	s9 =	sor.u32 $0xD0000000, s2;
	s6 =	simm.s32 $0x108;
	_ =	swait.ge @!p0 [sflag:s8], $0x0  }
0x24: {  	s3 =	sadd.s32 $0x88, s3;
	s6 =	simm.s32 @!p1 $0x1082;
	[sflag:s4] =	ssyncset.s32 $0xFFFFF086  }
0x25: {  	[simem:s6], [sflag:s4] =	dma.local [hbm:s3], $0xF7A  }
0x26: {  	[smem:$0x3F9C] =	sst s1;
	(tag) =	ssettag s2;
	_ =	strace s9  }
0x27: {  	s1 =	sld [smem:$0x3FAC]  }
0x28: {  	s2 =	sld [smem:$0x3FAD]  }
0x29: {  	s4 =	sld [smem:$0x3FAF]  }
0x2a: {  	p0 =	seq.s32 s5, $0x0;
	s5 =	sld [smem:$0x3FB0]  }
0x2b: {  	s6 =	sld [smem:$0x3FB1]  }
0x2c: {  	s7 =	sld [smem:$0x3FB2]  }
0x2d: {  	s3 =	simm.s32 $0x108;
	s8 =	sld [smem:$0x3FB3]  }
0x2e: {  	s3 =	simm.s32 @!p0 $0x1082;
	s9 =	sld [smem:$0x3FB4]  }
0x2f: {  	lr =	sadd.s32 s0, s3;
	s0 =	sld [smem:$0x3FAB]  }
0x30: {  	s3 =	sld [smem:$0x3FAE]  }
0x31: {  	[smem:$0x3FB7] =	sst s10  }
0x32: {  	s10 =	sld [smem:$0x3FB5];
	_ =	sdelay $0x3  }
0x33: {  	p0 =	seq.s32 s10, $0x1;
	s10 =	sld [smem:$0x3FB7];
	_ =	sdelay $0x3  }
0x34: {  	[smem:$0x3FB7] =	sst s10  }
0x35: {  	s10 =	sld [smem:$0x3FB6];
	_ =	sdelay $0x3  }
0x36: {  	p1 =	seq.s32 s10, $0x1;
	s10 =	sld [smem:$0x3FB7];
	_ =	sdelay $0x3  }
0x37: {  	[smem:$0x3FB7] =	sst s10  }
0x38: {  	s10 =	sld [smem:$0x3FB8]  }
0x39: {  	_ = 	snop;
	(pc) =	sbr.ind lr, $3  }
0x3a: {  	_ = 	snop  }
0x3b: {  	_ = 	snop  }
0x3c: {  	p2 =	seq.s32 s10, $0x1;
	s10 =	sld [smem:$0x3FB7]  }
0x3d: {  	_ =	shalt  }
0x3e: {  	_ =	shalt  }
0x3f: {  	_ =	shalt  }
0x40: {  	_ =	shalt  }
0x41: {  	_ =	shalt  }
0x42: {  	_ =	shalt  }
0x43: {  	_ =	shalt  }
0x44: {  	_ =	shalt  }
0x45: {  	_ =	shalt  }
0x46: {  	_ =	shalt  }
0x47: {  	_ =	shalt  }
0x48: {  	_ =	shalt  }
0x49: {  	_ =	shalt  }
0x4a: {  	_ =	shalt  }
0x4b: {  	_ =	shalt  }
0x4c: {  	_ =	shalt  }
0x4d: {  	_ =	shalt  }
0x4e: {  	_ =	shalt  }
0x4f: {  	_ =	shalt  }
0x50: {  	_ =	shalt  }
0x51: {  	_ =	shalt  }
0x52: {  	_ =	shalt  }
0x53: {  	_ =	shalt  }
0x54: {  	_ =	shalt  }
0x55: {  	_ =	shalt  }
0x56: {  	_ =	shalt  }
0x57: {  	_ =	shalt  }
0x58: {  	_ =	shalt  }
0x59: {  	_ =	shalt  }
0x5a: {  	_ =	shalt  }
0x5b: {  	_ =	shalt  }
0x5c: {  	_ =	shalt  }
0x5d: {  	_ =	shalt  }
0x5e: {  	_ =	shalt  }
0x5f: {  	_ =	shalt  }
0x60: {  	_ =	shalt  }
0x61: {  	_ =	shalt  }
0x62: {  	_ =	shalt  }
0x63: {  	_ =	shalt  }
0x64: {  	_ =	shalt  }
0x65: {  	_ =	shalt  }
0x66: {  	_ =	shalt  }
0x67: {  	_ =	shalt  }
0x68: {  	_ =	shalt  }
0x69: {  	_ =	shalt  }
0x6a: {  	_ =	shalt  }
0x6b: {  	_ =	shalt  }
0x6c: {  	_ =	shalt  }
0x6d: {  	_ =	shalt  }
0x6e: {  	_ =	shalt  }
0x6f: {  	_ =	shalt  }
0x70: {  	_ =	shalt  }
0x71: {  	_ =	shalt  }
0x72: {  	_ =	shalt  }
0x73: {  	_ =	shalt  }
0x74: {  	_ =	shalt  }
0x75: {  	_ =	shalt  }
0x76: {  	_ =	shalt  }
0x77: {  	_ =	shalt  }
0x78: {  	_ =	shalt  }
0x79: {  	_ =	shalt  }
0x7a: {  	_ =	shalt  }
0x7b: {  	_ =	shalt  }
0x7c: {  	_ =	shalt  }
0x7d: {  	_ =	shalt  }
0x7e: {  	_ =	shalt  }
0x7f: {  	_ =	shalt  }
0x80: {  	_ =	shalt  }
0x81: {  	_ =	shalt  }
0x82: {  	_ =	shalt  }
0x83: {  	_ =	shalt  }
0x84: {  	_ =	shalt  }
0x85: {  	_ =	shalt  }
0x86: {  	_ =	shalt  }
0x87: {  	_ =	shalt  }
.Lfunc_end0:
.L_simem_size_0:
called_computation.1_lowered:
.L_overlay_start_0:
0x88: {  	s2 =	sld [smem:$0x3FD9]  }
0x89: {  	s3 =	sld [smem:$0x3FFE];
	_ =	sdelay $0x1  }
0x8a: {  	s1 =	srdreg.scid  }
0x8b: {  	s0 =	sand.u32 $0x1, s1  }
0x8c: {  	s16 =	sshll.u32 s0, $0xA;
	s2 =	sadd.s32 s3, s2  }
0x8d: {  	s2 =	sadd.s32 s2, s16  }
0x8e: {  	[smem:$0x3FC3] =	sst s2  }
0x8f: {  	_ = 	snop  }
0x90: {  	s4 =	sld [smem:$0x3FD0];
	_ =	sdelay $0x1  }
0x91: {  	s2 =	sld [smem:$0x3FC6]  }
0x92: {  	s6 =	simm.s32 $0xB;
	s5 =	simm.s32 $0x10;
	s17 =	sld [smem:$0x3FC5]  }
0x93: {  	[smem:s5], [sflag:s6] =	dma.local [hbm:s4], $0x1  }
0x94: {  	_ =	swait.eq [sflag:s6], $0x1  }
0x95: {  	[sflag:s6] =	ssyncset.done $0x0  }
0x96: {  	s18 =	sld [smem:$0x15];
	[sflag:s6] =	ssyncadd.s32 $0xFFFFFFFF  }
0x97: {  	s19 =	sld [smem:$0x16];
	(tm) =	ssettm $0x1  }
0x98: {  	s20 =	sld [smem:$0x3FFB];
	_ =	sdelay $0x3  }
0x99: {  	_ =	strace s20  }
0x9a: {  	s4 =	sld [smem:$0x3FFC];
	_ =	sdelay $0x3  }
0x9b: {  	_ =	strace s4  }
0x9c: {  	s4 =	sld [smem:$0x3FFD];
	_ =	sdelay $0x3  }
0x9d: {  	_ =	strace s4  }
0x9e: {  	_ =	strace $0x8FFFFFFF  }
0x9f: {  	s21 =	sld [smem:$0x3FDB];
	_ =	sdelay $0x1  }
0xa0: {  	s7 =	simm.s32 $_scs_section_size  }
0xa1: {  	s8 =	simm.s32 $_size__tile_overlayer_lowered;
	s9 =	simm.s32 $_tile_overlayer_lowered  }
0xa2: {  	s10 =	simm.s32 $0x1BFF;
	s22 =	sshll.u32 s9, $0x1;
	s7 =	sadd.s32 s7, s21  }
0xa3: {  	s23 =	simm.s32 $0x0;
	s8 =	sshll.u32 s8, $0x1;
	s9 =	sadd.s32 s22, s7  }
0xa4: {  	[timem:s23], [sflag:s10] =	dma.local [hbm:s9], s8  }
0xa5: {  	_ =	swait.ge [sflag:s10], s8  }
0xa6: {  	s8 =	ssub.s32 $0x0, s8;
	[sflag:s10] =	ssyncset.done $0x0  }
0xa7: {  	[sflag:s10] =	ssyncadd.s32 s8;
	_ =	sdelay $0x1  }
0xa8: {  	s24 =	simm.s32 $0x1B8B  }
0xa9: {  	_ =	swait.ge [sflag:s24], $0x1  }
0xaa: {  	[sflag:s24] =	ssyncset.done $0x0  }
0xab: {  	[sflag:s24] =	ssyncadd.s32 $0xFFFFFFFF  }
0xac: {  	s8 =	sld [smem:$0x0]  }
0xad: {  	s9 =	sand.u32 $0xFFFFFFFE, s1  }
0xae: {  	p0 =	sne.s32 s1, s9  }
0xaf: {  	s9 =	sshll.u32 @p0 s9, $0xE  }
0xb0: {  	s9 =	sadd.s32 @p0 $0x11B8D, s9;
	s10 =	sshll.u32 @p0 s8, $0x11  }
0xb1: {  	s9 =	sor.u32 @p0 s10, s9  }
0xb2: {  	[sflag:s9] =	ssyncadd.remote.s32 @p0 $0x1;
	_ =	sdelay $0x1  }
0xb3: {  	s9 =	simm.s32 @p0 $0x1B8D  }
0xb4: {  	_ =	swait.eq @p0 [sflag:s9], $0x1  }
0xb5: {  	[sflag:s9] =	ssyncadd.s32 @p0 $0xFFFFFFFF  }
0xb6: {  	s10 =	sshll.u32 @!p0 s1, $0xE  }
0xb7: {  	s10 =	sor.u32 @!p0 $0x4000, s10;
	s9 =	simm.s32 @!p0 $0x1B8D  }
0xb8: {  	s8 =	sshll.u32 @!p0 s8, $0x11;
	s10 =	sadd.s32 @!p0 $0x11B8D, s10;
	_ =	swait.eq @!p0 [sflag:s9], $0x1  }
0xb9: {  	s8 =	sor.u32 @!p0 s8, s10;
	[sflag:s9] =	ssyncadd.s32 @!p0 $0xFFFFFFFF  }
0xba: {  	s25 =	simm.s32 $0x1B8E;
	[sflag:s8] =	ssyncadd.remote.s32 @!p0 $0x1  }
0xbb: {  	s26 =	simm.s32 $execute0_lowered;
	[smem:$0x3FD2] =	sst s25  }
0xbc: {  	s8 =	sshll.u32 s26, $0x1;
	_ =	strace $0x80000049;
	[dreg:$0x1] =	wrdreg $0xFFFFFFFF  }
0xbd: {  	s28 =	simm.s32 $_size_execute0_lowered;
	s7 =	sadd.s32 s7, s8;
	[dreg:$0x0] =	wrdreg $0x0  }
0xbe: {  	s8 =	sshll.u32 s28, $0x1;
	[dreg:$0x2] =	wrdreg s7  }
0xbf: {  	[dreg:$0x3] =	wrdreg s8  }
0xc0: {  	[dreg:$0x4] =	wrdreg $0xC0  }
0xc1: {  	_ =	task [dreg:s23], $0x5FFFF  }
0xc2: {  	[dreg:$0x1] =	wrdreg $0xFFFFFFFF  }
0xc3: {  	[dreg:$0x0] =	wrdreg $0x60  }
0xc4: {  	[dreg:$0x2] =	wrdreg s2  }
0xc5: {  	[dreg:$0x3] =	wrdreg s17  }
0xc6: {  	[dreg:$0x4] =	wrdreg s19  }
0xc7: {  	[dreg:$0x5] =	wrdreg s18  }
0xc8: {  	[dreg:$0x6] =	wrdreg $0xA  }
0xc9: {  	_ =	task.clear_ibuf [dreg:s23], $0x7FFFF;
	_ =	strace $0x90000049  }
0xca: {  	s29 =	simm.s32 $0xA;
	_ =	strace $0x8000004B  }
0xcb: {  	_ =	swait.ge [sflag:s29], $0x1  }
0xcc: {  	[sflag:s29] =	ssyncadd.s32 $0xFFFFFFFF  }
0xcd: {  	_ =	strace $0x9000004B  }
0xce: {  	_ =	sfence  }
0xcf: {  	s30 =	sld [smem:$0x0];
	_ =	sdelay $0x2  }
0xd0: {  	s31 =	sshll.u32 s1, $0xD;
	s1 =	sshrl.u32 s1, $0x2  }
0xd1: {  	s3 =	sand.u32 $0x4000, s31;
	s1 =	sadd.s32 s1, s30  }
0xd2: {  	s0 =	sor.u32 s3, s0;
	s1 =	sshll.u32 s1, $0x11  }
0xd3: {  	s0 =	sor.u32 s1, s0  }
0xd4: {  	s0 =	sadd.s32 $0x8F2B, s0  }
0xd5: {  	[sflag:s0] =	ssyncadd.remote.s32 $0x1  }
0xd6: {  	_ =	sfence.sel $0xFFFF  }
0xd7: {  	[dreg:$0x0] =	wrdreg $0xFFFFFFFF;
	(pc) =	sbr.abs _section_cstart, $3  }
0xd8: {  	[dreg:$0x1] =	wrdreg $0xFFFFFFFF  }
0xd9: {  	_ =	task.clear_ibuf [dreg:s23], $0x2FFFF;
	_ =	strace $0x9FFFFFFF  }
0xda: {  	(tm) =	ssettm $0x7FFFFFFF  }
0xdb: {  	_ =	shalt  }
tec
execute0_lowered:
.L_overlay_start_1:
0x0: {  	(tag) =	ssettag $0x1  }
0x1: {  	s2 =	srdreg.scid;
	s4 =	stileid.u32  }
0x2: {  	s0 =	rddreg [dreg:$0x0];
	s3 =	sand.u32 $0x1, s2;
	s23 =	sshll.u32 s4, $0x1  }
0x3: {  	s12 =	rddreg [dreg:$0x1];
	s4 =	sor.u32 s3, s23  }
0x4: {  	s1 =	rddreg [dreg:$0x2];
	s5 =	smul.u32 $0x72800, s4  }
0x5: {  	s14 =	rddreg [dreg:$0x3];
	s2 =	simm.s32 $0x0  }
0x6: {  	s3 =	ssub.s32 $0x2, s3;
	[smem:$0x7FF] =	sst s2;
	s24 =	sshrl.u32 s5, $0x3  }
0x7: {  	s6 =	sshrl.u32 s3, $0x1;
	_ =	strace $0x8000004A;
	s5 =	sadd.s32 s0, s24  }
0x8: {  	s15 =	ssub.s32 s3, s6;
	s25 =	sadd.s32 s1, s24;
	[dreg:$0x5] =	wrdreg s5  }
0x9: {  	s26 =	sadd.s32 $0x1C00, s24;
	s3 =	sadd.s32 s14, s24;
	[dreg:$0x6] =	wrdreg s25  }
0xa: {  	s16 =	sadd.s32 s0, s26;
	[dreg:$0xc] =	wrdreg s3  }
0xb: {  	s18 =	sadd.s32 $0x3800, s24;
	s17 =	sadd.s32 s1, s26;
	[dreg:$0x7] =	wrdreg s16  }
0xc: {  	s7 =	sadd.s32 s0, s18;
	[dreg:$0x8] =	wrdreg s17  }
0xd: {  	s19 =	sadd.s32 s1, s18;
	[dreg:$0x9] =	wrdreg s7  }
0xe: {  	s21 =	sadd.s32 s12, s26;
	[dreg:$0xa] =	wrdreg s19  }
0xf: {  	s22 =	sadd.s32 s14, s26;
	[dreg:$0xd] =	wrdreg s21  }
0x10: {  	s20 =	sadd.s32 $0x5400, s24;
	s23 =	sadd.s32 s12, s18;
	[dreg:$0xe] =	wrdreg s22  }
0x11: {  	s25 =	sadd.s32 s0, s20;
	[dreg:$0xf] =	wrdreg s23  }
0x12: {  	s26 =	sadd.s32 s1, s20;
	[dreg:$0x11] =	wrdreg s25  }
0x13: {  	p0 =	seq.s32 s4, $0x1F;
	s4 =	sadd.s32 s12, s20;
	[dreg:$0x12] =	wrdreg s26  }
0x14: {  	s8 =	sadd.s32 $0x7000, s24;
	s5 =	sadd.s32 s14, s20;
	[dreg:$0x13] =	wrdreg s4  }
0x15: {  	s9 =	sadd.s32 $0x8C00, s24;
	s6 =	sadd.s32 s0, s8;
	[dreg:$0x14] =	wrdreg s5  }
0x16: {  	s10 =	sadd.s32 $0xA800, s24;
	s20 =	sadd.s32 s12, s9;
	[dreg:$0x15] =	wrdreg s6  }
0x17: {  	s11 =	sadd.s32 $0xC400, s24;
	s16 =	sadd.s32 s12, s24;
	[dreg:$0x1b] =	wrdreg s20  }
0x18: {  	s13 =	sadd.s32 $0xE000, s24;
	s24 =	sadd.s32 s14, s18;
	[dreg:$0xb] =	wrdreg s16  }
0x19: {  	s7 =	sadd.s32 s1, s8;
	[dreg:$0x10] =	wrdreg s24  }
0x1a: {  	s17 =	sadd.s32 s14, s8;
	[dreg:$0x16] =	wrdreg s7  }
0x1b: {  	s18 =	sadd.s32 s0, s9;
	[dreg:$0x18] =	wrdreg s17  }
0x1c: {  	s19 =	sadd.s32 s1, s9;
	[dreg:$0x19] =	wrdreg s18  }
0x1d: {  	s21 =	sadd.s32 s14, s9;
	[dreg:$0x1a] =	wrdreg s19  }
0x1e: {  	s22 =	sadd.s32 s0, s10;
	[dreg:$0x1c] =	wrdreg s21  }
0x1f: {  	s23 =	sadd.s32 s1, s10;
	[dreg:$0x1d] =	wrdreg s22  }
0x20: {  	s25 =	sadd.s32 s14, s10;
	[dreg:$0x1e] =	wrdreg s23  }
0x21: {  	s26 =	sadd.s32 s0, s11;
	[smem:$0x7E8] =	sst s25  }
0x22: {  	s4 =	sadd.s32 s1, s11;
	[smem:$0x7E9] =	sst s26  }
0x23: {  	s5 =	sadd.s32 s12, s11;
	[smem:$0x7EA] =	sst s4  }
0x24: {  	s6 =	sadd.s32 s14, s11;
	[smem:$0x7EB] =	sst s5  }
0x25: {  	s28 =	sadd.s32 $0x1BBB00, s12;
	s9 =	sadd.s32 s12, s13;
	[smem:$0x7EC] =	sst s6  }
0x26: {  	s29 =	sadd.s32 $0x1BBB00, s14;
	s11 =	sadd.s32 $0x1BBB00, s0;
	[smem:$0x7EF] =	sst s9  }
0x27: {  	s3 =	sadd.s32 $0x1C0F00, s12;
	s20 =	sadd.s32 $0x1C0F00, s0;
	[smem:$0x7F1] =	sst s11  }
0x28: {  	s16 =	sadd.s32 s12, s8;
	s24 =	sadd.s32 s12, s10;
	[smem:$0x7F7] =	sst s20  }
0x29: {  	s7 =	sadd.s32 s0, s13;
	s8 =	sadd.s32 s1, s13;
	[dreg:$0x17] =	wrdreg s16  }
0x2a: {  	s10 =	sadd.s32 s14, s13;
	s13 =	sadd.s32 $0x1BBB00, s1;
	[dreg:$0x1f] =	wrdreg s24  }
0x2b: {  	s30 =	sadd.s32 $0x1BD700, s12;
	s17 =	sadd.s32 $0x1BD700, s1;
	[smem:$0x7ED] =	sst s7  }
0x2c: {  	s18 =	sadd.s32 $0x1BF300, s0;
	s19 =	sadd.s32 $0x1BF300, s1;
	[smem:$0x7EE] =	sst s8  }
0x2d: {  	s22 =	sadd.s32 $0x1C2B00, s0;
	s23 =	sadd.s32 $0x1C2B00, s1;
	[smem:$0x7F0] =	sst s10  }
0x2e: {  	s25 =	sadd.s32 $0x1C4700, s1;
	[smem:$0x7F2] =	sst s13  }
0x2f: {  	s26 =	sadd.s32 $0x1C6300, s0;
	[smem:$0x7F4] =	sst s17  }
0x30: {  	s21 =	sadd.s32 $0x1C0F00, s1;
	s4 =	sadd.s32 $0x1C0F00, s14;
	[smem:$0x7F5] =	sst s18  }
0x31: {  	s5 =	sadd.s32 $0x1C2B00, s12;
	s6 =	sadd.s32 $0x1C2B00, s14;
	[smem:$0x7F6] =	sst s19  }
0x32: {  	s11 =	sadd.s32 $0x1C7F00, s12;
	[smem:$0x7F8] =	sst s21  }
0x33: {  	s31 =	sadd.s32 $0x1BD700, s14;
	s16 =	sadd.s32 $0x1BD700, s0;
	[smem:$0x7F9] =	sst s22  }
0x34: {  	s15 =	smax.u32 s15, $0x1;
	s24 =	sadd.s32 $0x1C4700, s0;
	[smem:$0x7FC] =	sst s25  }
0x35: {  	s9 =	sadd.s32 $0x1C6300, s12;
	[smem:$0x7FD] =	sst s26;
	s22 =	sadd.s32 $0x1C6300, s1  }
0x36: {  	s20 =	simm.s32 $0x4;
	s25 =	sadd.s32 $0x1C7F00, s1;
	s26 =	sadd.s32 $0x1C9B00, s1  }
0x37: {  	s1 =	sadd.s32 $0x1BF300, s12;
	s7 =	sadd.s32 $0x1C4700, s12;
	s8 =	sadd.s32 $0x1C4700, s14  }
.Ltmp0:
0x38: {  	[smem:$0x7FA] =	sst s23;
	s10 =	sadd.s32 $0x1C6300, s14;
	(pc) =	sbr.rel .LBB2_1-.Ltmp0, $4  }
0x39: {  	s23 =	sadd.s32 $0x1C7F00, s0;
	s12 =	sadd.s32 $0x1C9B00, s12;
	s13 =	sadd.s32 $0x1C7F00, s14  }
0x3a: {  	s17 =	simm.s32 $0xE000;
	s18 =	simm.s32 $0x2;
	[smem:$0x7F3] =	sst s16  }
0x3b: {  	s19 =	simm.s32 $0x3;
	[smem:$0x7FB] =	sst s24;
	s24 =	sadd.s32 $0x1C9B00, s0  }
0x3c: {  	s0 =	sadd.s32 $0x1BF300, s14;
	s14 =	sadd.s32 $0x1C9B00, s14;
	s16 =	simm.s32 $0x1  }
.LBB2_3:
0x3d: {  	s21 =	sld [smem:$0x7F1];
	_ =	sdelay $0x2  }
0x3e: {  	[tilespmem:s2], [sflag:$0x1] =	stream.linear.gather [hbm4b:s21+s2], $0xE000, $0x38;
	[tilespmem:$0x1C000] =	vst v63  }
0x3f: {  	_ =	swait.ge [sflag:s16], $0xE000  }
0x40: {  	s21 =	sld [smem:$0x7F2]  }
0x41: {  	[sflag:s16] =	ssyncset.done $0x0  }
0x42: {  	[sflag:s16] =	ssyncadd.s32 $0xFFFF2000  }
0x43: {  	[hbm4b:s21+s2] =	stream.linear.scatter [tilespmem:s2], [sflag:$0x3], $0xE000, $0x38;
	[tilespmem:$0x1C000] =	vst v63  }
0x44: {  	s21 =	sld [smem:$0x7F3];
	_ =	sdelay $0x2  }
0x45: {  	[tilespmem:s17], [sflag:$0x2] =	stream.linear.gather [hbm4b:s21+s2], $0xE000, $0x38;
	[tilespmem:$0x1C000] =	vst v63  }
0x46: {  	_ =	swait.ge [sflag:s18], $0xE000  }
0x47: {  	s21 =	sld [smem:$0x7F4]  }
0x48: {  	[sflag:s18] =	ssyncset.done $0x0  }
0x49: {  	[sflag:s18] =	ssyncadd.s32 $0xFFFF2000  }
0x4a: {  	[hbm4b:s21+s2] =	stream.linear.scatter [tilespmem:s17], [sflag:$0x4], $0xE000, $0x38;
	[tilespmem:$0x1C000] =	vst v63  }
0x4b: {  	_ =	swait.ge [sflag:s19], $0xE000  }
0x4c: {  	s21 =	sld [smem:$0x7F5]  }
0x4d: {  	[sflag:s19] =	ssyncset.done $0x0  }
0x4e: {  	[sflag:s19] =	ssyncadd.s32 $0xFFFF2000  }
0x4f: {  	[tilespmem:s2], [sflag:$0x1] =	stream.linear.gather [hbm4b:s21+s2], $0xE000, $0x38;
	[tilespmem:$0x1C000] =	vst v63  }
0x50: {  	_ =	swait.ge [sflag:s16], $0xE000  }
0x51: {  	s21 =	sld [smem:$0x7F6]  }
0x52: {  	[sflag:s16] =	ssyncset.done $0x0  }
0x53: {  	[sflag:s16] =	ssyncadd.s32 $0xFFFF2000  }
0x54: {  	[hbm4b:s21+s2] =	stream.linear.scatter [tilespmem:s2], [sflag:$0x3], $0xE000, $0x38;
	[tilespmem:$0x1C000] =	vst v63  }
0x55: {  	_ =	swait.ge [sflag:s20], $0xE000  }
0x56: {  	s21 =	sld [smem:$0x7F7]  }
0x57: {  	[sflag:s20] =	ssyncset.done $0x0  }
0x58: {  	[sflag:s20] =	ssyncadd.s32 $0xFFFF2000  }
0x59: {  	[tilespmem:s17], [sflag:$0x2] =	stream.linear.gather [hbm4b:s21+s2], $0xE000, $0x38;
	[tilespmem:$0x1C000] =	vst v63  }
0x5a: {  	_ =	swait.ge [sflag:s18], $0xE000  }
0x5b: {  	s21 =	sld [smem:$0x7F8]  }
0x5c: {  	[sflag:s18] =	ssyncset.done $0x0  }
0x5d: {  	[sflag:s18] =	ssyncadd.s32 $0xFFFF2000  }
0x5e: {  	[hbm4b:s21+s2] =	stream.linear.scatter [tilespmem:s17], [sflag:$0x4], $0xE000, $0x38;
	[tilespmem:$0x1C000] =	vst v63  }
0x5f: {  	_ =	swait.ge [sflag:s19], $0xE000  }
0x60: {  	s21 =	sld [smem:$0x7F9]  }
0x61: {  	[sflag:s19] =	ssyncset.done $0x0  }
0x62: {  	[sflag:s19] =	ssyncadd.s32 $0xFFFF2000  }
0x63: {  	[tilespmem:s2], [sflag:$0x1] =	stream.linear.gather [hbm4b:s21+s2], $0xE000, $0x38;
	[tilespmem:$0x1C000] =	vst v63  }
0x64: {  	_ =	swait.ge [sflag:s16], $0xE000  }
0x65: {  	s21 =	sld [smem:$0x7FA]  }
0x66: {  	[sflag:s16] =	ssyncset.done $0x0  }
0x67: {  	[sflag:s16] =	ssyncadd.s32 $0xFFFF2000  }
0x68: {  	[hbm4b:s21+s2] =	stream.linear.scatter [tilespmem:s2], [sflag:$0x3], $0xE000, $0x38;
	[tilespmem:$0x1C000] =	vst v63  }
0x69: {  	_ =	swait.ge [sflag:s20], $0xE000  }
0x6a: {  	s21 =	sld [smem:$0x7FB]  }
0x6b: {  	[sflag:s20] =	ssyncset.done $0x0  }
0x6c: {  	[sflag:s20] =	ssyncadd.s32 $0xFFFF2000  }
0x6d: {  	[tilespmem:s17], [sflag:$0x2] =	stream.linear.gather [hbm4b:s21+s2], $0xE000, $0x38;
	[tilespmem:$0x1C000] =	vst v63  }
0x6e: {  	_ =	swait.ge [sflag:s18], $0xE000  }
0x6f: {  	s21 =	sld [smem:$0x7FC]  }
0x70: {  	[sflag:s18] =	ssyncset.done $0x0  }
0x71: {  	[sflag:s18] =	ssyncadd.s32 $0xFFFF2000  }
0x72: {  	[hbm4b:s21+s2] =	stream.linear.scatter [tilespmem:s17], [sflag:$0x4], $0xE000, $0x38;
	[tilespmem:$0x1C000] =	vst v63  }
0x73: {  	_ =	swait.ge [sflag:s19], $0xE000  }
0x74: {  	s21 =	sld [smem:$0x7FD]  }
0x75: {  	[sflag:s19] =	ssyncset.done $0x0  }
0x76: {  	[sflag:s19] =	ssyncadd.s32 $0xFFFF2000  }
0x77: {  	[tilespmem:s2], [sflag:$0x1] =	stream.linear.gather [hbm4b:s21+s2], $0xE000, $0x38;
	[tilespmem:$0x1C000] =	vst v63  }
0x78: {  	_ =	swait.ge [sflag:s16], $0xE000  }
0x79: {  	[sflag:s16] =	ssyncset.done $0x0  }
0x7a: {  	[sflag:s16] =	ssyncadd.s32 $0xFFFF2000  }
0x7b: {  	[hbm4b:s22+s2] =	stream.linear.scatter [tilespmem:s2], [sflag:$0x3], $0xE000, $0x38;
	[tilespmem:$0x1C000] =	vst v63  }
0x7c: {  	_ =	swait.ge [sflag:s20], $0xE000  }
0x7d: {  	[sflag:s20] =	ssyncset.done $0x0  }
0x7e: {  	[sflag:s20] =	ssyncadd.s32 $0xFFFF2000  }
0x7f: {  	[tilespmem:s17], [sflag:$0x2] =	stream.linear.gather [hbm4b:s23+s2], $0xE000, $0x38;
	[tilespmem:$0x1C000] =	vst v63  }
0x80: {  	_ =	swait.ge [sflag:s18], $0xE000  }
0x81: {  	[sflag:s18] =	ssyncset.done $0x0  }
0x82: {  	[sflag:s18] =	ssyncadd.s32 $0xFFFF2000  }
0x83: {  	[hbm4b:s25+s2] =	stream.linear.scatter [tilespmem:s17], [sflag:$0x4], $0xE000, $0x38;
	[tilespmem:$0x1C000] =	vst v63  }
0x84: {  	_ =	swait.ge [sflag:s19], $0xE000  }
0x85: {  	[sflag:s19] =	ssyncset.done $0x0  }
0x86: {  	[sflag:s19] =	ssyncadd.s32 $0xFFFF2000  }
0x87: {  	[tilespmem:s2], [sflag:$0x1] =	stream.linear.gather [hbm4b:s24+s2], $0x9C0, $0x38;
	[tilespmem:$0x1C000] =	vst v63  }
0x88: {  	_ =	swait.ge [sflag:s16], $0x9C0  }
0x89: {  	[sflag:s16] =	ssyncset.done $0x0  }
0x8a: {  	[sflag:s16] =	ssyncadd.s32 $0xFFFFF640  }
0x8b: {  	[hbm4b:s26+s2] =	stream.linear.scatter [tilespmem:s2], [sflag:$0x3], $0x9C0, $0x38;
	[tilespmem:$0x1C000] =	vst v63  }
0x8c: {  	_ =	swait.ge [sflag:s20], $0xE000  }
0x8d: {  	[sflag:s20] =	ssyncset.done $0x0  }
0x8e: {  	[sflag:s20] =	ssyncadd.s32 $0xFFFF2000  }
0x8f: {  	_ =	swait.ge [sflag:s19], $0x9C0  }
0x90: {  	[sflag:s19] =	ssyncset.done $0x0  }
0x91: {  	[sflag:s19] =	ssyncadd.s32 $0xFFFFF640  }
0x92: {  	[tilespmem:s2], [sflag:$0x1] =	stream.linear.gather [hbm4b:s28+s2], $0xE000, $0x38;
	[tilespmem:$0x1C000] =	vst v63  }
0x93: {  	_ =	swait.ge [sflag:s16], $0xE000  }
0x94: {  	[sflag:s16] =	ssyncset.done $0x0  }
0x95: {  	[sflag:s16] =	ssyncadd.s32 $0xFFFF2000  }
0x96: {  	[hbm4b:s29+s2] =	stream.linear.scatter [tilespmem:s2], [sflag:$0x3], $0xE000, $0x38;
	[tilespmem:$0x1C000] =	vst v63  }
0x97: {  	_ = 	snop  }
0x98: {  	[tilespmem:s17], [sflag:$0x2] =	stream.linear.gather [hbm4b:s30+s2], $0xE000, $0x38;
	[tilespmem:$0x1C000] =	vst v63  }
0x99: {  	_ =	swait.ge [sflag:s18], $0xE000  }
0x9a: {  	[sflag:s18] =	ssyncset.done $0x0  }
0x9b: {  	[sflag:s18] =	ssyncadd.s32 $0xFFFF2000  }
0x9c: {  	[hbm4b:s31+s2] =	stream.linear.scatter [tilespmem:s17], [sflag:$0x4], $0xE000, $0x38;
	[tilespmem:$0x1C000] =	vst v63  }
0x9d: {  	_ =	swait.ge [sflag:s19], $0xE000  }
0x9e: {  	[sflag:s19] =	ssyncset.done $0x0  }
0x9f: {  	[sflag:s19] =	ssyncadd.s32 $0xFFFF2000  }
0xa0: {  	[tilespmem:s2], [sflag:$0x1] =	stream.linear.gather [hbm4b:s1+s2], $0xE000, $0x38;
	[tilespmem:$0x1C000] =	vst v63  }
0xa1: {  	_ =	swait.ge [sflag:s16], $0xE000  }
0xa2: {  	[sflag:s16] =	ssyncset.done $0x0  }
0xa3: {  	[sflag:s16] =	ssyncadd.s32 $0xFFFF2000  }
0xa4: {  	[hbm4b:s0+s2] =	stream.linear.scatter [tilespmem:s2], [sflag:$0x3], $0xE000, $0x38;
	[tilespmem:$0x1C000] =	vst v63  }
0xa5: {  	_ =	swait.ge [sflag:s20], $0xE000  }
0xa6: {  	[sflag:s20] =	ssyncset.done $0x0  }
0xa7: {  	[sflag:s20] =	ssyncadd.s32 $0xFFFF2000  }
0xa8: {  	[tilespmem:s17], [sflag:$0x2] =	stream.linear.gather [hbm4b:s3+s2], $0xE000, $0x38;
	[tilespmem:$0x1C000] =	vst v63  }
0xa9: {  	_ =	swait.ge [sflag:s18], $0xE000  }
0xaa: {  	[sflag:s18] =	ssyncset.done $0x0  }
0xab: {  	[sflag:s18] =	ssyncadd.s32 $0xFFFF2000  }
0xac: {  	[hbm4b:s4+s2] =	stream.linear.scatter [tilespmem:s17], [sflag:$0x4], $0xE000, $0x38;
	[tilespmem:$0x1C000] =	vst v63  }
0xad: {  	_ =	swait.ge [sflag:s19], $0xE000  }
0xae: {  	[sflag:s19] =	ssyncset.done $0x0  }
0xaf: {  	[sflag:s19] =	ssyncadd.s32 $0xFFFF2000  }
0xb0: {  	[tilespmem:s2], [sflag:$0x1] =	stream.linear.gather [hbm4b:s5+s2], $0xE000, $0x38;
	[tilespmem:$0x1C000] =	vst v63  }
0xb1: {  	_ =	swait.ge [sflag:s16], $0xE000  }
0xb2: {  	[sflag:s16] =	ssyncset.done $0x0  }
0xb3: {  	[sflag:s16] =	ssyncadd.s32 $0xFFFF2000  }
0xb4: {  	[hbm4b:s6+s2] =	stream.linear.scatter [tilespmem:s2], [sflag:$0x3], $0xE000, $0x38;
	[tilespmem:$0x1C000] =	vst v63  }
0xb5: {  	_ =	swait.ge [sflag:s20], $0xE000  }
0xb6: {  	[sflag:s20] =	ssyncset.done $0x0  }
0xb7: {  	[sflag:s20] =	ssyncadd.s32 $0xFFFF2000  }
0xb8: {  	[tilespmem:s17], [sflag:$0x2] =	stream.linear.gather [hbm4b:s7+s2], $0xE000, $0x38;
	[tilespmem:$0x1C000] =	vst v63  }
0xb9: {  	_ =	swait.ge [sflag:s18], $0xE000  }
0xba: {  	[sflag:s18] =	ssyncset.done $0x0  }
0xbb: {  	[sflag:s18] =	ssyncadd.s32 $0xFFFF2000  }
0xbc: {  	[hbm4b:s8+s2] =	stream.linear.scatter [tilespmem:s17], [sflag:$0x4], $0xE000, $0x38;
	[tilespmem:$0x1C000] =	vst v63  }
0xbd: {  	_ =	swait.ge [sflag:s19], $0xE000  }
0xbe: {  	[sflag:s19] =	ssyncset.done $0x0  }
0xbf: {  	[sflag:s19] =	ssyncadd.s32 $0xFFFF2000  }
0xc0: {  	[tilespmem:s2], [sflag:$0x1] =	stream.linear.gather [hbm4b:s9+s2], $0xE000, $0x38;
	[tilespmem:$0x1C000] =	vst v63  }
0xc1: {  	_ =	swait.ge [sflag:s16], $0xE000  }
0xc2: {  	[sflag:s16] =	ssyncset.done $0x0  }
0xc3: {  	[sflag:s16] =	ssyncadd.s32 $0xFFFF2000  }
0xc4: {  	[hbm4b:s10+s2] =	stream.linear.scatter [tilespmem:s2], [sflag:$0x3], $0xE000, $0x38;
	[tilespmem:$0x1C000] =	vst v63  }
0xc5: {  	_ =	swait.ge [sflag:s20], $0xE000  }
0xc6: {  	[sflag:s20] =	ssyncset.done $0x0  }
0xc7: {  	[sflag:s20] =	ssyncadd.s32 $0xFFFF2000  }
0xc8: {  	[tilespmem:s17], [sflag:$0x2] =	stream.linear.gather [hbm4b:s11+s2], $0xE000, $0x38;
	[tilespmem:$0x1C000] =	vst v63  }
0xc9: {  	_ =	swait.ge [sflag:s18], $0xE000  }
0xca: {  	[sflag:s18] =	ssyncset.done $0x0  }
0xcb: {  	[sflag:s18] =	ssyncadd.s32 $0xFFFF2000  }
0xcc: {  	[hbm4b:s13+s2] =	stream.linear.scatter [tilespmem:s17], [sflag:$0x4], $0xE000, $0x38;
	[tilespmem:$0x1C000] =	vst v63  }
0xcd: {  	_ =	swait.ge [sflag:s19], $0xE000  }
0xce: {  	[sflag:s19] =	ssyncset.done $0x0  }
0xcf: {  	[sflag:s19] =	ssyncadd.s32 $0xFFFF2000  }
0xd0: {  	[tilespmem:s2], [sflag:$0x1] =	stream.linear.gather [hbm4b:s12+s2], $0x9C0, $0x38;
	[tilespmem:$0x1C000] =	vst v63  }
0xd1: {  	_ =	swait.ge [sflag:s16], $0x9C0  }
0xd2: {  	[sflag:s16] =	ssyncset.done $0x0  }
0xd3: {  	[sflag:s16] =	ssyncadd.s32 $0xFFFFF640  }
0xd4: {  	[hbm4b:s14+s2] =	stream.linear.scatter [tilespmem:s2], [sflag:$0x3], $0x9C0, $0x38;
	[tilespmem:$0x1C000] =	vst v63  }
0xd5: {  	_ =	swait.ge [sflag:s20], $0xE000  }
0xd6: {  	[sflag:s20] =	ssyncset.done $0x0  }
0xd7: {  	[sflag:s20] =	ssyncadd.s32 $0xFFFF2000  }
0xd8: {  	_ =	swait.ge [sflag:s19], $0x9C0  }
0xd9: {  	[sflag:s19] =	ssyncset.done $0x0  }
0xda: {  	[sflag:s19] =	ssyncadd.s32 $0xFFFFF640  }
.LBB2_4:
0xdb: {  	s15 =	sadd.s32 $0xFFFFFFFF, s15  }
0xdc: {  	p1 =	sne.s32 s15, $0x0  }
.Ltmp1:
0xdd: {  	_ = 	snop;
	(pc) =	sbr.rel @!p1 .LBB2_5-.Ltmp1, $1  }
0xde: {  	_ =	sdelay $0x3  }
.LBB2_1:
.Ltmp2:
0xdf: {  	(pc) =	sbr.rel @p0 .LBB2_3-.Ltmp2, $1  }
0xe0: {  	_ =	sdelay $0x3  }
0xe1: {  	s21 =	rddreg [dreg:$0x5]  }
0xe2: {  	[tilespmem:s2], [sflag:$0x1] =	stream.linear.gather [hbm4b:s21+s2], $0xE000, $0x38;
	[tilespmem:$0x1C000] =	vst v63  }
0xe3: {  	_ =	swait.ge [sflag:s16], $0xE000  }
0xe4: {  	[sflag:s16] =	ssyncset.done $0x0  }
0xe5: {  	s21 =	rddreg [dreg:$0x6];
	[sflag:s16] =	ssyncadd.s32 $0xFFFF2000  }
0xe6: {  	[hbm4b:s21+s2] =	stream.linear.scatter [tilespmem:s2], [sflag:$0x3], $0xE000, $0x38;
	[tilespmem:$0x1C000] =	vst v63  }
0xe7: {  	s21 =	rddreg [dreg:$0x7]  }
0xe8: {  	[tilespmem:s17], [sflag:$0x2] =	stream.linear.gather [hbm4b:s21+s2], $0xE000, $0x38;
	[tilespmem:$0x1C000] =	vst v63  }
0xe9: {  	_ =	swait.ge [sflag:s18], $0xE000  }
0xea: {  	[sflag:s18] =	ssyncset.done $0x0  }
0xeb: {  	s21 =	rddreg [dreg:$0x8];
	[sflag:s18] =	ssyncadd.s32 $0xFFFF2000  }
0xec: {  	[hbm4b:s21+s2] =	stream.linear.scatter [tilespmem:s17], [sflag:$0x4], $0xE000, $0x38;
	[tilespmem:$0x1C000] =	vst v63  }
0xed: {  	_ =	swait.ge [sflag:s19], $0xE000  }
0xee: {  	[sflag:s19] =	ssyncset.done $0x0  }
0xef: {  	s21 =	rddreg [dreg:$0x9];
	[sflag:s19] =	ssyncadd.s32 $0xFFFF2000  }
0xf0: {  	[tilespmem:s2], [sflag:$0x1] =	stream.linear.gather [hbm4b:s21+s2], $0xE000, $0x38;
	[tilespmem:$0x1C000] =	vst v63  }
0xf1: {  	_ =	swait.ge [sflag:s16], $0xE000  }
0xf2: {  	[sflag:s16] =	ssyncset.done $0x0  }
0xf3: {  	s21 =	rddreg [dreg:$0xa];
	[sflag:s16] =	ssyncadd.s32 $0xFFFF2000  }
0xf4: {  	[hbm4b:s21+s2] =	stream.linear.scatter [tilespmem:s2], [sflag:$0x3], $0xE000, $0x38;
	[tilespmem:$0x1C000] =	vst v63  }
0xf5: {  	_ =	swait.ge [sflag:s20], $0xE000  }
0xf6: {  	[sflag:s20] =	ssyncset.done $0x0  }
0xf7: {  	s21 =	rddreg [dreg:$0x11];
	[sflag:s20] =	ssyncadd.s32 $0xFFFF2000  }
0xf8: {  	[tilespmem:s17], [sflag:$0x2] =	stream.linear.gather [hbm4b:s21+s2], $0xE000, $0x38;
	[tilespmem:$0x1C000] =	vst v63  }
0xf9: {  	_ =	swait.ge [sflag:s18], $0xE000  }
0xfa: {  	[sflag:s18] =	ssyncset.done $0x0  }
0xfb: {  	s21 =	rddreg [dreg:$0x12];
	[sflag:s18] =	ssyncadd.s32 $0xFFFF2000  }
0xfc: {  	[hbm4b:s21+s2] =	stream.linear.scatter [tilespmem:s17], [sflag:$0x4], $0xE000, $0x38;
	[tilespmem:$0x1C000] =	vst v63  }
0xfd: {  	_ =	swait.ge [sflag:s19], $0xE000  }
0xfe: {  	[sflag:s19] =	ssyncset.done $0x0  }
0xff: {  	s21 =	rddreg [dreg:$0x15];
	[sflag:s19] =	ssyncadd.s32 $0xFFFF2000  }
0x100: {  	[tilespmem:s2], [sflag:$0x1] =	stream.linear.gather [hbm4b:s21+s2], $0xE000, $0x38;
	[tilespmem:$0x1C000] =	vst v63  }
0x101: {  	_ =	swait.ge [sflag:s16], $0xE000  }
0x102: {  	[sflag:s16] =	ssyncset.done $0x0  }
0x103: {  	s21 =	rddreg [dreg:$0x16];
	[sflag:s16] =	ssyncadd.s32 $0xFFFF2000  }
0x104: {  	[hbm4b:s21+s2] =	stream.linear.scatter [tilespmem:s2], [sflag:$0x3], $0xE000, $0x38;
	[tilespmem:$0x1C000] =	vst v63  }
0x105: {  	_ =	swait.ge [sflag:s20], $0xE000  }
0x106: {  	[sflag:s20] =	ssyncset.done $0x0  }
0x107: {  	s21 =	rddreg [dreg:$0x19];
	[sflag:s20] =	ssyncadd.s32 $0xFFFF2000  }
0x108: {  	[tilespmem:s17], [sflag:$0x2] =	stream.linear.gather [hbm4b:s21+s2], $0xE000, $0x38;
	[tilespmem:$0x1C000] =	vst v63  }
0x109: {  	_ =	swait.ge [sflag:s18], $0xE000  }
0x10a: {  	[sflag:s18] =	ssyncset.done $0x0  }
0x10b: {  	s21 =	rddreg [dreg:$0x1a];
	[sflag:s18] =	ssyncadd.s32 $0xFFFF2000  }
0x10c: {  	[hbm4b:s21+s2] =	stream.linear.scatter [tilespmem:s17], [sflag:$0x4], $0xE000, $0x38;
	[tilespmem:$0x1C000] =	vst v63  }
0x10d: {  	_ =	swait.ge [sflag:s19], $0xE000  }
0x10e: {  	[sflag:s19] =	ssyncset.done $0x0  }
0x10f: {  	s21 =	rddreg [dreg:$0x1d];
	[sflag:s19] =	ssyncadd.s32 $0xFFFF2000  }
0x110: {  	[tilespmem:s2], [sflag:$0x1] =	stream.linear.gather [hbm4b:s21+s2], $0xE000, $0x38;
	[tilespmem:$0x1C000] =	vst v63  }
0x111: {  	_ =	swait.ge [sflag:s16], $0xE000  }
0x112: {  	[sflag:s16] =	ssyncset.done $0x0  }
0x113: {  	s21 =	rddreg [dreg:$0x1e];
	[sflag:s16] =	ssyncadd.s32 $0xFFFF2000  }
0x114: {  	[hbm4b:s21+s2] =	stream.linear.scatter [tilespmem:s2], [sflag:$0x3], $0xE000, $0x38;
	[tilespmem:$0x1C000] =	vst v63  }
0x115: {  	_ =	swait.ge [sflag:s20], $0xE000  }
0x116: {  	s21 =	sld [smem:$0x7E9]  }
0x117: {  	[sflag:s20] =	ssyncset.done $0x0  }
0x118: {  	[sflag:s20] =	ssyncadd.s32 $0xFFFF2000  }
0x119: {  	[tilespmem:s17], [sflag:$0x2] =	stream.linear.gather [hbm4b:s21+s2], $0xE000, $0x38;
	[tilespmem:$0x1C000] =	vst v63  }
0x11a: {  	_ =	swait.ge [sflag:s18], $0xE000  }
0x11b: {  	s21 =	sld [smem:$0x7EA]  }
0x11c: {  	[sflag:s18] =	ssyncset.done $0x0  }
0x11d: {  	[sflag:s18] =	ssyncadd.s32 $0xFFFF2000  }
0x11e: {  	[hbm4b:s21+s2] =	stream.linear.scatter [tilespmem:s17], [sflag:$0x4], $0xE000, $0x38;
	[tilespmem:$0x1C000] =	vst v63  }
0x11f: {  	_ =	swait.ge [sflag:s19], $0xE000  }
0x120: {  	s21 =	sld [smem:$0x7ED]  }
0x121: {  	[sflag:s19] =	ssyncset.done $0x0  }
0x122: {  	[sflag:s19] =	ssyncadd.s32 $0xFFFF2000  }
0x123: {  	[tilespmem:s2], [sflag:$0x1] =	stream.linear.gather [hbm4b:s21+s2], $0x2800, $0x38;
	[tilespmem:$0x1C000] =	vst v63  }
0x124: {  	_ =	swait.ge [sflag:s16], $0x2800  }
0x125: {  	s21 =	sld [smem:$0x7EE]  }
0x126: {  	[sflag:s16] =	ssyncset.done $0x0  }
0x127: {  	[sflag:s16] =	ssyncadd.s32 $0xFFFFD800  }
0x128: {  	[hbm4b:s21+s2] =	stream.linear.scatter [tilespmem:s2], [sflag:$0x3], $0x2800, $0x38;
	[tilespmem:$0x1C000] =	vst v63  }
0x129: {  	_ =	swait.ge [sflag:s20], $0xE000  }
0x12a: {  	[sflag:s20] =	ssyncset.done $0x0  }
0x12b: {  	[sflag:s20] =	ssyncadd.s32 $0xFFFF2000  }
0x12c: {  	_ =	swait.ge [sflag:s19], $0x2800  }
0x12d: {  	[sflag:s19] =	ssyncset.done $0x0  }
0x12e: {  	s21 =	rddreg [dreg:$0xb];
	[sflag:s19] =	ssyncadd.s32 $0xFFFFD800  }
0x12f: {  	[tilespmem:s2], [sflag:$0x1] =	stream.linear.gather [hbm4b:s21+s2], $0xE000, $0x38;
	[tilespmem:$0x1C000] =	vst v63  }
0x130: {  	_ =	swait.ge [sflag:s16], $0xE000  }
0x131: {  	[sflag:s16] =	ssyncset.done $0x0  }
0x132: {  	s21 =	rddreg [dreg:$0xc];
	[sflag:s16] =	ssyncadd.s32 $0xFFFF2000  }
0x133: {  	[hbm4b:s21+s2] =	stream.linear.scatter [tilespmem:s2], [sflag:$0x3], $0xE000, $0x38;
	[tilespmem:$0x1C000] =	vst v63  }
0x134: {  	s21 =	rddreg [dreg:$0xd]  }
0x135: {  	[tilespmem:s17], [sflag:$0x2] =	stream.linear.gather [hbm4b:s21+s2], $0xE000, $0x38;
	[tilespmem:$0x1C000] =	vst v63  }
0x136: {  	_ =	swait.ge [sflag:s18], $0xE000  }
0x137: {  	[sflag:s18] =	ssyncset.done $0x0  }
0x138: {  	s21 =	rddreg [dreg:$0xe];
	[sflag:s18] =	ssyncadd.s32 $0xFFFF2000  }
0x139: {  	[hbm4b:s21+s2] =	stream.linear.scatter [tilespmem:s17], [sflag:$0x4], $0xE000, $0x38;
	[tilespmem:$0x1C000] =	vst v63  }
0x13a: {  	_ =	swait.ge [sflag:s19], $0xE000  }
0x13b: {  	[sflag:s19] =	ssyncset.done $0x0  }
0x13c: {  	s21 =	rddreg [dreg:$0xf];
	[sflag:s19] =	ssyncadd.s32 $0xFFFF2000  }
0x13d: {  	[tilespmem:s2], [sflag:$0x1] =	stream.linear.gather [hbm4b:s21+s2], $0xE000, $0x38;
	[tilespmem:$0x1C000] =	vst v63  }
0x13e: {  	_ =	swait.ge [sflag:s16], $0xE000  }
0x13f: {  	[sflag:s16] =	ssyncset.done $0x0  }
0x140: {  	s21 =	rddreg [dreg:$0x10];
	[sflag:s16] =	ssyncadd.s32 $0xFFFF2000  }
0x141: {  	[hbm4b:s21+s2] =	stream.linear.scatter [tilespmem:s2], [sflag:$0x3], $0xE000, $0x38;
	[tilespmem:$0x1C000] =	vst v63  }
0x142: {  	_ =	swait.ge [sflag:s20], $0xE000  }
0x143: {  	[sflag:s20] =	ssyncset.done $0x0  }
0x144: {  	s21 =	rddreg [dreg:$0x13];
	[sflag:s20] =	ssyncadd.s32 $0xFFFF2000  }
0x145: {  	[tilespmem:s17], [sflag:$0x2] =	stream.linear.gather [hbm4b:s21+s2], $0xE000, $0x38;
	[tilespmem:$0x1C000] =	vst v63  }
0x146: {  	_ =	swait.ge [sflag:s18], $0xE000  }
0x147: {  	[sflag:s18] =	ssyncset.done $0x0  }
0x148: {  	s21 =	rddreg [dreg:$0x14];
	[sflag:s18] =	ssyncadd.s32 $0xFFFF2000  }
0x149: {  	[hbm4b:s21+s2] =	stream.linear.scatter [tilespmem:s17], [sflag:$0x4], $0xE000, $0x38;
	[tilespmem:$0x1C000] =	vst v63  }
0x14a: {  	_ =	swait.ge [sflag:s19], $0xE000  }
0x14b: {  	[sflag:s19] =	ssyncset.done $0x0  }
0x14c: {  	s21 =	rddreg [dreg:$0x17];
	[sflag:s19] =	ssyncadd.s32 $0xFFFF2000  }
0x14d: {  	[tilespmem:s2], [sflag:$0x1] =	stream.linear.gather [hbm4b:s21+s2], $0xE000, $0x38;
	[tilespmem:$0x1C000] =	vst v63  }
0x14e: {  	_ =	swait.ge [sflag:s16], $0xE000  }
0x14f: {  	[sflag:s16] =	ssyncset.done $0x0  }
0x150: {  	s21 =	rddreg [dreg:$0x18];
	[sflag:s16] =	ssyncadd.s32 $0xFFFF2000  }
0x151: {  	[hbm4b:s21+s2] =	stream.linear.scatter [tilespmem:s2], [sflag:$0x3], $0xE000, $0x38;
	[tilespmem:$0x1C000] =	vst v63  }
0x152: {  	_ =	swait.ge [sflag:s20], $0xE000  }
0x153: {  	[sflag:s20] =	ssyncset.done $0x0  }
0x154: {  	s21 =	rddreg [dreg:$0x1b];
	[sflag:s20] =	ssyncadd.s32 $0xFFFF2000  }
0x155: {  	[tilespmem:s17], [sflag:$0x2] =	stream.linear.gather [hbm4b:s21+s2], $0xE000, $0x38;
	[tilespmem:$0x1C000] =	vst v63  }
0x156: {  	_ =	swait.ge [sflag:s18], $0xE000  }
0x157: {  	[sflag:s18] =	ssyncset.done $0x0  }
0x158: {  	s21 =	rddreg [dreg:$0x1c];
	[sflag:s18] =	ssyncadd.s32 $0xFFFF2000  }
0x159: {  	[hbm4b:s21+s2] =	stream.linear.scatter [tilespmem:s17], [sflag:$0x4], $0xE000, $0x38;
	[tilespmem:$0x1C000] =	vst v63  }
0x15a: {  	_ =	swait.ge [sflag:s19], $0xE000  }
0x15b: {  	[sflag:s19] =	ssyncset.done $0x0  }
0x15c: {  	s21 =	rddreg [dreg:$0x1f];
	[sflag:s19] =	ssyncadd.s32 $0xFFFF2000  }
0x15d: {  	[tilespmem:s2], [sflag:$0x1] =	stream.linear.gather [hbm4b:s21+s2], $0xE000, $0x38;
	[tilespmem:$0x1C000] =	vst v63  }
0x15e: {  	_ =	swait.ge [sflag:s16], $0xE000  }
0x15f: {  	s21 =	sld [smem:$0x7E8]  }
0x160: {  	[sflag:s16] =	ssyncset.done $0x0  }
0x161: {  	[sflag:s16] =	ssyncadd.s32 $0xFFFF2000  }
0x162: {  	[hbm4b:s21+s2] =	stream.linear.scatter [tilespmem:s2], [sflag:$0x3], $0xE000, $0x38;
	[tilespmem:$0x1C000] =	vst v63  }
0x163: {  	_ =	swait.ge [sflag:s20], $0xE000  }
0x164: {  	s21 =	sld [smem:$0x7EB]  }
0x165: {  	[sflag:s20] =	ssyncset.done $0x0  }
0x166: {  	[sflag:s20] =	ssyncadd.s32 $0xFFFF2000  }
0x167: {  	[tilespmem:s17], [sflag:$0x2] =	stream.linear.gather [hbm4b:s21+s2], $0xE000, $0x38;
	[tilespmem:$0x1C000] =	vst v63  }
0x168: {  	_ =	swait.ge [sflag:s18], $0xE000  }
0x169: {  	s21 =	sld [smem:$0x7EC]  }
0x16a: {  	[sflag:s18] =	ssyncset.done $0x0  }
0x16b: {  	[sflag:s18] =	ssyncadd.s32 $0xFFFF2000  }
0x16c: {  	[hbm4b:s21+s2] =	stream.linear.scatter [tilespmem:s17], [sflag:$0x4], $0xE000, $0x38;
	[tilespmem:$0x1C000] =	vst v63  }
0x16d: {  	_ =	swait.ge [sflag:s19], $0xE000  }
0x16e: {  	s21 =	sld [smem:$0x7EF]  }
0x16f: {  	[sflag:s19] =	ssyncset.done $0x0  }
0x170: {  	[sflag:s19] =	ssyncadd.s32 $0xFFFF2000  }
0x171: {  	[tilespmem:s2], [sflag:$0x1] =	stream.linear.gather [hbm4b:s21+s2], $0x2800, $0x38;
	[tilespmem:$0x1C000] =	vst v63  }
0x172: {  	_ =	swait.ge [sflag:s16], $0x2800  }
0x173: {  	s21 =	sld [smem:$0x7F0]  }
0x174: {  	[sflag:s16] =	ssyncset.done $0x0  }
0x175: {  	[sflag:s16] =	ssyncadd.s32 $0xFFFFD800  }
0x176: {  	[hbm4b:s21+s2] =	stream.linear.scatter [tilespmem:s2], [sflag:$0x3], $0x2800, $0x38;
	[tilespmem:$0x1C000] =	vst v63  }
0x177: {  	_ =	swait.ge [sflag:s20], $0xE000  }
.Ltmp3:
0x178: {  	[sflag:s20] =	ssyncset.done $0x0;
	(pc) =	sbr.rel .LBB2_4-.Ltmp3, $4  }
0x179: {  	[sflag:s20] =	ssyncadd.s32 $0xFFFF2000  }
0x17a: {  	_ =	swait.ge [sflag:s19], $0x2800  }
0x17b: {  	[sflag:s19] =	ssyncset.done $0x0  }
0x17c: {  	[sflag:s19] =	ssyncadd.s32 $0xFFFFD800  }
.LBB2_5:
0x17d: {  	_ =	sfence.sel $0x180000  }
0x17e: {  	[bflag:$0x0] =	sbarrier.arrive $0xFFFF  }
0x17f: {  	_ =	strace $0x9000004A  }
0x180: {  	s0 =	stileid.u32;
	[bflag:$0x2] =	sbarrier.arrive $0xFFFF  }
0x181: {  	p0 =	sne.s32 s0, $0x0;
	s0 =	rddreg [dreg:$0x4]  }
0x182: {  	s0 =	sadd.s32 @!p0 $0x100000, s0  }
0x183: {  	[sflag:s0] =	ssyncadd.tile.s32 @!p0 $0x1;
	_ =	shalt  }
.Lfunc_end2:
_tile_overlayer_lowered:
.L_overlay_start_2:
0x184: {  	(tag) =	ssettag $0x2  }
0x185: {  	s0 =	rddreg [dreg:$0x0];
	s2 =	stileid.u32  }
0x186: {  	s1 =	rddreg [dreg:$0x1];
	p0 =	sne.s32 s2, $0x0  }
0x187: {  	s3 =	rddreg [dreg:$0x2];
	[bflag:$0x3] =	sbarrier.arrive $0xFFFF;
	s2 =	simm.s32 @!p0 $0x1C05  }
0x188: {  	[timem:s3], [sflag:s2] =	dma.local @!p0 [hbm:s0], s1  }
0x189: {  	s0 =	simm.s32 @!p0 $0x5  }
0x18a: {  	_ =	swait.ge @!p0 [sflag:s0], s1  }
0x18b: {  	s1 =	ssub.s32 @!p0 $0x0, s1;
	[sflag:s0] =	ssyncset.done @!p0 $0x0  }
0x18c: {  	[sflag:s0] =	ssyncadd.s32 @!p0 s1  }
0x18d: {  	[bflag:$0x3] =	sbarrier.arrive $0xFFFF  }
0x18e: {  	_ =	shalt  }

// kernel: kernel.13.cloned.1.call-start
scs
__scs_entry_jumppad:
0x0: {  	(pc) =	sbr.rel $0x88, $3  }
0x1: {  	(tag) =	ssettag $0x0;
	lr =	simm.s32 $0x1  }
0x2: {  	[smem:$0x3F9C] =	sst lr;
	_ =	strace $0xD0000000  }
0x3: {  	_ = 	snop  }
0x4: {  	_ = 	snop  }
0x5: {  	_ = 	snop  }
0x6: {  	_ = 	snop  }
0x7: {  	_ = 	snop  }
__scs_overlays_trampoline_lowered:
0x8: {  	[smem:$0x3FAB] =	sst s0  }
0x9: {  	[smem:$0x3FAC] =	sst s1  }
0xa: {  	[smem:$0x3FAD] =	sst s2  }
0xb: {  	[smem:$0x3FAE] =	sst s3  }
0xc: {  	[smem:$0x3FAF] =	sst s4  }
0xd: {  	[smem:$0x3FB0] =	sst s5  }
0xe: {  	[smem:$0x3FB1] =	sst s6  }
0xf: {  	[smem:$0x3FB2] =	sst s7  }
0x10: {  	[smem:$0x3FB3] =	sst s8  }
0x11: {  	[smem:$0x3FB4] =	sst s9;
	s0 =	simm.s32 @!p0 $0x0  }
0x12: {  	s1 =	sld [smem:$0x3F9A];
	s0 =	simm.s32 @p0 $0x1  }
0x13: {  	[smem:$0x3FB5] =	sst s0;
	s0 =	simm.s32 @!p1 $0x0  }
0x14: {  	s2 =	sld [smem:$0x3F99];
	s0 =	simm.s32 @p1 $0x1  }
0x15: {  	[smem:$0x3FB6] =	sst s0;
	s0 =	simm.s32 @!p2 $0x0  }
0x16: {  	s3 =	sld [smem:$0x3FDB];
	s0 =	simm.s32 @p2 $0x1  }
0x17: {  	s4 =	simm.s32 $0x1BF5;
	[smem:$0x3FB8] =	sst s0  }
0x18: {  	s0 =	sld [smem:$0x3F9B];
	_ =	swait.ge [sflag:s4], $0x0  }
0x19: {  	s7 =	sld [smem:$0x3F9C]  }
0x1a: {  	s8 =	sadd.s32 $0xFFFFE003, lr  }
0x1b: {  	s9 =	sadd.s32 $0xFFFFFEF7, lr;
	s5 =	simm.s32 $0xFFFFFFFF;
	p2 =	slt.u32 s8, $0xFFFFF086  }
0x1c: {  	p1 =	slt.u32 s9, $0xF7A;
	s5 =	simm.s32 @!p2 $0x0  }
0x1d: {  	s5 =	simm.s32 @p1 $0x1;
	p0 =	seq.s32 s7, s2  }
0x1e: {  	s7 =	smul.u32 @!p0 $0xF7A, s2;
	p2 =	seq.s32 @!p0 s5, $0x0  }
0x1f: {  	s9 =	smul.u32 $0xF7A, s1;
	s8 =	simm.s32 @!p0 $0x1BF5;
	p2 =	por !p2, p0  }
0x20: {  	[sflag:s8] =	ssyncset.s32 @!p0 $0xFFFFF086;
	s6 =	sadd.s32 @!p0 s3, s7;
	s7 =	simm.s32 @!p0 $0x108  }
0x21: {  	s3 =	sadd.s32 s3, s9;
	s6 =	sadd.s32 @!p0 $0x88, s6;
	s7 =	simm.s32 @p2 $0x1082  }
0x22: {  	[simem:s7], [sflag:s8] =	dma.local @!p0 [hbm:s6], $0xF7A  }
0x23: {  	s9 =	sor.u32 $0xD0000000, s2;
	s6 =	simm.s32 $0x108;
	_ =	swait.ge @!p0 [sflag:s8], $0x0  }
0x24: {  	s3 =	sadd.s32 $0x88, s3;
	s6 =	simm.s32 @!p1 $0x1082;
	[sflag:s4] =	ssyncset.s32 $0xFFFFF086  }
0x25: {  	[simem:s6], [sflag:s4] =	dma.local [hbm:s3], $0xF7A  }
0x26: {  	[smem:$0x3F9C] =	sst s1;
	(tag) =	ssettag s2;
	_ =	strace s9  }
0x27: {  	s1 =	sld [smem:$0x3FAC]  }
0x28: {  	s2 =	sld [smem:$0x3FAD]  }
0x29: {  	s4 =	sld [smem:$0x3FAF]  }
0x2a: {  	p0 =	seq.s32 s5, $0x0;
	s5 =	sld [smem:$0x3FB0]  }
0x2b: {  	s6 =	sld [smem:$0x3FB1]  }
0x2c: {  	s7 =	sld [smem:$0x3FB2]  }
0x2d: {  	s3 =	simm.s32 $0x108;
	s8 =	sld [smem:$0x3FB3]  }
0x2e: {  	s3 =	simm.s32 @!p0 $0x1082;
	s9 =	sld [smem:$0x3FB4]  }
0x2f: {  	lr =	sadd.s32 s0, s3;
	s0 =	sld [smem:$0x3FAB]  }
0x30: {  	s3 =	sld [smem:$0x3FAE]  }
0x31: {  	[smem:$0x3FB7] =	sst s10  }
0x32: {  	s10 =	sld [smem:$0x3FB5];
	_ =	sdelay $0x3  }
0x33: {  	p0 =	seq.s32 s10, $0x1;
	s10 =	sld [smem:$0x3FB7];
	_ =	sdelay $0x3  }
0x34: {  	[smem:$0x3FB7] =	sst s10  }
0x35: {  	s10 =	sld [smem:$0x3FB6];
	_ =	sdelay $0x3  }
0x36: {  	p1 =	seq.s32 s10, $0x1;
	s10 =	sld [smem:$0x3FB7];
	_ =	sdelay $0x3  }
0x37: {  	[smem:$0x3FB7] =	sst s10  }
0x38: {  	s10 =	sld [smem:$0x3FB8]  }
0x39: {  	_ = 	snop;
	(pc) =	sbr.ind lr, $3  }
0x3a: {  	_ = 	snop  }
0x3b: {  	_ = 	snop  }
0x3c: {  	p2 =	seq.s32 s10, $0x1;
	s10 =	sld [smem:$0x3FB7]  }
0x3d: {  	_ =	shalt  }
0x3e: {  	_ =	shalt  }
0x3f: {  	_ =	shalt  }
0x40: {  	_ =	shalt  }
0x41: {  	_ =	shalt  }
0x42: {  	_ =	shalt  }
0x43: {  	_ =	shalt  }
0x44: {  	_ =	shalt  }
0x45: {  	_ =	shalt  }
0x46: {  	_ =	shalt  }
0x47: {  	_ =	shalt  }
0x48: {  	_ =	shalt  }
0x49: {  	_ =	shalt  }
0x4a: {  	_ =	shalt  }
0x4b: {  	_ =	shalt  }
0x4c: {  	_ =	shalt  }
0x4d: {  	_ =	shalt  }
0x4e: {  	_ =	shalt  }
0x4f: {  	_ =	shalt  }
0x50: {  	_ =	shalt  }
0x51: {  	_ =	shalt  }
0x52: {  	_ =	shalt  }
0x53: {  	_ =	shalt  }
0x54: {  	_ =	shalt  }
0x55: {  	_ =	shalt  }
0x56: {  	_ =	shalt  }
0x57: {  	_ =	shalt  }
0x58: {  	_ =	shalt  }
0x59: {  	_ =	shalt  }
0x5a: {  	_ =	shalt  }
0x5b: {  	_ =	shalt  }
0x5c: {  	_ =	shalt  }
0x5d: {  	_ =	shalt  }
0x5e: {  	_ =	shalt  }
0x5f: {  	_ =	shalt  }
0x60: {  	_ =	shalt  }
0x61: {  	_ =	shalt  }
0x62: {  	_ =	shalt  }
0x63: {  	_ =	shalt  }
0x64: {  	_ =	shalt  }
0x65: {  	_ =	shalt  }
0x66: {  	_ =	shalt  }
0x67: {  	_ =	shalt  }
0x68: {  	_ =	shalt  }
0x69: {  	_ =	shalt  }
0x6a: {  	_ =	shalt  }
0x6b: {  	_ =	shalt  }
0x6c: {  	_ =	shalt  }
0x6d: {  	_ =	shalt  }
0x6e: {  	_ =	shalt  }
0x6f: {  	_ =	shalt  }
0x70: {  	_ =	shalt  }
0x71: {  	_ =	shalt  }
0x72: {  	_ =	shalt  }
0x73: {  	_ =	shalt  }
0x74: {  	_ =	shalt  }
0x75: {  	_ =	shalt  }
0x76: {  	_ =	shalt  }
0x77: {  	_ =	shalt  }
0x78: {  	_ =	shalt  }
0x79: {  	_ =	shalt  }
0x7a: {  	_ =	shalt  }
0x7b: {  	_ =	shalt  }
0x7c: {  	_ =	shalt  }
0x7d: {  	_ =	shalt  }
0x7e: {  	_ =	shalt  }
0x7f: {  	_ =	shalt  }
0x80: {  	_ =	shalt  }
0x81: {  	_ =	shalt  }
0x82: {  	_ =	shalt  }
0x83: {  	_ =	shalt  }
0x84: {  	_ =	shalt  }
0x85: {  	_ =	shalt  }
0x86: {  	_ =	shalt  }
0x87: {  	_ =	shalt  }
.Lfunc_end0:
.L_simem_size_0:
called_computation.2_lowered:
.L_overlay_start_0:
0x88: {  	s2 =	sld [smem:$0x3FD9]  }
0x89: {  	s3 =	sld [smem:$0x3FFE];
	_ =	sdelay $0x1  }
0x8a: {  	s1 =	srdreg.scid  }
0x8b: {  	s0 =	sand.u32 $0x1, s1  }
0x8c: {  	s14 =	sshll.u32 s0, $0xA;
	s2 =	sadd.s32 s3, s2  }
0x8d: {  	s2 =	sadd.s32 s2, s14  }
0x8e: {  	[smem:$0x3FC3] =	sst s2  }
0x8f: {  	_ = 	snop  }
0x90: {  	s2 =	sld [smem:$0x3FD0];
	_ =	sdelay $0x2  }
0x91: {  	s4 =	simm.s32 $0xB;
	s5 =	simm.s32 $0x10;
	s15 =	sld [smem:$0x3FC9]  }
0x92: {  	[smem:s5], [sflag:s4] =	dma.local [hbm:s2], $0x1  }
0x93: {  	_ =	swait.eq [sflag:s4], $0x1  }
0x94: {  	s16 =	sld [smem:$0x14];
	[sflag:s4] =	ssyncset.done $0x0  }
0x95: {  	s17 =	sld [smem:$0x15];
	[sflag:s4] =	ssyncadd.s32 $0xFFFFFFFF  }
0x96: {  	s18 =	sld [smem:$0x16];
	(tm) =	ssettm $0x1  }
0x97: {  	s6 =	sld [smem:$0x3FFB];
	_ =	sdelay $0x3  }
0x98: {  	_ =	strace s6  }
0x99: {  	s6 =	sld [smem:$0x3FFC];
	_ =	sdelay $0x3  }
0x9a: {  	_ =	strace s6  }
0x9b: {  	s6 =	sld [smem:$0x3FFD];
	_ =	sdelay $0x3  }
0x9c: {  	_ =	strace s6  }
0x9d: {  	_ =	strace $0x8FFFFFFF  }
0x9e: {  	s19 =	sld [smem:$0x3FDB];
	_ =	sdelay $0x1  }
0x9f: {  	s7 =	simm.s32 $_scs_section_size  }
0xa0: {  	s8 =	simm.s32 $_size__tile_overlayer_lowered;
	s9 =	simm.s32 $_tile_overlayer_lowered  }
0xa1: {  	s22 =	simm.s32 $0x1BFF;
	s21 =	sshll.u32 s9, $0x1;
	s6 =	sadd.s32 s7, s19  }
0xa2: {  	s10 =	simm.s32 $0x0;
	s20 =	sshll.u32 s8, $0x1;
	s8 =	sadd.s32 s21, s6  }
0xa3: {  	[timem:s10], [sflag:s22] =	dma.local [hbm:s8], s20  }
0xa4: {  	_ =	swait.ge [sflag:s22], s20  }
0xa5: {  	s7 =	ssub.s32 $0x0, s20;
	[sflag:s22] =	ssyncset.done $0x0  }
0xa6: {  	[sflag:s22] =	ssyncadd.s32 s7;
	_ =	sdelay $0x1  }
0xa7: {  	s23 =	simm.s32 $0x1B8B  }
0xa8: {  	_ =	swait.ge [sflag:s23], $0x1  }
0xa9: {  	[sflag:s23] =	ssyncset.done $0x0  }
0xaa: {  	s25 =	simm.s32 $0x1B8E;
	s24 =	sld [smem:$0x3FFE];
	[sflag:s23] =	ssyncadd.s32 $0xFFFFFFFF  }
0xab: {  	s26 =	simm.s32 $execute0_lowered;
	[smem:$0x3FD2] =	sst s25  }
0xac: {  	s8 =	sshll.u32 s26, $0x1;
	_ =	strace $0x8000004C;
	[dreg:$0x1] =	wrdreg $0xFFFFFFFF  }
0xad: {  	s28 =	simm.s32 $_size_execute0_lowered;
	s6 =	sadd.s32 s6, s8;
	[dreg:$0x0] =	wrdreg $0x0  }
0xae: {  	s8 =	sshll.u32 s28, $0x1;
	[dreg:$0x2] =	wrdreg s6  }
0xaf: {  	[dreg:$0x3] =	wrdreg s8  }
0xb0: {  	[dreg:$0x4] =	wrdreg $0xC0  }
0xb1: {  	_ =	task [dreg:s10], $0x5FFFF  }
0xb2: {  	[dreg:$0x1] =	wrdreg $0xFFFFFFFF  }
0xb3: {  	[dreg:$0x0] =	wrdreg $0x60  }
0xb4: {  	[dreg:$0x2] =	wrdreg s15  }
0xb5: {  	[dreg:$0x3] =	wrdreg s24  }
0xb6: {  	[dreg:$0x4] =	wrdreg s16  }
0xb7: {  	[dreg:$0x5] =	wrdreg s18  }
0xb8: {  	[dreg:$0x6] =	wrdreg s17  }
0xb9: {  	[dreg:$0x7] =	wrdreg $0x9  }
0xba: {  	_ =	task.clear_ibuf [dreg:s10], $0x8FFFF;
	_ =	strace $0x9000004C  }
0xbb: {  	s29 =	simm.s32 $0x9;
	_ =	strace $0x8000004E  }
0xbc: {  	_ =	swait.ge [sflag:s29], $0x1  }
0xbd: {  	[sflag:s29] =	ssyncadd.s32 $0xFFFFFFFF  }
0xbe: {  	_ =	strace $0x9000004E  }
0xbf: {  	_ =	sfence  }
0xc0: {  	s30 =	sld [smem:$0x0];
	_ =	sdelay $0x2  }
0xc1: {  	s31 =	sshll.u32 s1, $0xD;
	s1 =	sshrl.u32 s1, $0x2  }
0xc2: {  	s3 =	sand.u32 $0x4000, s31;
	s1 =	sadd.s32 s1, s30  }
0xc3: {  	s0 =	sor.u32 s3, s0;
	s1 =	sshll.u32 s1, $0x11  }
0xc4: {  	s0 =	sor.u32 s1, s0  }
0xc5: {  	s0 =	sadd.s32 $0x8F2B, s0  }
0xc6: {  	[sflag:s0] =	ssyncadd.remote.s32 $0x1  }
0xc7: {  	_ =	sfence.sel $0xFFFF  }
0xc8: {  	[dreg:$0x0] =	wrdreg $0xFFFFFFFF;
	(pc) =	sbr.abs _section_cstart, $3  }
0xc9: {  	[dreg:$0x1] =	wrdreg $0xFFFFFFFF  }
0xca: {  	_ =	task.clear_ibuf [dreg:s10], $0x2FFFF;
	_ =	strace $0x9FFFFFFF  }
0xcb: {  	(tm) =	ssettm $0x7FFFFFFF  }
tec
execute0_lowered:
.L_overlay_start_1:
0x0: {  	(tag) =	ssettag $0x1  }
0x1: {  	s6 =	rddreg [dreg:$0x0]  }
0x2: {  	s7 =	rddreg [dreg:$0x1]  }
0x3: {  	s2 =	rddreg [dreg:$0x2]  }
0x4: {  	s3 =	rddreg [dreg:$0x3]  }
0x5: {  	s4 =	rddreg [dreg:$0x4];
	s5 =	srdreg.scid  }
0x6: {  	s0 =	rddreg [dreg:$0x5];
	s1 =	stileid.u32;
	s17 =	sand.u32 $0x1, s5  }
0x7: {  	s5 =	simm.s32 $0x0;
	s8 =	sshll.u32 s1, $0x5;
	s9 =	sshll.u32 s17, $0x4  }
0x8: {  	[smem:$0x7FF] =	sst s5;
	s8 =	sor.u32 s9, s8  }
0x9: {  	_ =	strace $0x8000004D;
	s11 =	sadd.s32 s8, s7;
	s6 =	sadd.s32 s6, s8  }
0xa: {  	[tilespmem:s5], [sflag:$0x1] =	stream.linear.gather [hbm4b:s6+s5], $0x80, $0x38;
	[tilespmem:$0x200] =	vst v63  }
0xb: {  	s8 =	simm.s32 $0x80;
	s7 =	sadd.s32 $0xA00, s11  }
0xc: {  	[tilespmem:s8], [sflag:$0x2] =	stream.linear.gather [hbm4b:s7+s5], $0x80, $0x38;
	[tilespmem:$0x200] =	vst v63  }
0xd: {  	s10 =	simm.s32 $0x100;
	s9 =	sadd.s32 $0xC00, s11  }
0xe: {  	[tilespmem:s10], [sflag:$0x3] =	stream.linear.gather [hbm4b:s9+s5], $0x80, $0x38;
	[tilespmem:$0x200] =	vst v63  }
0xf: {  	s12 =	simm.s32 $0x180;
	s13 =	simm.s32 $0x1;
	s11 =	sadd.s32 $0xE00, s11  }
0x10: {  	[tilespmem:s12], [sflag:$0x4] =	stream.linear.gather [hbm4b:s11+s5], $0x80, $0x38;
	[tilespmem:$0x200] =	vst v63  }
0x11: {  	_ =	swait.ge [sflag:s13], $0x80  }
0x12: {  	[sflag:s13] =	ssyncset.done $0x0  }
0x13: {  	s14 =	simm.s32 $0x2;
	[sflag:s13] =	ssyncadd.s32 $0xFFFFFF80  }
0x14: {  	_ =	swait.ge [sflag:s14], $0x80  }
0x15: {  	[sflag:s14] =	ssyncset.done $0x0  }
0x16: {  	s15 =	simm.s32 $0x3;
	[sflag:s14] =	ssyncadd.s32 $0xFFFFFF80  }
0x17: {  	_ =	swait.ge [sflag:s15], $0x80  }
0x18: {  	[sflag:s15] =	ssyncset.done $0x0  }
0x19: {  	s16 =	simm.s32 $0x4;
	[sflag:s15] =	ssyncadd.s32 $0xFFFFFF80  }
0x1a: {  	_ =	swait.ge [sflag:s16], $0x80  }
0x1b: {  	[sflag:s16] =	ssyncset.done $0x0  }
0x1c: {  	[sflag:s16] =	ssyncadd.s32 $0xFFFFFF80  }
0x1d: {  	[hbm4b:s2+s8] =	stream.indirect.scatter [tilespmem:s8], [sflag:$0x1], $0x1, s5, s8, $0xb8;
	[tilespmem:$0x200] =	vst v63  }
0x1e: {  	s17 =	ssub.s32 $0x2, s17  }
0x1f: {  	[hbm4b:s3+s8] =	stream.indirect.scatter [tilespmem:s10], [sflag:$0x2], $0x1, s5, s8, $0xb8;
	[tilespmem:$0x200] =	vst v63  }
0x20: {  	s18 =	sshrl.u32 s17, $0x1  }
0x21: {  	[hbm4b:s4+s8] =	stream.indirect.scatter [tilespmem:s12], [sflag:$0x3], $0x1, s5, s8, $0xb8;
	[tilespmem:$0x200] =	vst v63  }
0x22: {  	s17 =	ssub.s32 s17, s18;
	_ =	swait.ge [sflag:s13], $0x80  }
0x23: {  	s17 =	smax.u32 s17, $0x1;
	[sflag:s13] =	ssyncset.done $0x0  }
0x24: {  	p0 =	sne.s32 s17, $0x1;
	[sflag:s13] =	ssyncadd.s32 $0xFFFFFF80  }
.Ltmp0:
0x25: {  	_ =	swait.ge [sflag:s14], $0x80;
	(pc) =	sbr.rel @!p0 .LBB2_2-.Ltmp0, $4  }
0x26: {  	[sflag:s14] =	ssyncset.done $0x0  }
0x27: {  	[sflag:s14] =	ssyncadd.s32 $0xFFFFFF80  }
0x28: {  	_ =	swait.ge [sflag:s15], $0x80  }
0x29: {  	s17 =	sadd.s32 $0xFFFFFFFF, s17;
	[sflag:s15] =	ssyncset.done $0x0  }
.LBB2_1:
0x2a: {  	p0 =	sne.s32 s17, $0x1;
	s17 =	sadd.s32 $0xFFFFFFFF, s17;
	[sflag:s15] =	ssyncadd.s32 $0xFFFFFF80  }
0x2b: {  	[tilespmem:s5], [sflag:$0x1] =	stream.linear.gather [hbm4b:s6+s5], $0x80, $0x38;
	[tilespmem:$0x200] =	vst v63  }
0x2c: {  	_ = 	snop  }
0x2d: {  	[tilespmem:s8], [sflag:$0x2] =	stream.linear.gather [hbm4b:s7+s5], $0x80, $0x38;
	[tilespmem:$0x200] =	vst v63  }
0x2e: {  	_ = 	snop  }
0x2f: {  	[tilespmem:s10], [sflag:$0x3] =	stream.linear.gather [hbm4b:s9+s5], $0x80, $0x38;
	[tilespmem:$0x200] =	vst v63  }
0x30: {  	_ = 	snop  }
0x31: {  	[tilespmem:s12], [sflag:$0x4] =	stream.linear.gather [hbm4b:s11+s5], $0x80, $0x38;
	[tilespmem:$0x200] =	vst v63  }
0x32: {  	_ =	swait.ge [sflag:s13], $0x80  }
0x33: {  	[sflag:s13] =	ssyncset.done $0x0  }
0x34: {  	[sflag:s13] =	ssyncadd.s32 $0xFFFFFF80  }
0x35: {  	_ =	swait.ge [sflag:s14], $0x80  }
0x36: {  	[sflag:s14] =	ssyncset.done $0x0  }
0x37: {  	[sflag:s14] =	ssyncadd.s32 $0xFFFFFF80  }
0x38: {  	_ =	swait.ge [sflag:s15], $0x80  }
0x39: {  	[sflag:s15] =	ssyncset.done $0x0  }
0x3a: {  	[sflag:s15] =	ssyncadd.s32 $0xFFFFFF80  }
0x3b: {  	_ =	swait.ge [sflag:s16], $0x80  }
0x3c: {  	[sflag:s16] =	ssyncset.done $0x0  }
0x3d: {  	[sflag:s16] =	ssyncadd.s32 $0xFFFFFF80  }
0x3e: {  	[hbm4b:s2+s8] =	stream.indirect.scatter [tilespmem:s8], [sflag:$0x1], $0x1, s5, s8, $0xb8;
	[tilespmem:$0x200] =	vst v63  }
0x3f: {  	_ = 	snop  }
0x40: {  	[hbm4b:s3+s8] =	stream.indirect.scatter [tilespmem:s10], [sflag:$0x2], $0x1, s5, s8, $0xb8;
	[tilespmem:$0x200] =	vst v63  }
0x41: {  	_ = 	snop  }
0x42: {  	[hbm4b:s4+s8] =	stream.indirect.scatter [tilespmem:s12], [sflag:$0x3], $0x1, s5, s8, $0xb8;
	[tilespmem:$0x200] =	vst v63  }
0x43: {  	_ =	swait.ge [sflag:s13], $0x80  }
0x44: {  	[sflag:s13] =	ssyncset.done $0x0  }
0x45: {  	[sflag:s13] =	ssyncadd.s32 $0xFFFFFF80  }
.Ltmp1:
0x46: {  	_ =	swait.ge [sflag:s14], $0x80;
	(pc) =	sbr.rel @p0 .LBB2_1-.Ltmp1, $4  }
0x47: {  	[sflag:s14] =	ssyncset.done $0x0  }
0x48: {  	[sflag:s14] =	ssyncadd.s32 $0xFFFFFF80  }
0x49: {  	_ =	swait.ge [sflag:s15], $0x80  }
0x4a: {  	[sflag:s15] =	ssyncset.done $0x0  }
.LBB2_2:
0x4b: {  	[sflag:s15] =	ssyncadd.s32 $0xFFFFFF80  }
0x4c: {  	_ =	sfence.sel $0x180000  }
0x4d: {  	[bflag:$0x0] =	sbarrier.arrive $0xFFFF  }
0x4e: {  	p0 =	sne.s32 s1, $0x0;
	_ =	strace $0x9000004D  }
0x4f: {  	s0 =	sadd.s32 @!p0 $0x100000, s0;
	[bflag:$0x2] =	sbarrier.arrive $0xFFFF  }
0x50: {  	[sflag:s0] =	ssyncadd.tile.s32 @!p0 $0x1;
	_ =	shalt  }
.Lfunc_end2:
_tile_overlayer_lowered:
.L_overlay_start_2:
0x51: {  	(tag) =	ssettag $0x2  }
0x52: {  	s0 =	rddreg [dreg:$0x0];
	s2 =	stileid.u32  }
0x53: {  	s1 =	rddreg [dreg:$0x1];
	p0 =	sne.s32 s2, $0x0  }
0x54: {  	s3 =	rddreg [dreg:$0x2];
	[bflag:$0x3] =	sbarrier.arrive $0xFFFF;
	s2 =	simm.s32 @!p0 $0x1C05  }
0x55: {  	[timem:s3], [sflag:s2] =	dma.local @!p0 [hbm:s0], s1  }
0x56: {  	s0 =	simm.s32 @!p0 $0x5  }
0x57: {  	_ =	swait.ge @!p0 [sflag:s0], s1  }
0x58: {  	s1 =	ssub.s32 @!p0 $0x0, s1;
	[sflag:s0] =	ssyncset.done @!p0 $0x0  }
0x59: {  	[sflag:s0] =	ssyncadd.s32 @!p0 s1  }
0x5a: {  	[bflag:$0x3] =	sbarrier.arrive $0xFFFF  }
0x5b: {  	_ =	shalt  }

// kernel: kernel.7.cloned.1.call-start
scs
__scs_entry_jumppad:
0x0: {  	(pc) =	sbr.rel $0x88, $3  }
0x1: {  	(tag) =	ssettag $0x0;
	lr =	simm.s32 $0x1  }
0x2: {  	[smem:$0x3F9C] =	sst lr;
	_ =	strace $0xD0000000  }
0x3: {  	_ = 	snop  }
0x4: {  	_ = 	snop  }
0x5: {  	_ = 	snop  }
0x6: {  	_ = 	snop  }
0x7: {  	_ = 	snop  }
__scs_overlays_trampoline_lowered:
0x8: {  	[smem:$0x3FAB] =	sst s0  }
0x9: {  	[smem:$0x3FAC] =	sst s1  }
0xa: {  	[smem:$0x3FAD] =	sst s2  }
0xb: {  	[smem:$0x3FAE] =	sst s3  }
0xc: {  	[smem:$0x3FAF] =	sst s4  }
0xd: {  	[smem:$0x3FB0] =	sst s5  }
0xe: {  	[smem:$0x3FB1] =	sst s6  }
0xf: {  	[smem:$0x3FB2] =	sst s7  }
0x10: {  	[smem:$0x3FB3] =	sst s8  }
0x11: {  	[smem:$0x3FB4] =	sst s9;
	s0 =	simm.s32 @!p0 $0x0  }
0x12: {  	s1 =	sld [smem:$0x3F9A];
	s0 =	simm.s32 @p0 $0x1  }
0x13: {  	[smem:$0x3FB5] =	sst s0;
	s0 =	simm.s32 @!p1 $0x0  }
0x14: {  	s2 =	sld [smem:$0x3F99];
	s0 =	simm.s32 @p1 $0x1  }
0x15: {  	[smem:$0x3FB6] =	sst s0;
	s0 =	simm.s32 @!p2 $0x0  }
0x16: {  	s3 =	sld [smem:$0x3FDB];
	s0 =	simm.s32 @p2 $0x1  }
0x17: {  	s4 =	simm.s32 $0x1BF5;
	[smem:$0x3FB8] =	sst s0  }
0x18: {  	s0 =	sld [smem:$0x3F9B];
	_ =	swait.ge [sflag:s4], $0x0  }
0x19: {  	s7 =	sld [smem:$0x3F9C]  }
0x1a: {  	s8 =	sadd.s32 $0xFFFFE003, lr  }
0x1b: {  	s9 =	sadd.s32 $0xFFFFFEF7, lr;
	s5 =	simm.s32 $0xFFFFFFFF;
	p2 =	slt.u32 s8, $0xFFFFF086  }
0x1c: {  	p1 =	slt.u32 s9, $0xF7A;
	s5 =	simm.s32 @!p2 $0x0  }
0x1d: {  	s5 =	simm.s32 @p1 $0x1;
	p0 =	seq.s32 s7, s2  }
0x1e: {  	s7 =	smul.u32 @!p0 $0xF7A, s2;
	p2 =	seq.s32 @!p0 s5, $0x0  }
0x1f: {  	s9 =	smul.u32 $0xF7A, s1;
	s8 =	simm.s32 @!p0 $0x1BF5;
	p2 =	por !p2, p0  }
0x20: {  	[sflag:s8] =	ssyncset.s32 @!p0 $0xFFFFF086;
	s6 =	sadd.s32 @!p0 s3, s7;
	s7 =	simm.s32 @!p0 $0x108  }
0x21: {  	s3 =	sadd.s32 s3, s9;
	s6 =	sadd.s32 @!p0 $0x88, s6;
	s7 =	simm.s32 @p2 $0x1082  }
0x22: {  	[simem:s7], [sflag:s8] =	dma.local @!p0 [hbm:s6], $0xF7A  }
0x23: {  	s9 =	sor.u32 $0xD0000000, s2;
	s6 =	simm.s32 $0x108;
	_ =	swait.ge @!p0 [sflag:s8], $0x0  }
0x24: {  	s3 =	sadd.s32 $0x88, s3;
	s6 =	simm.s32 @!p1 $0x1082;
	[sflag:s4] =	ssyncset.s32 $0xFFFFF086  }
0x25: {  	[simem:s6], [sflag:s4] =	dma.local [hbm:s3], $0xF7A  }
0x26: {  	[smem:$0x3F9C] =	sst s1;
	(tag) =	ssettag s2;
	_ =	strace s9  }
0x27: {  	s1 =	sld [smem:$0x3FAC]  }
0x28: {  	s2 =	sld [smem:$0x3FAD]  }
0x29: {  	s4 =	sld [smem:$0x3FAF]  }
0x2a: {  	p0 =	seq.s32 s5, $0x0;
	s5 =	sld [smem:$0x3FB0]  }
0x2b: {  	s6 =	sld [smem:$0x3FB1]  }
0x2c: {  	s7 =	sld [smem:$0x3FB2]  }
0x2d: {  	s3 =	simm.s32 $0x108;
	s8 =	sld [smem:$0x3FB3]  }
0x2e: {  	s3 =	simm.s32 @!p0 $0x1082;
	s9 =	sld [smem:$0x3FB4]  }
0x2f: {  	lr =	sadd.s32 s0, s3;
	s0 =	sld [smem:$0x3FAB]  }
0x30: {  	s3 =	sld [smem:$0x3FAE]  }
0x31: {  	[smem:$0x3FB7] =	sst s10  }
0x32: {  	s10 =	sld [smem:$0x3FB5];
	_ =	sdelay $0x3  }
0x33: {  	p0 =	seq.s32 s10, $0x1;
	s10 =	sld [smem:$0x3FB7];
	_ =	sdelay $0x3  }
0x34: {  	[smem:$0x3FB7] =	sst s10  }
0x35: {  	s10 =	sld [smem:$0x3FB6];
	_ =	sdelay $0x3  }
0x36: {  	p1 =	seq.s32 s10, $0x1;
	s10 =	sld [smem:$0x3FB7];
	_ =	sdelay $0x3  }
0x37: {  	[smem:$0x3FB7] =	sst s10  }
0x38: {  	s10 =	sld [smem:$0x3FB8]  }
0x39: {  	_ = 	snop;
	(pc) =	sbr.ind lr, $3  }
0x3a: {  	_ = 	snop  }
0x3b: {  	_ = 	snop  }
0x3c: {  	p2 =	seq.s32 s10, $0x1;
	s10 =	sld [smem:$0x3FB7]  }
0x3d: {  	_ =	shalt  }
0x3e: {  	_ =	shalt  }
0x3f: {  	_ =	shalt  }
0x40: {  	_ =	shalt  }
0x41: {  	_ =	shalt  }
0x42: {  	_ =	shalt  }
0x43: {  	_ =	shalt  }
0x44: {  	_ =	shalt  }
0x45: {  	_ =	shalt  }
0x46: {  	_ =	shalt  }
0x47: {  	_ =	shalt  }
0x48: {  	_ =	shalt  }
0x49: {  	_ =	shalt  }
0x4a: {  	_ =	shalt  }
0x4b: {  	_ =	shalt  }
0x4c: {  	_ =	shalt  }
0x4d: {  	_ =	shalt  }
0x4e: {  	_ =	shalt  }
0x4f: {  	_ =	shalt  }
0x50: {  	_ =	shalt  }
0x51: {  	_ =	shalt  }
0x52: {  	_ =	shalt  }
0x53: {  	_ =	shalt  }
0x54: {  	_ =	shalt  }
0x55: {  	_ =	shalt  }
0x56: {  	_ =	shalt  }
0x57: {  	_ =	shalt  }
0x58: {  	_ =	shalt  }
0x59: {  	_ =	shalt  }
0x5a: {  	_ =	shalt  }
0x5b: {  	_ =	shalt  }
0x5c: {  	_ =	shalt  }
0x5d: {  	_ =	shalt  }
0x5e: {  	_ =	shalt  }
0x5f: {  	_ =	shalt  }
0x60: {  	_ =	shalt  }
0x61: {  	_ =	shalt  }
0x62: {  	_ =	shalt  }
0x63: {  	_ =	shalt  }
0x64: {  	_ =	shalt  }
0x65: {  	_ =	shalt  }
0x66: {  	_ =	shalt  }
0x67: {  	_ =	shalt  }
0x68: {  	_ =	shalt  }
0x69: {  	_ =	shalt  }
0x6a: {  	_ =	shalt  }
0x6b: {  	_ =	shalt  }
0x6c: {  	_ =	shalt  }
0x6d: {  	_ =	shalt  }
0x6e: {  	_ =	shalt  }
0x6f: {  	_ =	shalt  }
0x70: {  	_ =	shalt  }
0x71: {  	_ =	shalt  }
0x72: {  	_ =	shalt  }
0x73: {  	_ =	shalt  }
0x74: {  	_ =	shalt  }
0x75: {  	_ =	shalt  }
0x76: {  	_ =	shalt  }
0x77: {  	_ =	shalt  }
0x78: {  	_ =	shalt  }
0x79: {  	_ =	shalt  }
0x7a: {  	_ =	shalt  }
0x7b: {  	_ =	shalt  }
0x7c: {  	_ =	shalt  }
0x7d: {  	_ =	shalt  }
0x7e: {  	_ =	shalt  }
0x7f: {  	_ =	shalt  }
0x80: {  	_ =	shalt  }
0x81: {  	_ =	shalt  }
0x82: {  	_ =	shalt  }
0x83: {  	_ =	shalt  }
0x84: {  	_ =	shalt  }
0x85: {  	_ =	shalt  }
0x86: {  	_ =	shalt  }
0x87: {  	_ =	shalt  }
.Lfunc_end0:
.L_simem_size_0:
called_computation_lowered:
.L_overlay_start_0:
0x88: {  	s2 =	sld [smem:$0x3FD9]  }
0x89: {  	s3 =	sld [smem:$0x3FFE];
	_ =	sdelay $0x1  }
0x8a: {  	s1 =	srdreg.scid  }
0x8b: {  	s0 =	sand.u32 $0x1, s1  }
0x8c: {  	s17 =	sshll.u32 s0, $0xA;
	s2 =	sadd.s32 s3, s2  }
0x8d: {  	s2 =	sadd.s32 s2, s17  }
0x8e: {  	[smem:$0x3FC3] =	sst s2  }
0x8f: {  	_ = 	snop  }
0x90: {  	s2 =	sld [smem:$0x3FC9]  }
0x91: {  	s18 =	sld [smem:$0x3FC7]  }
0x92: {  	s4 =	sld [smem:$0x3FC6]  }
0x93: {  	s5 =	sld [smem:$0x3FC5];
	(tm) =	ssettm $0x1  }
0x94: {  	s6 =	sld [smem:$0x3FFB];
	_ =	sdelay $0x3  }
0x95: {  	_ =	strace s6  }
0x96: {  	s6 =	sld [smem:$0x3FFC];
	_ =	sdelay $0x3  }
0x97: {  	_ =	strace s6  }
0x98: {  	s6 =	sld [smem:$0x3FFD];
	_ =	sdelay $0x3  }
0x99: {  	_ =	strace s6  }
0x9a: {  	_ =	strace $0x8FFFFFFF  }
0x9b: {  	s19 =	sld [smem:$0x3FDB];
	_ =	sdelay $0x1  }
0x9c: {  	s7 =	simm.s32 $_scs_section_size  }
0x9d: {  	s8 =	simm.s32 $_size__tile_overlayer_lowered;
	s9 =	simm.s32 $_tile_overlayer_lowered  }
0x9e: {  	s22 =	simm.s32 $0x1BFF;
	s21 =	sshll.u32 s9, $0x1;
	s6 =	sadd.s32 s7, s19  }
0x9f: {  	s10 =	simm.s32 $0x0;
	s20 =	sshll.u32 s8, $0x1;
	s8 =	sadd.s32 s21, s6  }
0xa0: {  	[timem:s10], [sflag:s22] =	dma.local [hbm:s8], s20  }
0xa1: {  	_ =	swait.ge [sflag:s22], s20  }
0xa2: {  	s7 =	ssub.s32 $0x0, s20;
	[sflag:s22] =	ssyncset.done $0x0  }
0xa3: {  	[sflag:s22] =	ssyncadd.s32 s7;
	_ =	sdelay $0x1  }
0xa4: {  	s23 =	simm.s32 $0x1B8B  }
0xa5: {  	_ =	swait.ge [sflag:s23], $0x1  }
0xa6: {  	[sflag:s23] =	ssyncset.done $0x0  }
0xa7: {  	s25 =	simm.s32 $0x1B8E;
	s24 =	sld [smem:$0x3FFE];
	[sflag:s23] =	ssyncadd.s32 $0xFFFFFFFF  }
0xa8: {  	s26 =	simm.s32 $execute0_lowered;
	[smem:$0x3FD2] =	sst s25  }
0xa9: {  	s8 =	sshll.u32 s26, $0x1;
	_ =	strace $0x80000046;
	[dreg:$0x1] =	wrdreg $0xFFFFFFFF  }
0xaa: {  	s28 =	simm.s32 $_size_execute0_lowered;
	s6 =	sadd.s32 s6, s8;
	[dreg:$0x0] =	wrdreg $0x0  }
0xab: {  	s8 =	sshll.u32 s28, $0x1;
	[dreg:$0x2] =	wrdreg s6  }
0xac: {  	[dreg:$0x3] =	wrdreg s8  }
0xad: {  	[dreg:$0x4] =	wrdreg $0xC0  }
0xae: {  	_ =	task [dreg:s10], $0x5FFFF  }
0xaf: {  	[dreg:$0x1] =	wrdreg $0xFFFFFFFF  }
0xb0: {  	[dreg:$0x0] =	wrdreg $0x60  }
0xb1: {  	[dreg:$0x2] =	wrdreg s2  }
0xb2: {  	[dreg:$0x3] =	wrdreg s18  }
0xb3: {  	[dreg:$0x4] =	wrdreg s4  }
0xb4: {  	[dreg:$0x5] =	wrdreg s5  }
0xb5: {  	[dreg:$0x6] =	wrdreg s24  }
0xb6: {  	[dreg:$0x7] =	wrdreg $0x9  }
0xb7: {  	_ =	task.clear_ibuf [dreg:s10], $0x8FFFF;
	_ =	strace $0x90000046  }
0xb8: {  	s29 =	simm.s32 $0x9;
	_ =	strace $0x80000048  }
0xb9: {  	_ =	swait.ge [sflag:s29], $0x1  }
0xba: {  	[sflag:s29] =	ssyncadd.s32 $0xFFFFFFFF  }
0xbb: {  	_ =	strace $0x90000048  }
0xbc: {  	_ =	sfence  }
0xbd: {  	s30 =	sld [smem:$0x0];
	_ =	sdelay $0x2  }
0xbe: {  	s31 =	sshll.u32 s1, $0xD;
	s1 =	sshrl.u32 s1, $0x2  }
0xbf: {  	s3 =	sand.u32 $0x4000, s31;
	s1 =	sadd.s32 s1, s30  }
0xc0: {  	s0 =	sor.u32 s3, s0;
	s1 =	sshll.u32 s1, $0x11  }
0xc1: {  	s0 =	sor.u32 s1, s0  }
0xc2: {  	s0 =	sadd.s32 $0x8F2B, s0  }
0xc3: {  	[sflag:s0] =	ssyncadd.remote.s32 $0x1  }
0xc4: {  	_ =	sfence.sel $0xFFFF  }
0xc5: {  	[dreg:$0x0] =	wrdreg $0xFFFFFFFF;
	(pc) =	sbr.abs _section_cstart, $3  }
0xc6: {  	[dreg:$0x1] =	wrdreg $0xFFFFFFFF  }
0xc7: {  	_ =	task.clear_ibuf [dreg:s10], $0x2FFFF;
	_ =	strace $0x9FFFFFFF  }
0xc8: {  	(tm) =	ssettm $0x7FFFFFFF  }
0xc9: {  	_ =	shalt  }
tec
execute0_lowered:
.L_overlay_start_1:
0x0: {  	(tag) =	ssettag $0x1  }
0x1: {  	s6 =	rddreg [dreg:$0x0]  }
0x2: {  	s1 =	rddreg [dreg:$0x1]  }
0x3: {  	s3 =	rddreg [dreg:$0x2]  }
0x4: {  	s4 =	rddreg [dreg:$0x3]  }
0x5: {  	s14 =	rddreg [dreg:$0x4];
	s5 =	srdreg.scid  }
0x6: {  	s0 =	rddreg [dreg:$0x5];
	s2 =	stileid.u32;
	s15 =	sand.u32 $0x1, s5  }
0x7: {  	s5 =	simm.s32 $0x0;
	s7 =	sshll.u32 s2, $0x5;
	s8 =	sshll.u32 s15, $0x4  }
0x8: {  	[smem:$0x7FF] =	sst s5;
	s16 =	sor.u32 s8, s7  }
0x9: {  	_ =	strace $0x80000047;
	s7 =	sadd.s32 s6, s16;
	s6 =	simm.s32 $0x4  }
0xa: {  	[tilespmem:s5], [sflag:$0x4] =	stream.linear.gather [hbm4b:s7+s5], $0x80, $0x38;
	[tilespmem:$0x200] =	vst v63  }
0xb: {  	_ =	swait.ge [sflag:s6], $0x80  }
0xc: {  	[sflag:s6] =	ssyncset.done $0x0  }
0xd: {  	s8 =	simm.s32 $0x80;
	[sflag:s6] =	ssyncadd.s32 $0xFFFFFF80  }
0xe: {  	[tilespmem:s8], [sflag:$0x1] =	stream.indirect.gather [hbm4b:s1+s8], $0x1, s5, s8, $0xb8;
	[tilespmem:$0x200] =	vst v63  }
0xf: {  	s9 =	simm.s32 $0x100  }
0x10: {  	[tilespmem:s9], [sflag:$0x2] =	stream.indirect.gather [hbm4b:s3+s8], $0x1, s5, s8, $0xb8;
	[tilespmem:$0x200] =	vst v63  }
0x11: {  	s10 =	simm.s32 $0x180;
	s11 =	simm.s32 $0x1  }
0x12: {  	[tilespmem:s10], [sflag:$0x3] =	stream.indirect.gather [hbm4b:s4+s8], $0x1, s5, s8, $0xb8;
	[tilespmem:$0x200] =	vst v63  }
0x13: {  	_ =	swait.ge [sflag:s11], $0x80  }
0x14: {  	[sflag:s11] =	ssyncset.done $0x0  }
0x15: {  	s12 =	simm.s32 $0x2;
	[sflag:s11] =	ssyncadd.s32 $0xFFFFFF80  }
0x16: {  	_ =	swait.ge [sflag:s12], $0x80  }
0x17: {  	[sflag:s12] =	ssyncset.done $0x0  }
0x18: {  	s13 =	simm.s32 $0x3;
	[sflag:s12] =	ssyncadd.s32 $0xFFFFFF80  }
0x19: {  	_ =	swait.ge [sflag:s13], $0x80  }
0x1a: {  	s16 =	sadd.s32 s16, s14;
	[sflag:s13] =	ssyncset.done $0x0  }
0x1b: {  	s17 =	ssub.s32 $0x2, s15;
	s14 =	sadd.s32 $0xA00, s16;
	[sflag:s13] =	ssyncadd.s32 $0xFFFFFF80  }
0x1c: {  	[hbm4b:s14+s5] =	stream.linear.scatter [tilespmem:s8], [sflag:$0x4], $0x80, $0x38;
	[tilespmem:$0x200] =	vst v63  }
0x1d: {  	s18 =	sshrl.u32 s17, $0x1;
	_ =	swait.ge [sflag:s6], $0x80  }
0x1e: {  	s17 =	ssub.s32 s17, s18;
	[sflag:s6] =	ssyncset.done $0x0  }
0x1f: {  	s15 =	sadd.s32 $0xC00, s16;
	s17 =	smax.u32 s17, $0x1;
	[sflag:s6] =	ssyncadd.s32 $0xFFFFFF80  }
0x20: {  	[hbm4b:s15+s5] =	stream.linear.scatter [tilespmem:s9], [sflag:$0x4], $0x80, $0x38;
	[tilespmem:$0x200] =	vst v63  }
0x21: {  	p0 =	sne.s32 s17, $0x1;
	_ =	swait.ge [sflag:s6], $0x80  }
.Ltmp0:
0x22: {  	[sflag:s6] =	ssyncset.done $0x0;
	(pc) =	sbr.rel @!p0 .LBB2_2-.Ltmp0, $4  }
0x23: {  	s16 =	sadd.s32 $0xE00, s16;
	[sflag:s6] =	ssyncadd.s32 $0xFFFFFF80  }
0x24: {  	[hbm4b:s16+s5] =	stream.linear.scatter [tilespmem:s10], [sflag:$0x4], $0x80, $0x38;
	[tilespmem:$0x200] =	vst v63  }
0x25: {  	_ =	swait.ge [sflag:s6], $0x80  }
0x26: {  	s17 =	sadd.s32 $0xFFFFFFFF, s17;
	[sflag:s6] =	ssyncset.done $0x0  }
.LBB2_1:
0x27: {  	p0 =	sne.s32 s17, $0x1;
	s17 =	sadd.s32 $0xFFFFFFFF, s17;
	[sflag:s6] =	ssyncadd.s32 $0xFFFFFF80  }
0x28: {  	[tilespmem:s5], [sflag:$0x4] =	stream.linear.gather [hbm4b:s7+s5], $0x80, $0x38;
	[tilespmem:$0x200] =	vst v63  }
0x29: {  	_ =	swait.ge [sflag:s6], $0x80  }
0x2a: {  	[sflag:s6] =	ssyncset.done $0x0  }
0x2b: {  	[sflag:s6] =	ssyncadd.s32 $0xFFFFFF80  }
0x2c: {  	[tilespmem:s8], [sflag:$0x1] =	stream.indirect.gather [hbm4b:s1+s8], $0x1, s5, s8, $0xb8;
	[tilespmem:$0x200] =	vst v63  }
0x2d: {  	_ = 	snop  }
0x2e: {  	[tilespmem:s9], [sflag:$0x2] =	stream.indirect.gather [hbm4b:s3+s8], $0x1, s5, s8, $0xb8;
	[tilespmem:$0x200] =	vst v63  }
0x2f: {  	_ = 	snop  }
0x30: {  	[tilespmem:s10], [sflag:$0x3] =	stream.indirect.gather [hbm4b:s4+s8], $0x1, s5, s8, $0xb8;
	[tilespmem:$0x200] =	vst v63  }
0x31: {  	_ =	swait.ge [sflag:s11], $0x80  }
0x32: {  	[sflag:s11] =	ssyncset.done $0x0  }
0x33: {  	[sflag:s11] =	ssyncadd.s32 $0xFFFFFF80  }
0x34: {  	_ =	swait.ge [sflag:s12], $0x80  }
0x35: {  	[sflag:s12] =	ssyncset.done $0x0  }
0x36: {  	[sflag:s12] =	ssyncadd.s32 $0xFFFFFF80  }
0x37: {  	_ =	swait.ge [sflag:s13], $0x80  }
0x38: {  	[sflag:s13] =	ssyncset.done $0x0  }
0x39: {  	[sflag:s13] =	ssyncadd.s32 $0xFFFFFF80  }
0x3a: {  	[hbm4b:s14+s5] =	stream.linear.scatter [tilespmem:s8], [sflag:$0x4], $0x80, $0x38;
	[tilespmem:$0x200] =	vst v63  }
0x3b: {  	_ =	swait.ge [sflag:s6], $0x80  }
0x3c: {  	[sflag:s6] =	ssyncset.done $0x0  }
0x3d: {  	[sflag:s6] =	ssyncadd.s32 $0xFFFFFF80  }
0x3e: {  	[hbm4b:s15+s5] =	stream.linear.scatter [tilespmem:s9], [sflag:$0x4], $0x80, $0x38;
	[tilespmem:$0x200] =	vst v63  }
0x3f: {  	_ =	swait.ge [sflag:s6], $0x80  }
.Ltmp1:
0x40: {  	[sflag:s6] =	ssyncset.done $0x0;
	(pc) =	sbr.rel @p0 .LBB2_1-.Ltmp1, $4  }
0x41: {  	[sflag:s6] =	ssyncadd.s32 $0xFFFFFF80  }
0x42: {  	[hbm4b:s16+s5] =	stream.linear.scatter [tilespmem:s10], [sflag:$0x4], $0x80, $0x38;
	[tilespmem:$0x200] =	vst v63  }
0x43: {  	_ =	swait.ge [sflag:s6], $0x80  }
0x44: {  	[sflag:s6] =	ssyncset.done $0x0  }
.LBB2_2:
0x45: {  	[sflag:s6] =	ssyncadd.s32 $0xFFFFFF80  }
0x46: {  	_ =	sfence.sel $0x180000  }
0x47: {  	[bflag:$0x0] =	sbarrier.arrive $0xFFFF  }
0x48: {  	p0 =	sne.s32 s2, $0x0;
	_ =	strace $0x90000047  }
0x49: {  	s0 =	sadd.s32 @!p0 $0x100000, s0;
	[bflag:$0x2] =	sbarrier.arrive $0xFFFF  }
0x4a: {  	[sflag:s0] =	ssyncadd.tile.s32 @!p0 $0x1;
	_ =	shalt  }
.Lfunc_end2:
_tile_overlayer_lowered:
.L_overlay_start_2:
0x4b: {  	(tag) =	ssettag $0x2  }
0x4c: {  	s0 =	rddreg [dreg:$0x0];
	s2 =	stileid.u32  }
0x4d: {  	s1 =	rddreg [dreg:$0x1];
	p0 =	sne.s32 s2, $0x0  }
0x4e: {  	s3 =	rddreg [dreg:$0x2];
	[bflag:$0x3] =	sbarrier.arrive $0xFFFF;
	s2 =	simm.s32 @!p0 $0x1C04  }
0x4f: {  	[timem:s3], [sflag:s2] =	dma.local @!p0 [hbm:s0], s1  }
0x50: {  	s0 =	simm.s32 @!p0 $0x4  }
0x51: {  	_ =	swait.ge @!p0 [sflag:s0], s1  }
0x52: {  	s1 =	ssub.s32 @!p0 $0x0, s1;
	[sflag:s0] =	ssyncset.done @!p0 $0x0  }
0x53: {  	[sflag:s0] =	ssyncadd.s32 @!p0 s1  }
0x54: {  	[bflag:$0x3] =	sbarrier.arrive $0xFFFF  }
0x55: {  	_ =	shalt  }

</sc_bundles>
